<compile_context>
chip_gen: v7x
topology: tpu7x:2x2x1
jax: 0.10.2.dev20260603
libtpu: 0.0.44.dev20260713+nightly
codegen_flags: <defaults>
</compile_context>

<pallas_src>
import functools

import jax
import jax.numpy as jnp
from jax import lax
from jax.experimental import pallas as pl
from jax.experimental.pallas import tpu as pltpu
from jax.experimental.pallas import tpu_sc as plsc

_B, _C, _N, _K = 4, 128, 2048, 9
_BH = _B // 2
_RK = 1024
_TK = _N // _RK
_RN = 256
_T = _N // _RN
_F32 = jnp.float32

_NC, _NS = 2, 16
_NW = _NC * _NS
_GH = _BH * _N * _K
_CH = 128
_NCH = _GH // _CH // _NW
_SLAB = 16


def _dot(a, b):
    return lax.dot_general(a, b, (((1,), (0,)), ((), ())),
                           preferred_element_type=_F32)


def _topk_body(xt_ref, xa_ref, idx_ref, *, b_off):
    b = pl.program_id(0)
    xt = xt_ref[0]
    xa = xa_ref[0]
    s = lax.dot_general(xt, xa, (((1,), (1,)), ((), ())),
                        preferred_element_type=_F32)
    s3 = s.reshape(_RK // 128, 128, _N)
    xt3 = xt.reshape(_RK // 128, 128, _C)
    xx_t = jnp.sum(xt3 * xt3, axis=2, keepdims=True)
    xx_a = jnp.sum(xa * xa, axis=1)
    p = (-xx_t + 2.0 * s3) - xx_a[None, None, :]
    ncol = -lax.broadcasted_iota(jnp.int32, p.shape, 2).astype(_F32)
    base = (b + b_off) * _N
    for i in range(_K):
        m = jnp.max(p, axis=2, keepdims=True)
        namax = jnp.max(jnp.where(p == m, ncol, -_F32(_N)), axis=2)
        idx_ref[i] = (-namax).astype(jnp.int32) + base
        if i + 1 < _K:
            p = jnp.where(ncol == namax[:, :, None], -jnp.inf, p)


def _topk_half(x_t, b_off):
    return pl.pallas_call(
        functools.partial(_topk_body, b_off=b_off),
        grid=(_BH, _TK),
        in_specs=[
            pl.BlockSpec((1, _RK, _C), lambda b, t: (b + b_off, t, 0)),
            pl.BlockSpec((1, _N, _C), lambda b, t: (b + b_off, 0, 0)),
        ],
        out_specs=pl.BlockSpec((_K, _RK // 128, 128),
                               lambda b, t: (0, b * _TK + t, 0)),
        out_shape=jax.ShapeDtypeStruct((_K, _BH * _N // 128, 128), jnp.int32),
        compiler_params=pltpu.CompilerParams(
            dimension_semantics=("parallel", "arbitrary")),
    )(x_t, x_t)


_NBUF = 2


def _gather_body(table_ref, idx_ref, out_ref, idxv, rows, *sems):
    cid = lax.axis_index("c")
    sid = lax.axis_index("s")
    wid = sid * _NC + cid
    base = wid * _NCH
    aligned = (base // 8) * 8
    loc = base - aligned
    pltpu.sync_copy(idx_ref.at[pl.ds(aligned, _SLAB)], idxv)
    cps = [pltpu.async_copy(table_ref.at[idxv.at[loc + ci]],
                            rows.at[ci], sems[ci])
           for ci in range(_NBUF)]
    for ci in range(_NCH):
        cur = ci % _NBUF
        cps[cur].wait()
        nxt = ci + _NBUF
        if nxt < _NCH:
            cps[cur] = pltpu.async_copy(table_ref.at[idxv.at[loc + nxt]],
                                        rows.at[cur], sems[cur])
        pltpu.sync_copy(rows.at[cur],
                        out_ref.at[pl.ds((base + ci) * _CH, _CH)])


def _gather_rows(table, idx2d):
    mesh = plsc.VectorSubcoreMesh(core_axis_name="c", subcore_axis_name="s")
    run = pl.kernel(
        _gather_body,
        out_type=jax.ShapeDtypeStruct((_GH, _C), _F32),
        mesh=mesh,
        scratch_types=[
            pltpu.VMEM((_SLAB, _CH), jnp.int32),
            pltpu.VMEM((_NBUF, _CH, _C), _F32),
        ] + [pltpu.SemaphoreType.DMA] * _NBUF,
    )
    return run(table, idx2d)


def _conv1_body(x_ref, f_ref, wx_ref, wd_ref, b1_ref, y_ref, st_ref):
    x = x_ref[0]
    xw = _dot(x, wx_ref[...]) + b1_ref[0][None, :]
    acc_s = jnp.zeros((_C,), _F32)
    acc_q = jnp.zeros((_C,), _F32)
    for p_ in range(3):
        y = xw
        for j in range(3):
            q = 3 * p_ + j
            d = x - f_ref[q, 0]
            dd = d - jnp.abs(d)
            y = y + _dot(dd, wd_ref[j])
        y_ref[0, :, p_ * _C:(p_ + 1) * _C] = y
        acc_s = acc_s + jnp.sum(y, axis=0)
        acc_q = acc_q + jnp.sum(y * y, axis=0)
    st_ref[0, 0, 0, :] = acc_s
    st_ref[0, 0, 1, :] = acc_q


def _conv1_half(x_t, feat, wx, wd, b1, b_off):
    return pl.pallas_call(
        _conv1_body,
        grid=(_BH, _T),
        in_specs=[
            pl.BlockSpec((1, _RN, _C), lambda b, t: (b + b_off, t, 0)),
            pl.BlockSpec((_K, 1, _RN, _C), lambda b, t: (0, b, t, 0)),
            pl.BlockSpec((_C, _C), lambda b, t: (0, 0)),
            pl.BlockSpec((3, _C, _C), lambda b, t: (0, 0, 0)),
            pl.BlockSpec((1, _C), lambda b, t: (0, 0)),
        ],
        out_specs=[
            pl.BlockSpec((1, _RN, 3 * _C), lambda b, t: (b, t, 0)),
            pl.BlockSpec((1, 1, 2, _C), lambda b, t: (b, t, 0, 0)),
        ],
        out_shape=[
            jax.ShapeDtypeStruct((_BH, _N, 3 * _C), _F32),
            jax.ShapeDtypeStruct((_BH, _T, 2, _C), _F32),
        ],
        compiler_params=pltpu.CompilerParams(
            dimension_semantics=("parallel", "arbitrary")),
    )(x_t, feat, wx, wd, b1)


def _conv2_body(y1_ref, sta_ref, stb_ref, g1_ref, be1_ref, w2_ref, b2_ref,
                y2_ref, st2_ref):
    sta = sta_ref[...]
    stb = stb_ref[...]
    cnt = _F32(_B * _N * 3)
    s = jnp.sum(sta[:, :, 0, :], axis=(0, 1)) + jnp.sum(stb[:, :, 0, :], axis=(0, 1))
    q = jnp.sum(sta[:, :, 1, :], axis=(0, 1)) + jnp.sum(stb[:, :, 1, :], axis=(0, 1))
    mean = s / cnt
    var = q / cnt - mean * mean
    sc = g1_ref[0] * lax.rsqrt(var + 1e-5)
    sh = be1_ref[0] - mean * sc
    y1 = y1_ref[0]
    y = jnp.broadcast_to(b2_ref[0][None, :], (_RN, _C))
    for j in range(3):
        z = y1[:, j * _C:(j + 1) * _C] * sc[None, :] + sh[None, :]
        z = jnp.maximum(z, 0.0)
        y = y + _dot(z, w2_ref[j])
    y2_ref[0] = y
    st2_ref[0, 0, 0, :] = jnp.sum(y, axis=0)
    st2_ref[0, 0, 1, :] = jnp.sum(y * y, axis=0)


def _conv2_half(y1, st1a, st1b, g1, be1, w2, b2):
    return pl.pallas_call(
        _conv2_body,
        grid=(_BH, _T),
        in_specs=[
            pl.BlockSpec((1, _RN, 3 * _C), lambda b, t: (b, t, 0)),
            pl.BlockSpec((_BH, _T, 2, _C), lambda b, t: (0, 0, 0, 0)),
            pl.BlockSpec((_BH, _T, 2, _C), lambda b, t: (0, 0, 0, 0)),
            pl.BlockSpec((1, _C), lambda b, t: (0, 0)),
            pl.BlockSpec((1, _C), lambda b, t: (0, 0)),
            pl.BlockSpec((3, _C, _C), lambda b, t: (0, 0, 0)),
            pl.BlockSpec((1, _C), lambda b, t: (0, 0)),
        ],
        out_specs=[
            pl.BlockSpec((1, _RN, _C), lambda b, t: (b, t, 0)),
            pl.BlockSpec((1, 1, 2, _C), lambda b, t: (b, t, 0, 0)),
        ],
        out_shape=[
            jax.ShapeDtypeStruct((_BH, _N, _C), _F32),
            jax.ShapeDtypeStruct((_BH, _T, 2, _C), _F32),
        ],
        compiler_params=pltpu.CompilerParams(
            dimension_semantics=("parallel", "arbitrary")),
    )(y1, st1a, st1b, g1, be1, w2, b2)


def _bn2_body(y2_ref, sta_ref, stb_ref, g2_ref, be2_ref, out_ref):
    sta = sta_ref[...]
    stb = stb_ref[...]
    cnt = _F32(_B * _N)
    s = jnp.sum(sta[:, :, 0, :], axis=(0, 1)) + jnp.sum(stb[:, :, 0, :], axis=(0, 1))
    q = jnp.sum(sta[:, :, 1, :], axis=(0, 1)) + jnp.sum(stb[:, :, 1, :], axis=(0, 1))
    mean = s / cnt
    var = q / cnt - mean * mean
    sc = g2_ref[0] * lax.rsqrt(var + 1e-5)
    sh = be2_ref[0] - mean * sc
    z = jnp.maximum(y2_ref[0] * sc[None, :] + sh[None, :], 0.0)
    out_ref[0] = z.T


def _bn2_half(y2, st2a, st2b, g2, be2):
    return pl.pallas_call(
        _bn2_body,
        grid=(_BH, _T),
        in_specs=[
            pl.BlockSpec((1, _RN, _C), lambda b, t: (b, t, 0)),
            pl.BlockSpec((_BH, _T, 2, _C), lambda b, t: (0, 0, 0, 0)),
            pl.BlockSpec((_BH, _T, 2, _C), lambda b, t: (0, 0, 0, 0)),
            pl.BlockSpec((1, _C), lambda b, t: (0, 0)),
            pl.BlockSpec((1, _C), lambda b, t: (0, 0)),
        ],
        out_specs=pl.BlockSpec((1, _C, _RN), lambda b, t: (b, 0, t)),
        out_shape=jax.ShapeDtypeStruct((_BH, _C, _N), _F32),
        compiler_params=pltpu.CompilerParams(
            dimension_semantics=("parallel", "arbitrary")),
    )(y2, st2a, st2b, g2, be2)


@jax.jit
def kernel(features, W1, b1, g1, be1, W2, b2, g2, be2):
    x_t = jnp.transpose(features.reshape(_B, _C, _N), (0, 2, 1))
    table = x_t.reshape(_B * _N, _C)

    w1 = W1.reshape(_C, 2 * _C, 3)
    wx = jnp.transpose(jnp.sum(w1[:, :_C, :], axis=2))
    wd = jnp.transpose(w1[:, _C:, :], (2, 1, 0))
    w2 = jnp.transpose(W2.reshape(_C, _C, 3), (2, 1, 0))
    b1r = b1.reshape(1, _C)

    idxs, feats = [], []
    for h in range(2):
        idx = _topk_half(x_t, h * _BH)
        idxs.append(idx)
    for h in range(2):
        idx2d = idxs[h].reshape(_GH // _CH, _CH)
        feat = _gather_rows(table, idx2d)
        feats.append(feat.reshape(_K, _BH, _N, _C))

    y1s, st1s = [], []
    for h in range(2):
        y1, st1 = _conv1_half(x_t, feats[h], wx, wd, b1r, h * _BH)
        y1s.append(y1)
        st1s.append(st1)

    g1r, be1r = g1.reshape(1, _C), be1.reshape(1, _C)
    b2r = b2.reshape(1, _C)
    y2s, st2s = [], []
    for h in range(2):
        y2, st2 = _conv2_half(y1s[h], st1s[0], st1s[1], g1r, be1r, w2, b2r)
        y2s.append(y2)
        st2s.append(st2)

    g2r, be2r = g2.reshape(1, _C), be2.reshape(1, _C)
    outs = [_bn2_half(y2s[h], st2s[0], st2s[1], g2r, be2r) for h in range(2)]
    return jnp.concatenate(outs, axis=0)[:, :, :, None]

# --- scband reference (transcript-rebuilt; emitter-appended) ---
"""Pipeline reference for scband-dgcnn-block-29807073034429 (READ-ONLY COPY).

The authoritative reference and input builder live on the scoring server;
editing this copy changes nothing except your own understanding.
"""

import jax, jax.numpy as jnp
import numpy as np


def _conv2d(x, W, b, stride):
    out = jax.lax.conv_general_dilated(x, W, window_strides=stride, padding='VALID', dimension_numbers=('NCHW', 'OIHW', 'NCHW'))
    return out + b[None, :, None, None]


def _bn_relu(x, g, be):
    mean = jnp.mean(x, axis=(0, 2, 3), keepdims=True)
    var = jnp.var(x, axis=(0, 2, 3), keepdims=True)
    y = g[None, :, None, None] * (x - mean) / jnp.sqrt(var + 1e-5) + be[None, :, None, None]
    return jax.nn.relu(y)


def setup_inputs(seed: int = 0):
    key = jax.random.key(seed)
    ks = jax.random.split(key, 4)
    B, C, N = 4, 128, 2048
    features = jax.random.normal(ks[0], (B, C, N, 1), dtype=jnp.float32)
    W1 = jax.random.normal(ks[1], (C, 2 * C, 1, 3), dtype=jnp.float32) * 0.05
    b1 = jnp.zeros((C,), dtype=jnp.float32)
    g1 = jnp.ones((C,), dtype=jnp.float32)
    be1 = jnp.zeros((C,), dtype=jnp.float32)
    W2 = jax.random.normal(ks[2], (C, C, 1, 3), dtype=jnp.float32) * 0.05
    b2 = jnp.zeros((C,), dtype=jnp.float32)
    g2 = jnp.ones((C,), dtype=jnp.float32)
    be2 = jnp.zeros((C,), dtype=jnp.float32)
    return {"features": features, "W1": W1, "b1": b1, "g1": g1, "be1": be1, "W2": W2, "b2": b2, "g2": g2, "be2": be2}


def reference(features, W1, b1, g1, be1, W2, b2, g2, be2):
    k = 9
    B, C, N, _ = features.shape
    x = features.reshape(B, C, N)
    # feature_space_search: pairwise (negative squared) distances + top-k neighbor indices
    inner = -2.0 * jnp.matmul(jnp.transpose(x, (0, 2, 1)), x)
    xx = jnp.sum(x ** 2, axis=1, keepdims=True)
    pairwise = -xx - inner - jnp.transpose(xx, (0, 2, 1))
    _, idx = jax.lax.top_k(pairwise, k)  # [B, N, k]
    # gather neighbor features
    x_t = jnp.transpose(x, (0, 2, 1))  # [B, N, C]
    batch_idx = jnp.arange(B)[:, None, None]
    feature = x_t[batch_idx, idx]  # [B, N, k, C]
    x_rep = jnp.broadcast_to(x_t[:, :, None, :], (B, N, k, C))
    d = x_rep - feature
    out = jnp.concatenate([x_rep, d - jnp.abs(d)], axis=3)  # [B, N, k, 2C]
    out = jnp.transpose(out, (0, 3, 1, 2))  # [B, 2C, N, k]
    # conv_annular (knn_num==9 branch), BatchNorm in training mode
    out = _bn_relu(_conv2d(out, W1, b1, (1, 3)), g1, be1)  # [B, C, N, 3]
    out = _bn_relu(_conv2d(out, W2, b2, (1, 1)), g2, be2)  # [B, C, N, 1]
    return out

if __name__ == "__main__":
    import jax
    _d = setup_inputs()
    print(jax.jit(kernel)(*tuple(_d.values())))

</pallas_src>

<mosaic_0001>
#map = affine_map<(d0, d1) -> (0, 0)>
module attributes {stable_mosaic.version = 14 : i64} {
  func.func @_gather_body(%arg0: i32, %arg1: i32, %arg2: memref<8192x128xf32, #tpu.memory_space<hbm>>, %arg3: memref<288x128xi32, #tpu.memory_space<hbm>>, %arg4: memref<36864x128xf32, #tpu.memory_space<hbm>>, %arg5: memref<16x128xi32, #tpu.memory_space<vmem>>, %arg6: memref<2x128x128xf32, #tpu.memory_space<vmem>>, %arg7: memref<!tpu.dma_semaphore, #tpu.memory_space<semaphore_mem>>, %arg8: memref<!tpu.dma_semaphore, #tpu.memory_space<semaphore_mem>>) attributes {dimension_semantics = [#tpu.dimension_semantics<core_parallel>, #tpu.dimension_semantics<subcore_parallel>], iteration_bounds = array<i64: 2, 16>, scalar_prefetch = 0 : i64, scratch_operands = 4 : i64, tpu.core_type = #tpu.core_type<sc_vector_subcore>, window_params = [{transform_indices = #map}, {transform_indices = #map}, {transform_indices = #map}]} {
    %mul3A = arith.constant 2 : i32
    %mul3A_0 = arith.muli %arg1, %mul3A : i32
    %add3A = arith.addi %mul3A_0, %arg0 : i32
    %mul3A_1 = arith.constant 9 : i32
    %mul3A_2 = arith.muli %add3A, %mul3A_1 : i32
    %jit3A = arith.constant 8 : i32
    %div3A = arith.divsi %mul3A_2, %jit3A : i32
    %sign3A = arith.constant 0 : i32
    %sign3A_3 = arith.cmpi sgt, %mul3A_2, %sign3A : i32
    %sign3A_4 = arith.extui %sign3A_3 : i1 to i32
    %sign3A_5 = arith.constant 0 : i32
    %sign3A_6 = arith.cmpi slt, %mul3A_2, %sign3A_5 : i32
    %sign3A_7 = arith.extui %sign3A_6 : i1 to i32
    %sign3A_8 = arith.subi %sign3A_4, %sign3A_7 : i32
    %sign3A_9 = arith.constant 0 : i32
    %sign3A_10 = arith.cmpi sgt, %jit3A, %sign3A_9 : i32
    %sign3A_11 = arith.extui %sign3A_10 : i1 to i32
    %sign3A_12 = arith.constant 0 : i32
    %sign3A_13 = arith.cmpi slt, %jit3A, %sign3A_12 : i32
    %sign3A_14 = arith.extui %sign3A_13 : i1 to i32
    %sign3A_15 = arith.subi %sign3A_11, %sign3A_14 : i32
    %ne3A = arith.cmpi ne, %sign3A_8, %sign3A_15 : i32
    %rem3A = arith.remsi %mul3A_2, %jit3A : i32
    %ne3A_16 = arith.constant 0 : i32
    %ne3A_17 = arith.cmpi ne, %rem3A, %ne3A_16 : i32
    %and3A = arith.andi %ne3A, %ne3A_17 : i1
    %sub3A = arith.constant 1 : i32
    %sub3A_18 = arith.subi %div3A, %sub3A : i32
    %select_n3A = arith.select %and3A, %sub3A_18, %div3A : i32
    %mul3A_19 = arith.constant 8 : i32
    %mul3A_20 = arith.muli %select_n3A, %mul3A_19 : i32
    %sub3A_21 = arith.subi %mul3A_2, %mul3A_20 : i32
    "tpu.region"() ({
      %run_scoped3A_280 = tpu.sem_alloc : memref<!tpu.dma_semaphore, #tpu.memory_space<semaphore_mem>>
      %dma_start3A_281 = arith.constant 0 : i32
      %dma_start3A_282 = tpu.memref_slice %arg3[%mul3A_20, %dma_start3A_281] : memref<288x128xi32, #tpu.memory_space<hbm>> -> memref<16x128xi32, #tpu.memory_space<hbm>>
      %dma_start3A_283 = arith.constant 0 : i32
      %dma_start3A_284 = tpu.memref_slice %arg3[%mul3A_20, %dma_start3A_283] : memref<288x128xi32, #tpu.memory_space<hbm>> -> memref<16x128xi32, #tpu.memory_space<hbm>>
      tpu.enqueue_dma source(%dma_start3A_284 : memref<16x128xi32, #tpu.memory_space<hbm>>) target(%arg5 : memref<16x128xi32, #tpu.memory_space<vmem>>) target_semaphore(%run_scoped3A_280 : memref<!tpu.dma_semaphore, #tpu.memory_space<semaphore_mem>>)
      %dma_wait3A_285 = arith.constant 0 : i32
      %dma_wait3A_286 = tpu.memref_slice %arg3[%mul3A_20, %dma_wait3A_285] : memref<288x128xi32, #tpu.memory_space<hbm>> -> memref<16x128xi32, #tpu.memory_space<hbm>>
      %dma_wait3A_287 = arith.constant 0 : i32
      %dma_wait3A_288 = tpu.memref_slice %arg3[%mul3A_20, %dma_wait3A_287] : memref<288x128xi32, #tpu.memory_space<hbm>> -> memref<16x128xi32, #tpu.memory_space<hbm>>
      tpu.wait_dma2 semaphore(%run_scoped3A_280 : memref<!tpu.dma_semaphore, #tpu.memory_space<semaphore_mem>>) src(%dma_wait3A_288 : memref<16x128xi32, #tpu.memory_space<hbm>>) dst(%arg5 : memref<16x128xi32, #tpu.memory_space<vmem>>)
      tpu.yield
    }) : () -> ()
    %add3A_22 = arith.constant 0 : i32
    %add3A_23 = arith.addi %sub3A_21, %add3A_22 : i32
    %dma_start3A = arith.constant 0 : i32
    %dma_start3A_24 = arith.constant 0 : i32
    %dma_start3A_25 = arith.constant 0 : i32
    %dma_start3A_26 = tpu.memref_slice %arg6[%dma_start3A, %dma_start3A_24, %dma_start3A_25] : memref<2x128x128xf32, #tpu.memory_space<vmem>> -> memref<1x128x128xf32, #tpu.memory_space<vmem>>
    %dma_start3A_27 = tpu.memref_squeeze %dma_start3A_26 : memref<1x128x128xf32, #tpu.memory_space<vmem>> -> memref<128x128xf32, #tpu.memory_space<vmem>>
    %dma_start3A_28 = arith.constant 0 : i32
    %dma_start3A_29 = tpu.memref_slice %arg5[%add3A_23, %dma_start3A_28] : memref<16x128xi32, #tpu.memory_space<vmem>> -> memref<1x128xi32, #tpu.memory_space<vmem>>
    %dma_start3A_30 = tpu.memref_squeeze %dma_start3A_29 : memref<1x128xi32, #tpu.memory_space<vmem>> -> memref<128xi32, #tpu.memory_space<vmem>>
    %dma_start3A_31 = arith.constant 0 : i32
    %dma_start3A_32 = arith.constant 0 : i32
    %dma_start3A_33 = tpu.memref_slice %arg2[%dma_start3A_31, %dma_start3A_32] : memref<8192x128xf32, #tpu.memory_space<hbm>> -> memref<8192x128xf32, #tpu.memory_space<hbm>>
    tpu.enqueue_indirect_dma source(%dma_start3A_33 : memref<8192x128xf32, #tpu.memory_space<hbm>>) target(%dma_start3A_27 : memref<128x128xf32, #tpu.memory_space<vmem>>) offsets(%dma_start3A_30 : memref<128xi32, #tpu.memory_space<vmem>>) semaphore(%arg7 : memref<!tpu.dma_semaphore, #tpu.memory_space<semaphore_mem>>)
    %add3A_34 = arith.constant 1 : i32
    %add3A_35 = arith.addi %sub3A_21, %add3A_34 : i32
    %dma_start3A_36 = arith.constant 1 : i32
    %dma_start3A_37 = arith.constant 0 : i32
    %dma_start3A_38 = arith.constant 0 : i32
    %dma_start3A_39 = tpu.memref_slice %arg6[%dma_start3A_36, %dma_start3A_37, %dma_start3A_38] : memref<2x128x128xf32, #tpu.memory_space<vmem>> -> memref<1x128x128xf32, #tpu.memory_space<vmem>>
    %dma_start3A_40 = tpu.memref_squeeze %dma_start3A_39 : memref<1x128x128xf32, #tpu.memory_space<vmem>> -> memref<128x128xf32, #tpu.memory_space<vmem>>
    %dma_start3A_41 = arith.constant 0 : i32
    %dma_start3A_42 = tpu.memref_slice %arg5[%add3A_35, %dma_start3A_41] : memref<16x128xi32, #tpu.memory_space<vmem>> -> memref<1x128xi32, #tpu.memory_space<vmem>>
    %dma_start3A_43 = tpu.memref_squeeze %dma_start3A_42 : memref<1x128xi32, #tpu.memory_space<vmem>> -> memref<128xi32, #tpu.memory_space<vmem>>
    %dma_start3A_44 = arith.constant 0 : i32
    %dma_start3A_45 = arith.constant 0 : i32
    %dma_start3A_46 = tpu.memref_slice %arg2[%dma_start3A_44, %dma_start3A_45] : memref<8192x128xf32, #tpu.memory_space<hbm>> -> memref<8192x128xf32, #tpu.memory_space<hbm>>
    tpu.enqueue_indirect_dma source(%dma_start3A_46 : memref<8192x128xf32, #tpu.memory_space<hbm>>) target(%dma_start3A_40 : memref<128x128xf32, #tpu.memory_space<vmem>>) offsets(%dma_start3A_43 : memref<128xi32, #tpu.memory_space<vmem>>) semaphore(%arg8 : memref<!tpu.dma_semaphore, #tpu.memory_space<semaphore_mem>>)
    %dma_wait3A = arith.constant 0 : i32
    %dma_wait3A_47 = arith.constant 0 : i32
    %dma_wait3A_48 = arith.constant 0 : i32
    %dma_wait3A_49 = tpu.memref_slice %arg6[%dma_wait3A, %dma_wait3A_47, %dma_wait3A_48] : memref<2x128x128xf32, #tpu.memory_space<vmem>> -> memref<1x128x128xf32, #tpu.memory_space<vmem>>
    %dma_wait3A_50 = tpu.memref_squeeze %dma_wait3A_49 : memref<1x128x128xf32, #tpu.memory_space<vmem>> -> memref<128x128xf32, #tpu.memory_space<vmem>>
    %dma_wait3A_51 = arith.constant 0 : i32
    %dma_wait3A_52 = tpu.memref_slice %arg5[%add3A_23, %dma_wait3A_51] : memref<16x128xi32, #tpu.memory_space<vmem>> -> memref<1x128xi32, #tpu.memory_space<vmem>>
    %dma_wait3A_53 = tpu.memref_squeeze %dma_wait3A_52 : memref<1x128xi32, #tpu.memory_space<vmem>> -> memref<128xi32, #tpu.memory_space<vmem>>
    %dma_wait3A_54 = arith.constant 0 : i32
    %dma_wait3A_55 = arith.constant 0 : i32
    %dma_wait3A_56 = tpu.memref_slice %arg2[%dma_wait3A_54, %dma_wait3A_55] : memref<8192x128xf32, #tpu.memory_space<hbm>> -> memref<8192x128xf32, #tpu.memory_space<hbm>>
    tpu.wait_indirect_dma semaphore(%arg7 : memref<!tpu.dma_semaphore, #tpu.memory_space<semaphore_mem>>) src(%dma_wait3A_56 : memref<8192x128xf32, #tpu.memory_space<hbm>>) dst(%dma_wait3A_50 : memref<128x128xf32, #tpu.memory_space<vmem>>)
    %add3A_57 = arith.constant 2 : i32
    %add3A_58 = arith.addi %sub3A_21, %add3A_57 : i32
    %dma_start3A_59 = arith.constant 0 : i32
    %dma_start3A_60 = arith.constant 0 : i32
    %dma_start3A_61 = arith.constant 0 : i32
    %dma_start3A_62 = tpu.memref_slice %arg6[%dma_start3A_59, %dma_start3A_60, %dma_start3A_61] : memref<2x128x128xf32, #tpu.memory_space<vmem>> -> memref<1x128x128xf32, #tpu.memory_space<vmem>>
    %dma_start3A_63 = tpu.memref_squeeze %dma_start3A_62 : memref<1x128x128xf32, #tpu.memory_space<vmem>> -> memref<128x128xf32, #tpu.memory_space<vmem>>
    %dma_start3A_64 = arith.constant 0 : i32
    %dma_start3A_65 = tpu.memref_slice %arg5[%add3A_58, %dma_start3A_64] : memref<16x128xi32, #tpu.memory_space<vmem>> -> memref<1x128xi32, #tpu.memory_space<vmem>>
    %dma_start3A_66 = tpu.memref_squeeze %dma_start3A_65 : memref<1x128xi32, #tpu.memory_space<vmem>> -> memref<128xi32, #tpu.memory_space<vmem>>
    %dma_start3A_67 = arith.constant 0 : i32
    %dma_start3A_68 = arith.constant 0 : i32
    %dma_start3A_69 = tpu.memref_slice %arg2[%dma_start3A_67, %dma_start3A_68] : memref<8192x128xf32, #tpu.memory_space<hbm>> -> memref<8192x128xf32, #tpu.memory_space<hbm>>
    tpu.enqueue_indirect_dma source(%dma_start3A_69 : memref<8192x128xf32, #tpu.memory_space<hbm>>) target(%dma_start3A_63 : memref<128x128xf32, #tpu.memory_space<vmem>>) offsets(%dma_start3A_66 : memref<128xi32, #tpu.memory_space<vmem>>) semaphore(%arg7 : memref<!tpu.dma_semaphore, #tpu.memory_space<semaphore_mem>>)
    %add3A_70 = arith.constant 0 : i32
    %add3A_71 = arith.addi %mul3A_2, %add3A_70 : i32
    %mul3A_72 = arith.constant 128 : i32
    %mul3A_73 = arith.muli %add3A_71, %mul3A_72 : i32
    %run_scoped3A = arith.constant 0 : i32
    "tpu.region"() ({
      %run_scoped3A_280 = tpu.sem_alloc : memref<!tpu.dma_semaphore, #tpu.memory_space<semaphore_mem>>
      %dma_start3A_281 = arith.constant 0 : i32
      %dma_start3A_282 = arith.constant 0 : i32
      %dma_start3A_283 = tpu.memref_slice %arg6[%run_scoped3A, %dma_start3A_281, %dma_start3A_282] : memref<2x128x128xf32, #tpu.memory_space<vmem>> -> memref<1x128x128xf32, #tpu.memory_space<vmem>>
      %dma_start3A_284 = tpu.memref_squeeze %dma_start3A_283 : memref<1x128x128xf32, #tpu.memory_space<vmem>> -> memref<128x128xf32, #tpu.memory_space<vmem>>
      %dma_start3A_285 = arith.constant 0 : i32
      %dma_start3A_286 = tpu.memref_slice %arg4[%mul3A_73, %dma_start3A_285] : memref<36864x128xf32, #tpu.memory_space<hbm>> -> memref<128x128xf32, #tpu.memory_space<hbm>>
      %dma_start3A_287 = arith.constant 0 : i32
      %dma_start3A_288 = tpu.memref_slice %arg4[%mul3A_73, %dma_start3A_287] : memref<36864x128xf32, #tpu.memory_space<hbm>> -> memref<128x128xf32, #tpu.memory_space<hbm>>
      %dma_start3A_289 = arith.constant 0 : i32
      %dma_start3A_290 = arith.constant 0 : i32
      %dma_start3A_291 = tpu.memref_slice %arg6[%run_scoped3A, %dma_start3A_289, %dma_start3A_290] : memref<2x128x128xf32, #tpu.memory_space<vmem>> -> memref<1x128x128xf32, #tpu.memory_space<vmem>>
      %dma_start3A_292 = tpu.memref_squeeze %dma_start3A_291 : memref<1x128x128xf32, #tpu.memory_space<vmem>> -> memref<128x128xf32, #tpu.memory_space<vmem>>
      tpu.enqueue_dma source(%dma_start3A_292 : memref<128x128xf32, #tpu.memory_space<vmem>>) target(%dma_start3A_288 : memref<128x128xf32, #tpu.memory_space<hbm>>) target_semaphore(%run_scoped3A_280 : memref<!tpu.dma_semaphore, #tpu.memory_space<semaphore_mem>>)
      %dma_wait3A_293 = arith.constant 0 : i32
      %dma_wait3A_294 = arith.constant 0 : i32
      %dma_wait3A_295 = tpu.memref_slice %arg6[%run_scoped3A, %dma_wait3A_293, %dma_wait3A_294] : memref<2x128x128xf32, #tpu.memory_space<vmem>> -> memref<1x128x128xf32, #tpu.memory_space<vmem>>
      %dma_wait3A_296 = tpu.memref_squeeze %dma_wait3A_295 : memref<1x128x128xf32, #tpu.memory_space<vmem>> -> memref<128x128xf32, #tpu.memory_space<vmem>>
      %dma_wait3A_297 = arith.constant 0 : i32
      %dma_wait3A_298 = tpu.memref_slice %arg4[%mul3A_73, %dma_wait3A_297] : memref<36864x128xf32, #tpu.memory_space<hbm>> -> memref<128x128xf32, #tpu.memory_space<hbm>>
      %dma_wait3A_299 = arith.constant 0 : i32
      %dma_wait3A_300 = tpu.memref_slice %arg4[%mul3A_73, %dma_wait3A_299] : memref<36864x128xf32, #tpu.memory_space<hbm>> -> memref<128x128xf32, #tpu.memory_space<hbm>>
      %dma_wait3A_301 = arith.constant 0 : i32
      %dma_wait3A_302 = arith.constant 0 : i32
      %dma_wait3A_303 = tpu.memref_slice %arg6[%run_scoped3A, %dma_wait3A_301, %dma_wait3A_302] : memref<2x128x128xf32, #tpu.memory_space<vmem>> -> memref<1x128x128xf32, #tpu.memory_space<vmem>>
      %dma_wait3A_304 = tpu.memref_squeeze %dma_wait3A_303 : memref<1x128x128xf32, #tpu.memory_space<vmem>> -> memref<128x128xf32, #tpu.memory_space<vmem>>
      tpu.wait_dma2 semaphore(%run_scoped3A_280 : memref<!tpu.dma_semaphore, #tpu.memory_space<semaphore_mem>>) src(%dma_wait3A_304 : memref<128x128xf32, #tpu.memory_space<vmem>>) dst(%dma_wait3A_300 : memref<128x128xf32, #tpu.memory_space<hbm>>)
      tpu.yield
    }) : () -> ()
    %dma_wait3A_74 = arith.constant 1 : i32
    %dma_wait3A_75 = arith.constant 0 : i32
    %dma_wait3A_76 = arith.constant 0 : i32
    %dma_wait3A_77 = tpu.memref_slice %arg6[%dma_wait3A_74, %dma_wait3A_75, %dma_wait3A_76] : memref<2x128x128xf32, #tpu.memory_space<vmem>> -> memref<1x128x128xf32, #tpu.memory_space<vmem>>
    %dma_wait3A_78 = tpu.memref_squeeze %dma_wait3A_77 : memref<1x128x128xf32, #tpu.memory_space<vmem>> -> memref<128x128xf32, #tpu.memory_space<vmem>>
    %dma_wait3A_79 = arith.constant 0 : i32
    %dma_wait3A_80 = tpu.memref_slice %arg5[%add3A_35, %dma_wait3A_79] : memref<16x128xi32, #tpu.memory_space<vmem>> -> memref<1x128xi32, #tpu.memory_space<vmem>>
    %dma_wait3A_81 = tpu.memref_squeeze %dma_wait3A_80 : memref<1x128xi32, #tpu.memory_space<vmem>> -> memref<128xi32, #tpu.memory_space<vmem>>
    %dma_wait3A_82 = arith.constant 0 : i32
    %dma_wait3A_83 = arith.constant 0 : i32
    %dma_wait3A_84 = tpu.memref_slice %arg2[%dma_wait3A_82, %dma_wait3A_83] : memref<8192x128xf32, #tpu.memory_space<hbm>> -> memref<8192x128xf32, #tpu.memory_space<hbm>>
    tpu.wait_indirect_dma semaphore(%arg8 : memref<!tpu.dma_semaphore, #tpu.memory_space<semaphore_mem>>) src(%dma_wait3A_84 : memref<8192x128xf32, #tpu.memory_space<hbm>>) dst(%dma_wait3A_78 : memref<128x128xf32, #tpu.memory_space<vmem>>)
    %add3A_85 = arith.constant 3 : i32
    %add3A_86 = arith.addi %sub3A_21, %add3A_85 : i32
    %dma_start3A_87 = arith.constant 1 : i32
    %dma_start3A_88 = arith.constant 0 : i32
    %dma_start3A_89 = arith.constant 0 : i32
    %dma_start3A_90 = tpu.memref_slice %arg6[%dma_start3A_87, %dma_start3A_88, %dma_start3A_89] : memref<2x128x128xf32, #tpu.memory_space<vmem>> -> memref<1x128x128xf32, #tpu.memory_space<vmem>>
    %dma_start3A_91 = tpu.memref_squeeze %dma_start3A_90 : memref<1x128x128xf32, #tpu.memory_space<vmem>> -> memref<128x128xf32, #tpu.memory_space<vmem>>
    %dma_start3A_92 = arith.constant 0 : i32
    %dma_start3A_93 = tpu.memref_slice %arg5[%add3A_86, %dma_start3A_92] : memref<16x128xi32, #tpu.memory_space<vmem>> -> memref<1x128xi32, #tpu.memory_space<vmem>>
    %dma_start3A_94 = tpu.memref_squeeze %dma_start3A_93 : memref<1x128xi32, #tpu.memory_space<vmem>> -> memref<128xi32, #tpu.memory_space<vmem>>
    %dma_start3A_95 = arith.constant 0 : i32
    %dma_start3A_96 = arith.constant 0 : i32
    %dma_start3A_97 = tpu.memref_slice %arg2[%dma_start3A_95, %dma_start3A_96] : memref<8192x128xf32, #tpu.memory_space<hbm>> -> memref<8192x128xf32, #tpu.memory_space<hbm>>
    tpu.enqueue_indirect_dma source(%dma_start3A_97 : memref<8192x128xf32, #tpu.memory_space<hbm>>) target(%dma_start3A_91 : memref<128x128xf32, #tpu.memory_space<vmem>>) offsets(%dma_start3A_94 : memref<128xi32, #tpu.memory_space<vmem>>) semaphore(%arg8 : memref<!tpu.dma_semaphore, #tpu.memory_space<semaphore_mem>>)
    %add3A_98 = arith.constant 1 : i32
    %add3A_99 = arith.addi %mul3A_2, %add3A_98 : i32
    %mul3A_100 = arith.constant 128 : i32
    %mul3A_101 = arith.muli %add3A_99, %mul3A_100 : i32
    %run_scoped3A_102 = arith.constant 1 : i32
    "tpu.region"() ({
      %run_scoped3A_280 = tpu.sem_alloc : memref<!tpu.dma_semaphore, #tpu.memory_space<semaphore_mem>>
      %dma_start3A_281 = arith.constant 0 : i32
      %dma_start3A_282 = arith.constant 0 : i32
      %dma_start3A_283 = tpu.memref_slice %arg6[%run_scoped3A_102, %dma_start3A_281, %dma_start3A_282] : memref<2x128x128xf32, #tpu.memory_space<vmem>> -> memref<1x128x128xf32, #tpu.memory_space<vmem>>
      %dma_start3A_284 = tpu.memref_squeeze %dma_start3A_283 : memref<1x128x128xf32, #tpu.memory_space<vmem>> -> memref<128x128xf32, #tpu.memory_space<vmem>>
      %dma_start3A_285 = arith.constant 0 : i32
      %dma_start3A_286 = tpu.memref_slice %arg4[%mul3A_101, %dma_start3A_285] : memref<36864x128xf32, #tpu.memory_space<hbm>> -> memref<128x128xf32, #tpu.memory_space<hbm>>
      %dma_start3A_287 = arith.constant 0 : i32
      %dma_start3A_288 = tpu.memref_slice %arg4[%mul3A_101, %dma_start3A_287] : memref<36864x128xf32, #tpu.memory_space<hbm>> -> memref<128x128xf32, #tpu.memory_space<hbm>>
      %dma_start3A_289 = arith.constant 0 : i32
      %dma_start3A_290 = arith.constant 0 : i32
      %dma_start3A_291 = tpu.memref_slice %arg6[%run_scoped3A_102, %dma_start3A_289, %dma_start3A_290] : memref<2x128x128xf32, #tpu.memory_space<vmem>> -> memref<1x128x128xf32, #tpu.memory_space<vmem>>
      %dma_start3A_292 = tpu.memref_squeeze %dma_start3A_291 : memref<1x128x128xf32, #tpu.memory_space<vmem>> -> memref<128x128xf32, #tpu.memory_space<vmem>>
      tpu.enqueue_dma source(%dma_start3A_292 : memref<128x128xf32, #tpu.memory_space<vmem>>) target(%dma_start3A_288 : memref<128x128xf32, #tpu.memory_space<hbm>>) target_semaphore(%run_scoped3A_280 : memref<!tpu.dma_semaphore, #tpu.memory_space<semaphore_mem>>)
      %dma_wait3A_293 = arith.constant 0 : i32
      %dma_wait3A_294 = arith.constant 0 : i32
      %dma_wait3A_295 = tpu.memref_slice %arg6[%run_scoped3A_102, %dma_wait3A_293, %dma_wait3A_294] : memref<2x128x128xf32, #tpu.memory_space<vmem>> -> memref<1x128x128xf32, #tpu.memory_space<vmem>>
      %dma_wait3A_296 = tpu.memref_squeeze %dma_wait3A_295 : memref<1x128x128xf32, #tpu.memory_space<vmem>> -> memref<128x128xf32, #tpu.memory_space<vmem>>
      %dma_wait3A_297 = arith.constant 0 : i32
      %dma_wait3A_298 = tpu.memref_slice %arg4[%mul3A_101, %dma_wait3A_297] : memref<36864x128xf32, #tpu.memory_space<hbm>> -> memref<128x128xf32, #tpu.memory_space<hbm>>
      %dma_wait3A_299 = arith.constant 0 : i32
      %dma_wait3A_300 = tpu.memref_slice %arg4[%mul3A_101, %dma_wait3A_299] : memref<36864x128xf32, #tpu.memory_space<hbm>> -> memref<128x128xf32, #tpu.memory_space<hbm>>
      %dma_wait3A_301 = arith.constant 0 : i32
      %dma_wait3A_302 = arith.constant 0 : i32
      %dma_wait3A_303 = tpu.memref_slice %arg6[%run_scoped3A_102, %dma_wait3A_301, %dma_wait3A_302] : memref<2x128x128xf32, #tpu.memory_space<vmem>> -> memref<1x128x128xf32, #tpu.memory_space<vmem>>
      %dma_wait3A_304 = tpu.memref_squeeze %dma_wait3A_303 : memref<1x128x128xf32, #tpu.memory_space<vmem>> -> memref<128x128xf32, #tpu.memory_space<vmem>>
      tpu.wait_dma2 semaphore(%run_scoped3A_280 : memref<!tpu.dma_semaphore, #tpu.memory_space<semaphore_mem>>) src(%dma_wait3A_304 : memref<128x128xf32, #tpu.memory_space<vmem>>) dst(%dma_wait3A_300 : memref<128x128xf32, #tpu.memory_space<hbm>>)
      tpu.yield
    }) : () -> ()
    %dma_wait3A_103 = arith.constant 0 : i32
    %dma_wait3A_104 = arith.constant 0 : i32
    %dma_wait3A_105 = arith.constant 0 : i32
    %dma_wait3A_106 = tpu.memref_slice %arg6[%dma_wait3A_103, %dma_wait3A_104, %dma_wait3A_105] : memref<2x128x128xf32, #tpu.memory_space<vmem>> -> memref<1x128x128xf32, #tpu.memory_space<vmem>>
    %dma_wait3A_107 = tpu.memref_squeeze %dma_wait3A_106 : memref<1x128x128xf32, #tpu.memory_space<vmem>> -> memref<128x128xf32, #tpu.memory_space<vmem>>
    %dma_wait3A_108 = arith.constant 0 : i32
    %dma_wait3A_109 = tpu.memref_slice %arg5[%add3A_58, %dma_wait3A_108] : memref<16x128xi32, #tpu.memory_space<vmem>> -> memref<1x128xi32, #tpu.memory_space<vmem>>
    %dma_wait3A_110 = tpu.memref_squeeze %dma_wait3A_109 : memref<1x128xi32, #tpu.memory_space<vmem>> -> memref<128xi32, #tpu.memory_space<vmem>>
    %dma_wait3A_111 = arith.constant 0 : i32
    %dma_wait3A_112 = arith.constant 0 : i32
    %dma_wait3A_113 = tpu.memref_slice %arg2[%dma_wait3A_111, %dma_wait3A_112] : memref<8192x128xf32, #tpu.memory_space<hbm>> -> memref<8192x128xf32, #tpu.memory_space<hbm>>
    tpu.wait_indirect_dma semaphore(%arg7 : memref<!tpu.dma_semaphore, #tpu.memory_space<semaphore_mem>>) src(%dma_wait3A_113 : memref<8192x128xf32, #tpu.memory_space<hbm>>) dst(%dma_wait3A_107 : memref<128x128xf32, #tpu.memory_space<vmem>>)
    %add3A_114 = arith.constant 4 : i32
    %add3A_115 = arith.addi %sub3A_21, %add3A_114 : i32
    %dma_start3A_116 = arith.constant 0 : i32
    %dma_start3A_117 = arith.constant 0 : i32
    %dma_start3A_118 = arith.constant 0 : i32
    %dma_start3A_119 = tpu.memref_slice %arg6[%dma_start3A_116, %dma_start3A_117, %dma_start3A_118] : memref<2x128x128xf32, #tpu.memory_space<vmem>> -> memref<1x128x128xf32, #tpu.memory_space<vmem>>
    %dma_start3A_120 = tpu.memref_squeeze %dma_start3A_119 : memref<1x128x128xf32, #tpu.memory_space<vmem>> -> memref<128x128xf32, #tpu.memory_space<vmem>>
    %dma_start3A_121 = arith.constant 0 : i32
    %dma_start3A_122 = tpu.memref_slice %arg5[%add3A_115, %dma_start3A_121] : memref<16x128xi32, #tpu.memory_space<vmem>> -> memref<1x128xi32, #tpu.memory_space<vmem>>
    %dma_start3A_123 = tpu.memref_squeeze %dma_start3A_122 : memref<1x128xi32, #tpu.memory_space<vmem>> -> memref<128xi32, #tpu.memory_space<vmem>>
    %dma_start3A_124 = arith.constant 0 : i32
    %dma_start3A_125 = arith.constant 0 : i32
    %dma_start3A_126 = tpu.memref_slice %arg2[%dma_start3A_124, %dma_start3A_125] : memref<8192x128xf32, #tpu.memory_space<hbm>> -> memref<8192x128xf32, #tpu.memory_space<hbm>>
    tpu.enqueue_indirect_dma source(%dma_start3A_126 : memref<8192x128xf32, #tpu.memory_space<hbm>>) target(%dma_start3A_120 : memref<128x128xf32, #tpu.memory_space<vmem>>) offsets(%dma_start3A_123 : memref<128xi32, #tpu.memory_space<vmem>>) semaphore(%arg7 : memref<!tpu.dma_semaphore, #tpu.memory_space<semaphore_mem>>)
    %add3A_127 = arith.constant 2 : i32
    %add3A_128 = arith.addi %mul3A_2, %add3A_127 : i32
    %mul3A_129 = arith.constant 128 : i32
    %mul3A_130 = arith.muli %add3A_128, %mul3A_129 : i32
    %run_scoped3A_131 = arith.constant 0 : i32
    "tpu.region"() ({
      %run_scoped3A_280 = tpu.sem_alloc : memref<!tpu.dma_semaphore, #tpu.memory_space<semaphore_mem>>
      %dma_start3A_281 = arith.constant 0 : i32
      %dma_start3A_282 = arith.constant 0 : i32
      %dma_start3A_283 = tpu.memref_slice %arg6[%run_scoped3A_131, %dma_start3A_281, %dma_start3A_282] : memref<2x128x128xf32, #tpu.memory_space<vmem>> -> memref<1x128x128xf32, #tpu.memory_space<vmem>>
      %dma_start3A_284 = tpu.memref_squeeze %dma_start3A_283 : memref<1x128x128xf32, #tpu.memory_space<vmem>> -> memref<128x128xf32, #tpu.memory_space<vmem>>
      %dma_start3A_285 = arith.constant 0 : i32
      %dma_start3A_286 = tpu.memref_slice %arg4[%mul3A_130, %dma_start3A_285] : memref<36864x128xf32, #tpu.memory_space<hbm>> -> memref<128x128xf32, #tpu.memory_space<hbm>>
      %dma_start3A_287 = arith.constant 0 : i32
      %dma_start3A_288 = tpu.memref_slice %arg4[%mul3A_130, %dma_start3A_287] : memref<36864x128xf32, #tpu.memory_space<hbm>> -> memref<128x128xf32, #tpu.memory_space<hbm>>
      %dma_start3A_289 = arith.constant 0 : i32
      %dma_start3A_290 = arith.constant 0 : i32
      %dma_start3A_291 = tpu.memref_slice %arg6[%run_scoped3A_131, %dma_start3A_289, %dma_start3A_290] : memref<2x128x128xf32, #tpu.memory_space<vmem>> -> memref<1x128x128xf32, #tpu.memory_space<vmem>>
      %dma_start3A_292 = tpu.memref_squeeze %dma_start3A_291 : memref<1x128x128xf32, #tpu.memory_space<vmem>> -> memref<128x128xf32, #tpu.memory_space<vmem>>
      tpu.enqueue_dma source(%dma_start3A_292 : memref<128x128xf32, #tpu.memory_space<vmem>>) target(%dma_start3A_288 : memref<128x128xf32, #tpu.memory_space<hbm>>) target_semaphore(%run_scoped3A_280 : memref<!tpu.dma_semaphore, #tpu.memory_space<semaphore_mem>>)
      %dma_wait3A_293 = arith.constant 0 : i32
      %dma_wait3A_294 = arith.constant 0 : i32
      %dma_wait3A_295 = tpu.memref_slice %arg6[%run_scoped3A_131, %dma_wait3A_293, %dma_wait3A_294] : memref<2x128x128xf32, #tpu.memory_space<vmem>> -> memref<1x128x128xf32, #tpu.memory_space<vmem>>
      %dma_wait3A_296 = tpu.memref_squeeze %dma_wait3A_295 : memref<1x128x128xf32, #tpu.memory_space<vmem>> -> memref<128x128xf32, #tpu.memory_space<vmem>>
      %dma_wait3A_297 = arith.constant 0 : i32
      %dma_wait3A_298 = tpu.memref_slice %arg4[%mul3A_130, %dma_wait3A_297] : memref<36864x128xf32, #tpu.memory_space<hbm>> -> memref<128x128xf32, #tpu.memory_space<hbm>>
      %dma_wait3A_299 = arith.constant 0 : i32
      %dma_wait3A_300 = tpu.memref_slice %arg4[%mul3A_130, %dma_wait3A_299] : memref<36864x128xf32, #tpu.memory_space<hbm>> -> memref<128x128xf32, #tpu.memory_space<hbm>>
      %dma_wait3A_301 = arith.constant 0 : i32
      %dma_wait3A_302 = arith.constant 0 : i32
      %dma_wait3A_303 = tpu.memref_slice %arg6[%run_scoped3A_131, %dma_wait3A_301, %dma_wait3A_302] : memref<2x128x128xf32, #tpu.memory_space<vmem>> -> memref<1x128x128xf32, #tpu.memory_space<vmem>>
      %dma_wait3A_304 = tpu.memref_squeeze %dma_wait3A_303 : memref<1x128x128xf32, #tpu.memory_space<vmem>> -> memref<128x128xf32, #tpu.memory_space<vmem>>
      tpu.wait_dma2 semaphore(%run_scoped3A_280 : memref<!tpu.dma_semaphore, #tpu.memory_space<semaphore_mem>>) src(%dma_wait3A_304 : memref<128x128xf32, #tpu.memory_space<vmem>>) dst(%dma_wait3A_300 : memref<128x128xf32, #tpu.memory_space<hbm>>)
      tpu.yield
    }) : () -> ()
    %dma_wait3A_132 = arith.constant 1 : i32
    %dma_wait3A_133 = arith.constant 0 : i32
    %dma_wait3A_134 = arith.constant 0 : i32
    %dma_wait3A_135 = tpu.memref_slice %arg6[%dma_wait3A_132, %dma_wait3A_133, %dma_wait3A_134] : memref<2x128x128xf32, #tpu.memory_space<vmem>> -> memref<1x128x128xf32, #tpu.memory_space<vmem>>
    %dma_wait3A_136 = tpu.memref_squeeze %dma_wait3A_135 : memref<1x128x128xf32, #tpu.memory_space<vmem>> -> memref<128x128xf32, #tpu.memory_space<vmem>>
    %dma_wait3A_137 = arith.constant 0 : i32
    %dma_wait3A_138 = tpu.memref_slice %arg5[%add3A_86, %dma_wait3A_137] : memref<16x128xi32, #tpu.memory_space<vmem>> -> memref<1x128xi32, #tpu.memory_space<vmem>>
    %dma_wait3A_139 = tpu.memref_squeeze %dma_wait3A_138 : memref<1x128xi32, #tpu.memory_space<vmem>> -> memref<128xi32, #tpu.memory_space<vmem>>
    %dma_wait3A_140 = arith.constant 0 : i32
    %dma_wait3A_141 = arith.constant 0 : i32
    %dma_wait3A_142 = tpu.memref_slice %arg2[%dma_wait3A_140, %dma_wait3A_141] : memref<8192x128xf32, #tpu.memory_space<hbm>> -> memref<8192x128xf32, #tpu.memory_space<hbm>>
    tpu.wait_indirect_dma semaphore(%arg8 : memref<!tpu.dma_semaphore, #tpu.memory_space<semaphore_mem>>) src(%dma_wait3A_142 : memref<8192x128xf32, #tpu.memory_space<hbm>>) dst(%dma_wait3A_136 : memref<128x128xf32, #tpu.memory_space<vmem>>)
    %add3A_143 = arith.constant 5 : i32
    %add3A_144 = arith.addi %sub3A_21, %add3A_143 : i32
    %dma_start3A_145 = arith.constant 1 : i32
    %dma_start3A_146 = arith.constant 0 : i32
    %dma_start3A_147 = arith.constant 0 : i32
    %dma_start3A_148 = tpu.memref_slice %arg6[%dma_start3A_145, %dma_start3A_146, %dma_start3A_147] : memref<2x128x128xf32, #tpu.memory_space<vmem>> -> memref<1x128x128xf32, #tpu.memory_space<vmem>>
    %dma_start3A_149 = tpu.memref_squeeze %dma_start3A_148 : memref<1x128x128xf32, #tpu.memory_space<vmem>> -> memref<128x128xf32, #tpu.memory_space<vmem>>
    %dma_start3A_150 = arith.constant 0 : i32
    %dma_start3A_151 = tpu.memref_slice %arg5[%add3A_144, %dma_start3A_150] : memref<16x128xi32, #tpu.memory_space<vmem>> -> memref<1x128xi32, #tpu.memory_space<vmem>>
    %dma_start3A_152 = tpu.memref_squeeze %dma_start3A_151 : memref<1x128xi32, #tpu.memory_space<vmem>> -> memref<128xi32, #tpu.memory_space<vmem>>
    %dma_start3A_153 = arith.constant 0 : i32
    %dma_start3A_154 = arith.constant 0 : i32
    %dma_start3A_155 = tpu.memref_slice %arg2[%dma_start3A_153, %dma_start3A_154] : memref<8192x128xf32, #tpu.memory_space<hbm>> -> memref<8192x128xf32, #tpu.memory_space<hbm>>
    tpu.enqueue_indirect_dma source(%dma_start3A_155 : memref<8192x128xf32, #tpu.memory_space<hbm>>) target(%dma_start3A_149 : memref<128x128xf32, #tpu.memory_space<vmem>>) offsets(%dma_start3A_152 : memref<128xi32, #tpu.memory_space<vmem>>) semaphore(%arg8 : memref<!tpu.dma_semaphore, #tpu.memory_space<semaphore_mem>>)
    %add3A_156 = arith.constant 3 : i32
    %add3A_157 = arith.addi %mul3A_2, %add3A_156 : i32
    %mul3A_158 = arith.constant 128 : i32
    %mul3A_159 = arith.muli %add3A_157, %mul3A_158 : i32
    %run_scoped3A_160 = arith.constant 1 : i32
    "tpu.region"() ({
      %run_scoped3A_280 = tpu.sem_alloc : memref<!tpu.dma_semaphore, #tpu.memory_space<semaphore_mem>>
      %dma_start3A_281 = arith.constant 0 : i32
      %dma_start3A_282 = arith.constant 0 : i32
      %dma_start3A_283 = tpu.memref_slice %arg6[%run_scoped3A_160, %dma_start3A_281, %dma_start3A_282] : memref<2x128x128xf32, #tpu.memory_space<vmem>> -> memref<1x128x128xf32, #tpu.memory_space<vmem>>
      %dma_start3A_284 = tpu.memref_squeeze %dma_start3A_283 : memref<1x128x128xf32, #tpu.memory_space<vmem>> -> memref<128x128xf32, #tpu.memory_space<vmem>>
      %dma_start3A_285 = arith.constant 0 : i32
      %dma_start3A_286 = tpu.memref_slice %arg4[%mul3A_159, %dma_start3A_285] : memref<36864x128xf32, #tpu.memory_space<hbm>> -> memref<128x128xf32, #tpu.memory_space<hbm>>
      %dma_start3A_287 = arith.constant 0 : i32
      %dma_start3A_288 = tpu.memref_slice %arg4[%mul3A_159, %dma_start3A_287] : memref<36864x128xf32, #tpu.memory_space<hbm>> -> memref<128x128xf32, #tpu.memory_space<hbm>>
      %dma_start3A_289 = arith.constant 0 : i32
      %dma_start3A_290 = arith.constant 0 : i32
      %dma_start3A_291 = tpu.memref_slice %arg6[%run_scoped3A_160, %dma_start3A_289, %dma_start3A_290] : memref<2x128x128xf32, #tpu.memory_space<vmem>> -> memref<1x128x128xf32, #tpu.memory_space<vmem>>
      %dma_start3A_292 = tpu.memref_squeeze %dma_start3A_291 : memref<1x128x128xf32, #tpu.memory_space<vmem>> -> memref<128x128xf32, #tpu.memory_space<vmem>>
      tpu.enqueue_dma source(%dma_start3A_292 : memref<128x128xf32, #tpu.memory_space<vmem>>) target(%dma_start3A_288 : memref<128x128xf32, #tpu.memory_space<hbm>>) target_semaphore(%run_scoped3A_280 : memref<!tpu.dma_semaphore, #tpu.memory_space<semaphore_mem>>)
      %dma_wait3A_293 = arith.constant 0 : i32
      %dma_wait3A_294 = arith.constant 0 : i32
      %dma_wait3A_295 = tpu.memref_slice %arg6[%run_scoped3A_160, %dma_wait3A_293, %dma_wait3A_294] : memref<2x128x128xf32, #tpu.memory_space<vmem>> -> memref<1x128x128xf32, #tpu.memory_space<vmem>>
      %dma_wait3A_296 = tpu.memref_squeeze %dma_wait3A_295 : memref<1x128x128xf32, #tpu.memory_space<vmem>> -> memref<128x128xf32, #tpu.memory_space<vmem>>
      %dma_wait3A_297 = arith.constant 0 : i32
      %dma_wait3A_298 = tpu.memref_slice %arg4[%mul3A_159, %dma_wait3A_297] : memref<36864x128xf32, #tpu.memory_space<hbm>> -> memref<128x128xf32, #tpu.memory_space<hbm>>
      %dma_wait3A_299 = arith.constant 0 : i32
      %dma_wait3A_300 = tpu.memref_slice %arg4[%mul3A_159, %dma_wait3A_299] : memref<36864x128xf32, #tpu.memory_space<hbm>> -> memref<128x128xf32, #tpu.memory_space<hbm>>
      %dma_wait3A_301 = arith.constant 0 : i32
      %dma_wait3A_302 = arith.constant 0 : i32
      %dma_wait3A_303 = tpu.memref_slice %arg6[%run_scoped3A_160, %dma_wait3A_301, %dma_wait3A_302] : memref<2x128x128xf32, #tpu.memory_space<vmem>> -> memref<1x128x128xf32, #tpu.memory_space<vmem>>
      %dma_wait3A_304 = tpu.memref_squeeze %dma_wait3A_303 : memref<1x128x128xf32, #tpu.memory_space<vmem>> -> memref<128x128xf32, #tpu.memory_space<vmem>>
      tpu.wait_dma2 semaphore(%run_scoped3A_280 : memref<!tpu.dma_semaphore, #tpu.memory_space<semaphore_mem>>) src(%dma_wait3A_304 : memref<128x128xf32, #tpu.memory_space<vmem>>) dst(%dma_wait3A_300 : memref<128x128xf32, #tpu.memory_space<hbm>>)
      tpu.yield
    }) : () -> ()
    %dma_wait3A_161 = arith.constant 0 : i32
    %dma_wait3A_162 = arith.constant 0 : i32
    %dma_wait3A_163 = arith.constant 0 : i32
    %dma_wait3A_164 = tpu.memref_slice %arg6[%dma_wait3A_161, %dma_wait3A_162, %dma_wait3A_163] : memref<2x128x128xf32, #tpu.memory_space<vmem>> -> memref<1x128x128xf32, #tpu.memory_space<vmem>>
    %dma_wait3A_165 = tpu.memref_squeeze %dma_wait3A_164 : memref<1x128x128xf32, #tpu.memory_space<vmem>> -> memref<128x128xf32, #tpu.memory_space<vmem>>
    %dma_wait3A_166 = arith.constant 0 : i32
    %dma_wait3A_167 = tpu.memref_slice %arg5[%add3A_115, %dma_wait3A_166] : memref<16x128xi32, #tpu.memory_space<vmem>> -> memref<1x128xi32, #tpu.memory_space<vmem>>
    %dma_wait3A_168 = tpu.memref_squeeze %dma_wait3A_167 : memref<1x128xi32, #tpu.memory_space<vmem>> -> memref<128xi32, #tpu.memory_space<vmem>>
    %dma_wait3A_169 = arith.constant 0 : i32
    %dma_wait3A_170 = arith.constant 0 : i32
    %dma_wait3A_171 = tpu.memref_slice %arg2[%dma_wait3A_169, %dma_wait3A_170] : memref<8192x128xf32, #tpu.memory_space<hbm>> -> memref<8192x128xf32, #tpu.memory_space<hbm>>
    tpu.wait_indirect_dma semaphore(%arg7 : memref<!tpu.dma_semaphore, #tpu.memory_space<semaphore_mem>>) src(%dma_wait3A_171 : memref<8192x128xf32, #tpu.memory_space<hbm>>) dst(%dma_wait3A_165 : memref<128x128xf32, #tpu.memory_space<vmem>>)
    %add3A_172 = arith.constant 6 : i32
    %add3A_173 = arith.addi %sub3A_21, %add3A_172 : i32
    %dma_start3A_174 = arith.constant 0 : i32
    %dma_start3A_175 = arith.constant 0 : i32
    %dma_start3A_176 = arith.constant 0 : i32
    %dma_start3A_177 = tpu.memref_slice %arg6[%dma_start3A_174, %dma_start3A_175, %dma_start3A_176] : memref<2x128x128xf32, #tpu.memory_space<vmem>> -> memref<1x128x128xf32, #tpu.memory_space<vmem>>
    %dma_start3A_178 = tpu.memref_squeeze %dma_start3A_177 : memref<1x128x128xf32, #tpu.memory_space<vmem>> -> memref<128x128xf32, #tpu.memory_space<vmem>>
    %dma_start3A_179 = arith.constant 0 : i32
    %dma_start3A_180 = tpu.memref_slice %arg5[%add3A_173, %dma_start3A_179] : memref<16x128xi32, #tpu.memory_space<vmem>> -> memref<1x128xi32, #tpu.memory_space<vmem>>
    %dma_start3A_181 = tpu.memref_squeeze %dma_start3A_180 : memref<1x128xi32, #tpu.memory_space<vmem>> -> memref<128xi32, #tpu.memory_space<vmem>>
    %dma_start3A_182 = arith.constant 0 : i32
    %dma_start3A_183 = arith.constant 0 : i32
    %dma_start3A_184 = tpu.memref_slice %arg2[%dma_start3A_182, %dma_start3A_183] : memref<8192x128xf32, #tpu.memory_space<hbm>> -> memref<8192x128xf32, #tpu.memory_space<hbm>>
    tpu.enqueue_indirect_dma source(%dma_start3A_184 : memref<8192x128xf32, #tpu.memory_space<hbm>>) target(%dma_start3A_178 : memref<128x128xf32, #tpu.memory_space<vmem>>) offsets(%dma_start3A_181 : memref<128xi32, #tpu.memory_space<vmem>>) semaphore(%arg7 : memref<!tpu.dma_semaphore, #tpu.memory_space<semaphore_mem>>)
    %add3A_185 = arith.constant 4 : i32
    %add3A_186 = arith.addi %mul3A_2, %add3A_185 : i32
    %mul3A_187 = arith.constant 128 : i32
    %mul3A_188 = arith.muli %add3A_186, %mul3A_187 : i32
    %run_scoped3A_189 = arith.constant 0 : i32
    "tpu.region"() ({
      %run_scoped3A_280 = tpu.sem_alloc : memref<!tpu.dma_semaphore, #tpu.memory_space<semaphore_mem>>
      %dma_start3A_281 = arith.constant 0 : i32
      %dma_start3A_282 = arith.constant 0 : i32
      %dma_start3A_283 = tpu.memref_slice %arg6[%run_scoped3A_189, %dma_start3A_281, %dma_start3A_282] : memref<2x128x128xf32, #tpu.memory_space<vmem>> -> memref<1x128x128xf32, #tpu.memory_space<vmem>>
      %dma_start3A_284 = tpu.memref_squeeze %dma_start3A_283 : memref<1x128x128xf32, #tpu.memory_space<vmem>> -> memref<128x128xf32, #tpu.memory_space<vmem>>
      %dma_start3A_285 = arith.constant 0 : i32
      %dma_start3A_286 = tpu.memref_slice %arg4[%mul3A_188, %dma_start3A_285] : memref<36864x128xf32, #tpu.memory_space<hbm>> -> memref<128x128xf32, #tpu.memory_space<hbm>>
      %dma_start3A_287 = arith.constant 0 : i32
      %dma_start3A_288 = tpu.memref_slice %arg4[%mul3A_188, %dma_start3A_287] : memref<36864x128xf32, #tpu.memory_space<hbm>> -> memref<128x128xf32, #tpu.memory_space<hbm>>
      %dma_start3A_289 = arith.constant 0 : i32
      %dma_start3A_290 = arith.constant 0 : i32
      %dma_start3A_291 = tpu.memref_slice %arg6[%run_scoped3A_189, %dma_start3A_289, %dma_start3A_290] : memref<2x128x128xf32, #tpu.memory_space<vmem>> -> memref<1x128x128xf32, #tpu.memory_space<vmem>>
      %dma_start3A_292 = tpu.memref_squeeze %dma_start3A_291 : memref<1x128x128xf32, #tpu.memory_space<vmem>> -> memref<128x128xf32, #tpu.memory_space<vmem>>
      tpu.enqueue_dma source(%dma_start3A_292 : memref<128x128xf32, #tpu.memory_space<vmem>>) target(%dma_start3A_288 : memref<128x128xf32, #tpu.memory_space<hbm>>) target_semaphore(%run_scoped3A_280 : memref<!tpu.dma_semaphore, #tpu.memory_space<semaphore_mem>>)
      %dma_wait3A_293 = arith.constant 0 : i32
      %dma_wait3A_294 = arith.constant 0 : i32
      %dma_wait3A_295 = tpu.memref_slice %arg6[%run_scoped3A_189, %dma_wait3A_293, %dma_wait3A_294] : memref<2x128x128xf32, #tpu.memory_space<vmem>> -> memref<1x128x128xf32, #tpu.memory_space<vmem>>
      %dma_wait3A_296 = tpu.memref_squeeze %dma_wait3A_295 : memref<1x128x128xf32, #tpu.memory_space<vmem>> -> memref<128x128xf32, #tpu.memory_space<vmem>>
      %dma_wait3A_297 = arith.constant 0 : i32
      %dma_wait3A_298 = tpu.memref_slice %arg4[%mul3A_188, %dma_wait3A_297] : memref<36864x128xf32, #tpu.memory_space<hbm>> -> memref<128x128xf32, #tpu.memory_space<hbm>>
      %dma_wait3A_299 = arith.constant 0 : i32
      %dma_wait3A_300 = tpu.memref_slice %arg4[%mul3A_188, %dma_wait3A_299] : memref<36864x128xf32, #tpu.memory_space<hbm>> -> memref<128x128xf32, #tpu.memory_space<hbm>>
      %dma_wait3A_301 = arith.constant 0 : i32
      %dma_wait3A_302 = arith.constant 0 : i32
      %dma_wait3A_303 = tpu.memref_slice %arg6[%run_scoped3A_189, %dma_wait3A_301, %dma_wait3A_302] : memref<2x128x128xf32, #tpu.memory_space<vmem>> -> memref<1x128x128xf32, #tpu.memory_space<vmem>>
      %dma_wait3A_304 = tpu.memref_squeeze %dma_wait3A_303 : memref<1x128x128xf32, #tpu.memory_space<vmem>> -> memref<128x128xf32, #tpu.memory_space<vmem>>
      tpu.wait_dma2 semaphore(%run_scoped3A_280 : memref<!tpu.dma_semaphore, #tpu.memory_space<semaphore_mem>>) src(%dma_wait3A_304 : memref<128x128xf32, #tpu.memory_space<vmem>>) dst(%dma_wait3A_300 : memref<128x128xf32, #tpu.memory_space<hbm>>)
      tpu.yield
    }) : () -> ()
    %dma_wait3A_190 = arith.constant 1 : i32
    %dma_wait3A_191 = arith.constant 0 : i32
    %dma_wait3A_192 = arith.constant 0 : i32
    %dma_wait3A_193 = tpu.memref_slice %arg6[%dma_wait3A_190, %dma_wait3A_191, %dma_wait3A_192] : memref<2x128x128xf32, #tpu.memory_space<vmem>> -> memref<1x128x128xf32, #tpu.memory_space<vmem>>
    %dma_wait3A_194 = tpu.memref_squeeze %dma_wait3A_193 : memref<1x128x128xf32, #tpu.memory_space<vmem>> -> memref<128x128xf32, #tpu.memory_space<vmem>>
    %dma_wait3A_195 = arith.constant 0 : i32
    %dma_wait3A_196 = tpu.memref_slice %arg5[%add3A_144, %dma_wait3A_195] : memref<16x128xi32, #tpu.memory_space<vmem>> -> memref<1x128xi32, #tpu.memory_space<vmem>>
    %dma_wait3A_197 = tpu.memref_squeeze %dma_wait3A_196 : memref<1x128xi32, #tpu.memory_space<vmem>> -> memref<128xi32, #tpu.memory_space<vmem>>
    %dma_wait3A_198 = arith.constant 0 : i32
    %dma_wait3A_199 = arith.constant 0 : i32
    %dma_wait3A_200 = tpu.memref_slice %arg2[%dma_wait3A_198, %dma_wait3A_199] : memref<8192x128xf32, #tpu.memory_space<hbm>> -> memref<8192x128xf32, #tpu.memory_space<hbm>>
    tpu.wait_indirect_dma semaphore(%arg8 : memref<!tpu.dma_semaphore, #tpu.memory_space<semaphore_mem>>) src(%dma_wait3A_200 : memref<8192x128xf32, #tpu.memory_space<hbm>>) dst(%dma_wait3A_194 : memref<128x128xf32, #tpu.memory_space<vmem>>)
    %add3A_201 = arith.constant 7 : i32
    %add3A_202 = arith.addi %sub3A_21, %add3A_201 : i32
    %dma_start3A_203 = arith.constant 1 : i32
    %dma_start3A_204 = arith.constant 0 : i32
    %dma_start3A_205 = arith.constant 0 : i32
    %dma_start3A_206 = tpu.memref_slice %arg6[%dma_start3A_203, %dma_start3A_204, %dma_start3A_205] : memref<2x128x128xf32, #tpu.memory_space<vmem>> -> memref<1x128x128xf32, #tpu.memory_space<vmem>>
    %dma_start3A_207 = tpu.memref_squeeze %dma_start3A_206 : memref<1x128x128xf32, #tpu.memory_space<vmem>> -> memref<128x128xf32, #tpu.memory_space<vmem>>
    %dma_start3A_208 = arith.constant 0 : i32
    %dma_start3A_209 = tpu.memref_slice %arg5[%add3A_202, %dma_start3A_208] : memref<16x128xi32, #tpu.memory_space<vmem>> -> memref<1x128xi32, #tpu.memory_space<vmem>>
    %dma_start3A_210 = tpu.memref_squeeze %dma_start3A_209 : memref<1x128xi32, #tpu.memory_space<vmem>> -> memref<128xi32, #tpu.memory_space<vmem>>
    %dma_start3A_211 = arith.constant 0 : i32
    %dma_start3A_212 = arith.constant 0 : i32
    %dma_start3A_213 = tpu.memref_slice %arg2[%dma_start3A_211, %dma_start3A_212] : memref<8192x128xf32, #tpu.memory_space<hbm>> -> memref<8192x128xf32, #tpu.memory_space<hbm>>
    tpu.enqueue_indirect_dma source(%dma_start3A_213 : memref<8192x128xf32, #tpu.memory_space<hbm>>) target(%dma_start3A_207 : memref<128x128xf32, #tpu.memory_space<vmem>>) offsets(%dma_start3A_210 : memref<128xi32, #tpu.memory_space<vmem>>) semaphore(%arg8 : memref<!tpu.dma_semaphore, #tpu.memory_space<semaphore_mem>>)
    %add3A_214 = arith.constant 5 : i32
    %add3A_215 = arith.addi %mul3A_2, %add3A_214 : i32
    %mul3A_216 = arith.constant 128 : i32
    %mul3A_217 = arith.muli %add3A_215, %mul3A_216 : i32
    %run_scoped3A_218 = arith.constant 1 : i32
    "tpu.region"() ({
      %run_scoped3A_280 = tpu.sem_alloc : memref<!tpu.dma_semaphore, #tpu.memory_space<semaphore_mem>>
      %dma_start3A_281 = arith.constant 0 : i32
      %dma_start3A_282 = arith.constant 0 : i32
      %dma_start3A_283 = tpu.memref_slice %arg6[%run_scoped3A_218, %dma_start3A_281, %dma_start3A_282] : memref<2x128x128xf32, #tpu.memory_space<vmem>> -> memref<1x128x128xf32, #tpu.memory_space<vmem>>
      %dma_start3A_284 = tpu.memref_squeeze %dma_start3A_283 : memref<1x128x128xf32, #tpu.memory_space<vmem>> -> memref<128x128xf32, #tpu.memory_space<vmem>>
      %dma_start3A_285 = arith.constant 0 : i32
      %dma_start3A_286 = tpu.memref_slice %arg4[%mul3A_217, %dma_start3A_285] : memref<36864x128xf32, #tpu.memory_space<hbm>> -> memref<128x128xf32, #tpu.memory_space<hbm>>
      %dma_start3A_287 = arith.constant 0 : i32
      %dma_start3A_288 = tpu.memref_slice %arg4[%mul3A_217, %dma_start3A_287] : memref<36864x128xf32, #tpu.memory_space<hbm>> -> memref<128x128xf32, #tpu.memory_space<hbm>>
      %dma_start3A_289 = arith.constant 0 : i32
      %dma_start3A_290 = arith.constant 0 : i32
      %dma_start3A_291 = tpu.memref_slice %arg6[%run_scoped3A_218, %dma_start3A_289, %dma_start3A_290] : memref<2x128x128xf32, #tpu.memory_space<vmem>> -> memref<1x128x128xf32, #tpu.memory_space<vmem>>
      %dma_start3A_292 = tpu.memref_squeeze %dma_start3A_291 : memref<1x128x128xf32, #tpu.memory_space<vmem>> -> memref<128x128xf32, #tpu.memory_space<vmem>>
      tpu.enqueue_dma source(%dma_start3A_292 : memref<128x128xf32, #tpu.memory_space<vmem>>) target(%dma_start3A_288 : memref<128x128xf32, #tpu.memory_space<hbm>>) target_semaphore(%run_scoped3A_280 : memref<!tpu.dma_semaphore, #tpu.memory_space<semaphore_mem>>)
      %dma_wait3A_293 = arith.constant 0 : i32
      %dma_wait3A_294 = arith.constant 0 : i32
      %dma_wait3A_295 = tpu.memref_slice %arg6[%run_scoped3A_218, %dma_wait3A_293, %dma_wait3A_294] : memref<2x128x128xf32, #tpu.memory_space<vmem>> -> memref<1x128x128xf32, #tpu.memory_space<vmem>>
      %dma_wait3A_296 = tpu.memref_squeeze %dma_wait3A_295 : memref<1x128x128xf32, #tpu.memory_space<vmem>> -> memref<128x128xf32, #tpu.memory_space<vmem>>
      %dma_wait3A_297 = arith.constant 0 : i32
      %dma_wait3A_298 = tpu.memref_slice %arg4[%mul3A_217, %dma_wait3A_297] : memref<36864x128xf32, #tpu.memory_space<hbm>> -> memref<128x128xf32, #tpu.memory_space<hbm>>
      %dma_wait3A_299 = arith.constant 0 : i32
      %dma_wait3A_300 = tpu.memref_slice %arg4[%mul3A_217, %dma_wait3A_299] : memref<36864x128xf32, #tpu.memory_space<hbm>> -> memref<128x128xf32, #tpu.memory_space<hbm>>
      %dma_wait3A_301 = arith.constant 0 : i32
      %dma_wait3A_302 = arith.constant 0 : i32
      %dma_wait3A_303 = tpu.memref_slice %arg6[%run_scoped3A_218, %dma_wait3A_301, %dma_wait3A_302] : memref<2x128x128xf32, #tpu.memory_space<vmem>> -> memref<1x128x128xf32, #tpu.memory_space<vmem>>
      %dma_wait3A_304 = tpu.memref_squeeze %dma_wait3A_303 : memref<1x128x128xf32, #tpu.memory_space<vmem>> -> memref<128x128xf32, #tpu.memory_space<vmem>>
      tpu.wait_dma2 semaphore(%run_scoped3A_280 : memref<!tpu.dma_semaphore, #tpu.memory_space<semaphore_mem>>) src(%dma_wait3A_304 : memref<128x128xf32, #tpu.memory_space<vmem>>) dst(%dma_wait3A_300 : memref<128x128xf32, #tpu.memory_space<hbm>>)
      tpu.yield
    }) : () -> ()
    %dma_wait3A_219 = arith.constant 0 : i32
    %dma_wait3A_220 = arith.constant 0 : i32
    %dma_wait3A_221 = arith.constant 0 : i32
    %dma_wait3A_222 = tpu.memref_slice %arg6[%dma_wait3A_219, %dma_wait3A_220, %dma_wait3A_221] : memref<2x128x128xf32, #tpu.memory_space<vmem>> -> memref<1x128x128xf32, #tpu.memory_space<vmem>>
    %dma_wait3A_223 = tpu.memref_squeeze %dma_wait3A_222 : memref<1x128x128xf32, #tpu.memory_space<vmem>> -> memref<128x128xf32, #tpu.memory_space<vmem>>
    %dma_wait3A_224 = arith.constant 0 : i32
    %dma_wait3A_225 = tpu.memref_slice %arg5[%add3A_173, %dma_wait3A_224] : memref<16x128xi32, #tpu.memory_space<vmem>> -> memref<1x128xi32, #tpu.memory_space<vmem>>
    %dma_wait3A_226 = tpu.memref_squeeze %dma_wait3A_225 : memref<1x128xi32, #tpu.memory_space<vmem>> -> memref<128xi32, #tpu.memory_space<vmem>>
    %dma_wait3A_227 = arith.constant 0 : i32
    %dma_wait3A_228 = arith.constant 0 : i32
    %dma_wait3A_229 = tpu.memref_slice %arg2[%dma_wait3A_227, %dma_wait3A_228] : memref<8192x128xf32, #tpu.memory_space<hbm>> -> memref<8192x128xf32, #tpu.memory_space<hbm>>
    tpu.wait_indirect_dma semaphore(%arg7 : memref<!tpu.dma_semaphore, #tpu.memory_space<semaphore_mem>>) src(%dma_wait3A_229 : memref<8192x128xf32, #tpu.memory_space<hbm>>) dst(%dma_wait3A_223 : memref<128x128xf32, #tpu.memory_space<vmem>>)
    %add3A_230 = arith.constant 8 : i32
    %add3A_231 = arith.addi %sub3A_21, %add3A_230 : i32
    %dma_start3A_232 = arith.constant 0 : i32
    %dma_start3A_233 = arith.constant 0 : i32
    %dma_start3A_234 = arith.constant 0 : i32
    %dma_start3A_235 = tpu.memref_slice %arg6[%dma_start3A_232, %dma_start3A_233, %dma_start3A_234] : memref<2x128x128xf32, #tpu.memory_space<vmem>> -> memref<1x128x128xf32, #tpu.memory_space<vmem>>
    %dma_start3A_236 = tpu.memref_squeeze %dma_start3A_235 : memref<1x128x128xf32, #tpu.memory_space<vmem>> -> memref<128x128xf32, #tpu.memory_space<vmem>>
    %dma_start3A_237 = arith.constant 0 : i32
    %dma_start3A_238 = tpu.memref_slice %arg5[%add3A_231, %dma_start3A_237] : memref<16x128xi32, #tpu.memory_space<vmem>> -> memref<1x128xi32, #tpu.memory_space<vmem>>
    %dma_start3A_239 = tpu.memref_squeeze %dma_start3A_238 : memref<1x128xi32, #tpu.memory_space<vmem>> -> memref<128xi32, #tpu.memory_space<vmem>>
    %dma_start3A_240 = arith.constant 0 : i32
    %dma_start3A_241 = arith.constant 0 : i32
    %dma_start3A_242 = tpu.memref_slice %arg2[%dma_start3A_240, %dma_start3A_241] : memref<8192x128xf32, #tpu.memory_space<hbm>> -> memref<8192x128xf32, #tpu.memory_space<hbm>>
    tpu.enqueue_indirect_dma source(%dma_start3A_242 : memref<8192x128xf32, #tpu.memory_space<hbm>>) target(%dma_start3A_236 : memref<128x128xf32, #tpu.memory_space<vmem>>) offsets(%dma_start3A_239 : memref<128xi32, #tpu.memory_space<vmem>>) semaphore(%arg7 : memref<!tpu.dma_semaphore, #tpu.memory_space<semaphore_mem>>)
    %add3A_243 = arith.constant 6 : i32
    %add3A_244 = arith.addi %mul3A_2, %add3A_243 : i32
    %mul3A_245 = arith.constant 128 : i32
    %mul3A_246 = arith.muli %add3A_244, %mul3A_245 : i32
    %run_scoped3A_247 = arith.constant 0 : i32
    "tpu.region"() ({
      %run_scoped3A_280 = tpu.sem_alloc : memref<!tpu.dma_semaphore, #tpu.memory_space<semaphore_mem>>
      %dma_start3A_281 = arith.constant 0 : i32
      %dma_start3A_282 = arith.constant 0 : i32
      %dma_start3A_283 = tpu.memref_slice %arg6[%run_scoped3A_247, %dma_start3A_281, %dma_start3A_282] : memref<2x128x128xf32, #tpu.memory_space<vmem>> -> memref<1x128x128xf32, #tpu.memory_space<vmem>>
      %dma_start3A_284 = tpu.memref_squeeze %dma_start3A_283 : memref<1x128x128xf32, #tpu.memory_space<vmem>> -> memref<128x128xf32, #tpu.memory_space<vmem>>
      %dma_start3A_285 = arith.constant 0 : i32
      %dma_start3A_286 = tpu.memref_slice %arg4[%mul3A_246, %dma_start3A_285] : memref<36864x128xf32, #tpu.memory_space<hbm>> -> memref<128x128xf32, #tpu.memory_space<hbm>>
      %dma_start3A_287 = arith.constant 0 : i32
      %dma_start3A_288 = tpu.memref_slice %arg4[%mul3A_246, %dma_start3A_287] : memref<36864x128xf32, #tpu.memory_space<hbm>> -> memref<128x128xf32, #tpu.memory_space<hbm>>
      %dma_start3A_289 = arith.constant 0 : i32
      %dma_start3A_290 = arith.constant 0 : i32
      %dma_start3A_291 = tpu.memref_slice %arg6[%run_scoped3A_247, %dma_start3A_289, %dma_start3A_290] : memref<2x128x128xf32, #tpu.memory_space<vmem>> -> memref<1x128x128xf32, #tpu.memory_space<vmem>>
      %dma_start3A_292 = tpu.memref_squeeze %dma_start3A_291 : memref<1x128x128xf32, #tpu.memory_space<vmem>> -> memref<128x128xf32, #tpu.memory_space<vmem>>
      tpu.enqueue_dma source(%dma_start3A_292 : memref<128x128xf32, #tpu.memory_space<vmem>>) target(%dma_start3A_288 : memref<128x128xf32, #tpu.memory_space<hbm>>) target_semaphore(%run_scoped3A_280 : memref<!tpu.dma_semaphore, #tpu.memory_space<semaphore_mem>>)
      %dma_wait3A_293 = arith.constant 0 : i32
      %dma_wait3A_294 = arith.constant 0 : i32
      %dma_wait3A_295 = tpu.memref_slice %arg6[%run_scoped3A_247, %dma_wait3A_293, %dma_wait3A_294] : memref<2x128x128xf32, #tpu.memory_space<vmem>> -> memref<1x128x128xf32, #tpu.memory_space<vmem>>
      %dma_wait3A_296 = tpu.memref_squeeze %dma_wait3A_295 : memref<1x128x128xf32, #tpu.memory_space<vmem>> -> memref<128x128xf32, #tpu.memory_space<vmem>>
      %dma_wait3A_297 = arith.constant 0 : i32
      %dma_wait3A_298 = tpu.memref_slice %arg4[%mul3A_246, %dma_wait3A_297] : memref<36864x128xf32, #tpu.memory_space<hbm>> -> memref<128x128xf32, #tpu.memory_space<hbm>>
      %dma_wait3A_299 = arith.constant 0 : i32
      %dma_wait3A_300 = tpu.memref_slice %arg4[%mul3A_246, %dma_wait3A_299] : memref<36864x128xf32, #tpu.memory_space<hbm>> -> memref<128x128xf32, #tpu.memory_space<hbm>>
      %dma_wait3A_301 = arith.constant 0 : i32
      %dma_wait3A_302 = arith.constant 0 : i32
      %dma_wait3A_303 = tpu.memref_slice %arg6[%run_scoped3A_247, %dma_wait3A_301, %dma_wait3A_302] : memref<2x128x128xf32, #tpu.memory_space<vmem>> -> memref<1x128x128xf32, #tpu.memory_space<vmem>>
      %dma_wait3A_304 = tpu.memref_squeeze %dma_wait3A_303 : memref<1x128x128xf32, #tpu.memory_space<vmem>> -> memref<128x128xf32, #tpu.memory_space<vmem>>
      tpu.wait_dma2 semaphore(%run_scoped3A_280 : memref<!tpu.dma_semaphore, #tpu.memory_space<semaphore_mem>>) src(%dma_wait3A_304 : memref<128x128xf32, #tpu.memory_space<vmem>>) dst(%dma_wait3A_300 : memref<128x128xf32, #tpu.memory_space<hbm>>)
      tpu.yield
    }) : () -> ()
    %dma_wait3A_248 = arith.constant 1 : i32
    %dma_wait3A_249 = arith.constant 0 : i32
    %dma_wait3A_250 = arith.constant 0 : i32
    %dma_wait3A_251 = tpu.memref_slice %arg6[%dma_wait3A_248, %dma_wait3A_249, %dma_wait3A_250] : memref<2x128x128xf32, #tpu.memory_space<vmem>> -> memref<1x128x128xf32, #tpu.memory_space<vmem>>
    %dma_wait3A_252 = tpu.memref_squeeze %dma_wait3A_251 : memref<1x128x128xf32, #tpu.memory_space<vmem>> -> memref<128x128xf32, #tpu.memory_space<vmem>>
    %dma_wait3A_253 = arith.constant 0 : i32
    %dma_wait3A_254 = tpu.memref_slice %arg5[%add3A_202, %dma_wait3A_253] : memref<16x128xi32, #tpu.memory_space<vmem>> -> memref<1x128xi32, #tpu.memory_space<vmem>>
    %dma_wait3A_255 = tpu.memref_squeeze %dma_wait3A_254 : memref<1x128xi32, #tpu.memory_space<vmem>> -> memref<128xi32, #tpu.memory_space<vmem>>
    %dma_wait3A_256 = arith.constant 0 : i32
    %dma_wait3A_257 = arith.constant 0 : i32
    %dma_wait3A_258 = tpu.memref_slice %arg2[%dma_wait3A_256, %dma_wait3A_257] : memref<8192x128xf32, #tpu.memory_space<hbm>> -> memref<8192x128xf32, #tpu.memory_space<hbm>>
    tpu.wait_indirect_dma semaphore(%arg8 : memref<!tpu.dma_semaphore, #tpu.memory_space<semaphore_mem>>) src(%dma_wait3A_258 : memref<8192x128xf32, #tpu.memory_space<hbm>>) dst(%dma_wait3A_252 : memref<128x128xf32, #tpu.memory_space<vmem>>)
    %add3A_259 = arith.constant 7 : i32
    %add3A_260 = arith.addi %mul3A_2, %add3A_259 : i32
    %mul3A_261 = arith.constant 128 : i32
    %mul3A_262 = arith.muli %add3A_260, %mul3A_261 : i32
    %run_scoped3A_263 = arith.constant 1 : i32
    "tpu.region"() ({
      %run_scoped3A_280 = tpu.sem_alloc : memref<!tpu.dma_semaphore, #tpu.memory_space<semaphore_mem>>
      %dma_start3A_281 = arith.constant 0 : i32
      %dma_start3A_282 = arith.constant 0 : i32
      %dma_start3A_283 = tpu.memref_slice %arg6[%run_scoped3A_263, %dma_start3A_281, %dma_start3A_282] : memref<2x128x128xf32, #tpu.memory_space<vmem>> -> memref<1x128x128xf32, #tpu.memory_space<vmem>>
      %dma_start3A_284 = tpu.memref_squeeze %dma_start3A_283 : memref<1x128x128xf32, #tpu.memory_space<vmem>> -> memref<128x128xf32, #tpu.memory_space<vmem>>
      %dma_start3A_285 = arith.constant 0 : i32
      %dma_start3A_286 = tpu.memref_slice %arg4[%mul3A_262, %dma_start3A_285] : memref<36864x128xf32, #tpu.memory_space<hbm>> -> memref<128x128xf32, #tpu.memory_space<hbm>>
      %dma_start3A_287 = arith.constant 0 : i32
      %dma_start3A_288 = tpu.memref_slice %arg4[%mul3A_262, %dma_start3A_287] : memref<36864x128xf32, #tpu.memory_space<hbm>> -> memref<128x128xf32, #tpu.memory_space<hbm>>
      %dma_start3A_289 = arith.constant 0 : i32
      %dma_start3A_290 = arith.constant 0 : i32
      %dma_start3A_291 = tpu.memref_slice %arg6[%run_scoped3A_263, %dma_start3A_289, %dma_start3A_290] : memref<2x128x128xf32, #tpu.memory_space<vmem>> -> memref<1x128x128xf32, #tpu.memory_space<vmem>>
      %dma_start3A_292 = tpu.memref_squeeze %dma_start3A_291 : memref<1x128x128xf32, #tpu.memory_space<vmem>> -> memref<128x128xf32, #tpu.memory_space<vmem>>
      tpu.enqueue_dma source(%dma_start3A_292 : memref<128x128xf32, #tpu.memory_space<vmem>>) target(%dma_start3A_288 : memref<128x128xf32, #tpu.memory_space<hbm>>) target_semaphore(%run_scoped3A_280 : memref<!tpu.dma_semaphore, #tpu.memory_space<semaphore_mem>>)
      %dma_wait3A_293 = arith.constant 0 : i32
      %dma_wait3A_294 = arith.constant 0 : i32
      %dma_wait3A_295 = tpu.memref_slice %arg6[%run_scoped3A_263, %dma_wait3A_293, %dma_wait3A_294] : memref<2x128x128xf32, #tpu.memory_space<vmem>> -> memref<1x128x128xf32, #tpu.memory_space<vmem>>
      %dma_wait3A_296 = tpu.memref_squeeze %dma_wait3A_295 : memref<1x128x128xf32, #tpu.memory_space<vmem>> -> memref<128x128xf32, #tpu.memory_space<vmem>>
      %dma_wait3A_297 = arith.constant 0 : i32
      %dma_wait3A_298 = tpu.memref_slice %arg4[%mul3A_262, %dma_wait3A_297] : memref<36864x128xf32, #tpu.memory_space<hbm>> -> memref<128x128xf32, #tpu.memory_space<hbm>>
      %dma_wait3A_299 = arith.constant 0 : i32
      %dma_wait3A_300 = tpu.memref_slice %arg4[%mul3A_262, %dma_wait3A_299] : memref<36864x128xf32, #tpu.memory_space<hbm>> -> memref<128x128xf32, #tpu.memory_space<hbm>>
      %dma_wait3A_301 = arith.constant 0 : i32
      %dma_wait3A_302 = arith.constant 0 : i32
      %dma_wait3A_303 = tpu.memref_slice %arg6[%run_scoped3A_263, %dma_wait3A_301, %dma_wait3A_302] : memref<2x128x128xf32, #tpu.memory_space<vmem>> -> memref<1x128x128xf32, #tpu.memory_space<vmem>>
      %dma_wait3A_304 = tpu.memref_squeeze %dma_wait3A_303 : memref<1x128x128xf32, #tpu.memory_space<vmem>> -> memref<128x128xf32, #tpu.memory_space<vmem>>
      tpu.wait_dma2 semaphore(%run_scoped3A_280 : memref<!tpu.dma_semaphore, #tpu.memory_space<semaphore_mem>>) src(%dma_wait3A_304 : memref<128x128xf32, #tpu.memory_space<vmem>>) dst(%dma_wait3A_300 : memref<128x128xf32, #tpu.memory_space<hbm>>)
      tpu.yield
    }) : () -> ()
    %dma_wait3A_264 = arith.constant 0 : i32
    %dma_wait3A_265 = arith.constant 0 : i32
    %dma_wait3A_266 = arith.constant 0 : i32
    %dma_wait3A_267 = tpu.memref_slice %arg6[%dma_wait3A_264, %dma_wait3A_265, %dma_wait3A_266] : memref<2x128x128xf32, #tpu.memory_space<vmem>> -> memref<1x128x128xf32, #tpu.memory_space<vmem>>
    %dma_wait3A_268 = tpu.memref_squeeze %dma_wait3A_267 : memref<1x128x128xf32, #tpu.memory_space<vmem>> -> memref<128x128xf32, #tpu.memory_space<vmem>>
    %dma_wait3A_269 = arith.constant 0 : i32
    %dma_wait3A_270 = tpu.memref_slice %arg5[%add3A_231, %dma_wait3A_269] : memref<16x128xi32, #tpu.memory_space<vmem>> -> memref<1x128xi32, #tpu.memory_space<vmem>>
    %dma_wait3A_271 = tpu.memref_squeeze %dma_wait3A_270 : memref<1x128xi32, #tpu.memory_space<vmem>> -> memref<128xi32, #tpu.memory_space<vmem>>
    %dma_wait3A_272 = arith.constant 0 : i32
    %dma_wait3A_273 = arith.constant 0 : i32
    %dma_wait3A_274 = tpu.memref_slice %arg2[%dma_wait3A_272, %dma_wait3A_273] : memref<8192x128xf32, #tpu.memory_space<hbm>> -> memref<8192x128xf32, #tpu.memory_space<hbm>>
    tpu.wait_indirect_dma semaphore(%arg7 : memref<!tpu.dma_semaphore, #tpu.memory_space<semaphore_mem>>) src(%dma_wait3A_274 : memref<8192x128xf32, #tpu.memory_space<hbm>>) dst(%dma_wait3A_268 : memref<128x128xf32, #tpu.memory_space<vmem>>)
    %add3A_275 = arith.constant 8 : i32
    %add3A_276 = arith.addi %mul3A_2, %add3A_275 : i32
    %mul3A_277 = arith.constant 128 : i32
    %mul3A_278 = arith.muli %add3A_276, %mul3A_277 : i32
    %run_scoped3A_279 = arith.constant 0 : i32
    "tpu.region"() ({
      %run_scoped3A_280 = tpu.sem_alloc : memref<!tpu.dma_semaphore, #tpu.memory_space<semaphore_mem>>
      %dma_start3A_281 = arith.constant 0 : i32
      %dma_start3A_282 = arith.constant 0 : i32
      %dma_start3A_283 = tpu.memref_slice %arg6[%run_scoped3A_279, %dma_start3A_281, %dma_start3A_282] : memref<2x128x128xf32, #tpu.memory_space<vmem>> -> memref<1x128x128xf32, #tpu.memory_space<vmem>>
      %dma_start3A_284 = tpu.memref_squeeze %dma_start3A_283 : memref<1x128x128xf32, #tpu.memory_space<vmem>> -> memref<128x128xf32, #tpu.memory_space<vmem>>
      %dma_start3A_285 = arith.constant 0 : i32
      %dma_start3A_286 = tpu.memref_slice %arg4[%mul3A_278, %dma_start3A_285] : memref<36864x128xf32, #tpu.memory_space<hbm>> -> memref<128x128xf32, #tpu.memory_space<hbm>>
      %dma_start3A_287 = arith.constant 0 : i32
      %dma_start3A_288 = tpu.memref_slice %arg4[%mul3A_278, %dma_start3A_287] : memref<36864x128xf32, #tpu.memory_space<hbm>> -> memref<128x128xf32, #tpu.memory_space<hbm>>
      %dma_start3A_289 = arith.constant 0 : i32
      %dma_start3A_290 = arith.constant 0 : i32
      %dma_start3A_291 = tpu.memref_slice %arg6[%run_scoped3A_279, %dma_start3A_289, %dma_start3A_290] : memref<2x128x128xf32, #tpu.memory_space<vmem>> -> memref<1x128x128xf32, #tpu.memory_space<vmem>>
      %dma_start3A_292 = tpu.memref_squeeze %dma_start3A_291 : memref<1x128x128xf32, #tpu.memory_space<vmem>> -> memref<128x128xf32, #tpu.memory_space<vmem>>
      tpu.enqueue_dma source(%dma_start3A_292 : memref<128x128xf32, #tpu.memory_space<vmem>>) target(%dma_start3A_288 : memref<128x128xf32, #tpu.memory_space<hbm>>) target_semaphore(%run_scoped3A_280 : memref<!tpu.dma_semaphore, #tpu.memory_space<semaphore_mem>>)
      %dma_wait3A_293 = arith.constant 0 : i32
      %dma_wait3A_294 = arith.constant 0 : i32
      %dma_wait3A_295 = tpu.memref_slice %arg6[%run_scoped3A_279, %dma_wait3A_293, %dma_wait3A_294] : memref<2x128x128xf32, #tpu.memory_space<vmem>> -> memref<1x128x128xf32, #tpu.memory_space<vmem>>
      %dma_wait3A_296 = tpu.memref_squeeze %dma_wait3A_295 : memref<1x128x128xf32, #tpu.memory_space<vmem>> -> memref<128x128xf32, #tpu.memory_space<vmem>>
      %dma_wait3A_297 = arith.constant 0 : i32
      %dma_wait3A_298 = tpu.memref_slice %arg4[%mul3A_278, %dma_wait3A_297] : memref<36864x128xf32, #tpu.memory_space<hbm>> -> memref<128x128xf32, #tpu.memory_space<hbm>>
      %dma_wait3A_299 = arith.constant 0 : i32
      %dma_wait3A_300 = tpu.memref_slice %arg4[%mul3A_278, %dma_wait3A_299] : memref<36864x128xf32, #tpu.memory_space<hbm>> -> memref<128x128xf32, #tpu.memory_space<hbm>>
      %dma_wait3A_301 = arith.constant 0 : i32
      %dma_wait3A_302 = arith.constant 0 : i32
      %dma_wait3A_303 = tpu.memref_slice %arg6[%run_scoped3A_279, %dma_wait3A_301, %dma_wait3A_302] : memref<2x128x128xf32, #tpu.memory_space<vmem>> -> memref<1x128x128xf32, #tpu.memory_space<vmem>>
      %dma_wait3A_304 = tpu.memref_squeeze %dma_wait3A_303 : memref<1x128x128xf32, #tpu.memory_space<vmem>> -> memref<128x128xf32, #tpu.memory_space<vmem>>
      tpu.wait_dma2 semaphore(%run_scoped3A_280 : memref<!tpu.dma_semaphore, #tpu.memory_space<semaphore_mem>>) src(%dma_wait3A_304 : memref<128x128xf32, #tpu.memory_space<vmem>>) dst(%dma_wait3A_300 : memref<128x128xf32, #tpu.memory_space<hbm>>)
      tpu.yield
    }) : () -> ()
    return
  }
}

#map = affine_map<(d0, d1) -> (0, 0)>
module attributes {stable_mosaic.version = 14 : i64} {
  func.func @_gather_body(%arg0: i32, %arg1: i32, %arg2: memref<8192x128xf32, #tpu.memory_space<hbm>>, %arg3: memref<288x128xi32, #tpu.memory_space<hbm>>, %arg4: memref<36864x128xf32, #tpu.memory_space<hbm>>, %arg5: memref<16x128xi32, #tpu.memory_space<vmem>>, %arg6: memref<2x128x128xf32, #tpu.memory_space<vmem>>, %arg7: memref<!tpu.dma_semaphore, #tpu.memory_space<semaphore_mem>>, %arg8: memref<!tpu.dma_semaphore, #tpu.memory_space<semaphore_mem>>) attributes {dimension_semantics = [#tpu.dimension_semantics<core_parallel>, #tpu.dimension_semantics<subcore_parallel>], iteration_bounds = array<i64: 2, 16>, scalar_prefetch = 0 : i64, scratch_operands = 4 : i64, tpu.core_type = #tpu.core_type<sc_vector_subcore>, window_params = [{transform_indices = #map}, {transform_indices = #map}, {transform_indices = #map}]} {
    %mul3A = arith.constant 2 : i32
    %mul3A_0 = arith.muli %arg1, %mul3A : i32
    %add3A = arith.addi %mul3A_0, %arg0 : i32
    %mul3A_1 = arith.constant 9 : i32
    %mul3A_2 = arith.muli %add3A, %mul3A_1 : i32
    %jit3A = arith.constant 8 : i32
    %div3A = arith.divsi %mul3A_2, %jit3A : i32
    %sign3A = arith.constant 0 : i32
    %sign3A_3 = arith.cmpi sgt, %mul3A_2, %sign3A : i32
    %sign3A_4 = arith.extui %sign3A_3 : i1 to i32
    %sign3A_5 = arith.constant 0 : i32
    %sign3A_6 = arith.cmpi slt, %mul3A_2, %sign3A_5 : i32
    %sign3A_7 = arith.extui %sign3A_6 : i1 to i32
    %sign3A_8 = arith.subi %sign3A_4, %sign3A_7 : i32
    %sign3A_9 = arith.constant 0 : i32
    %sign3A_10 = arith.cmpi sgt, %jit3A, %sign3A_9 : i32
    %sign3A_11 = arith.extui %sign3A_10 : i1 to i32
    %sign3A_12 = arith.constant 0 : i32
    %sign3A_13 = arith.cmpi slt, %jit3A, %sign3A_12 : i32
    %sign3A_14 = arith.extui %sign3A_13 : i1 to i32
    %sign3A_15 = arith.subi %sign3A_11, %sign3A_14 : i32
    %ne3A = arith.cmpi ne, %sign3A_8, %sign3A_15 : i32
    %rem3A = arith.remsi %mul3A_2, %jit3A : i32
    %ne3A_16 = arith.constant 0 : i32
    %ne3A_17 = arith.cmpi ne, %rem3A, %ne3A_16 : i32
    %and3A = arith.andi %ne3A, %ne3A_17 : i1
    %sub3A = arith.constant 1 : i32
    %sub3A_18 = arith.subi %div3A, %sub3A : i32
    %select_n3A = arith.select %and3A, %sub3A_18, %div3A : i32
    %mul3A_19 = arith.constant 8 : i32
    %mul3A_20 = arith.muli %select_n3A, %mul3A_19 : i32
    %sub3A_21 = arith.subi %mul3A_2, %mul3A_20 : i32
    "tpu.region"() ({
      %run_scoped3A_280 = tpu.sem_alloc : memref<!tpu.dma_semaphore, #tpu.memory_space<semaphore_mem>>
      %dma_start3A_281 = arith.constant 0 : i32
      %dma_start3A_282 = tpu.memref_slice %arg3[%mul3A_20, %dma_start3A_281] : memref<288x128xi32, #tpu.memory_space<hbm>> -> memref<16x128xi32, #tpu.memory_space<hbm>>
      %dma_start3A_283 = arith.constant 0 : i32
      %dma_start3A_284 = tpu.memref_slice %arg3[%mul3A_20, %dma_start3A_283] : memref<288x128xi32, #tpu.memory_space<hbm>> -> memref<16x128xi32, #tpu.memory_space<hbm>>
      tpu.enqueue_dma source(%dma_start3A_284 : memref<16x128xi32, #tpu.memory_space<hbm>>) target(%arg5 : memref<16x128xi32, #tpu.memory_space<vmem>>) target_semaphore(%run_scoped3A_280 : memref<!tpu.dma_semaphore, #tpu.memory_space<semaphore_mem>>)
      %dma_wait3A_285 = arith.constant 0 : i32
      %dma_wait3A_286 = tpu.memref_slice %arg3[%mul3A_20, %dma_wait3A_285] : memref<288x128xi32, #tpu.memory_space<hbm>> -> memref<16x128xi32, #tpu.memory_space<hbm>>
      %dma_wait3A_287 = arith.constant 0 : i32
      %dma_wait3A_288 = tpu.memref_slice %arg3[%mul3A_20, %dma_wait3A_287] : memref<288x128xi32, #tpu.memory_space<hbm>> -> memref<16x128xi32, #tpu.memory_space<hbm>>
      tpu.wait_dma2 semaphore(%run_scoped3A_280 : memref<!tpu.dma_semaphore, #tpu.memory_space<semaphore_mem>>) src(%dma_wait3A_288 : memref<16x128xi32, #tpu.memory_space<hbm>>) dst(%arg5 : memref<16x128xi32, #tpu.memory_space<vmem>>)
      tpu.yield
    }) : () -> ()
    %add3A_22 = arith.constant 0 : i32
    %add3A_23 = arith.addi %sub3A_21, %add3A_22 : i32
    %dma_start3A = arith.constant 0 : i32
    %dma_start3A_24 = arith.constant 0 : i32
    %dma_start3A_25 = arith.constant 0 : i32
    %dma_start3A_26 = tpu.memref_slice %arg6[%dma_start3A, %dma_start3A_24, %dma_start3A_25] : memref<2x128x128xf32, #tpu.memory_space<vmem>> -> memref<1x128x128xf32, #tpu.memory_space<vmem>>
    %dma_start3A_27 = tpu.memref_squeeze %dma_start3A_26 : memref<1x128x128xf32, #tpu.memory_space<vmem>> -> memref<128x128xf32, #tpu.memory_space<vmem>>
    %dma_start3A_28 = arith.constant 0 : i32
    %dma_start3A_29 = tpu.memref_slice %arg5[%add3A_23, %dma_start3A_28] : memref<16x128xi32, #tpu.memory_space<vmem>> -> memref<1x128xi32, #tpu.memory_space<vmem>>
    %dma_start3A_30 = tpu.memref_squeeze %dma_start3A_29 : memref<1x128xi32, #tpu.memory_space<vmem>> -> memref<128xi32, #tpu.memory_space<vmem>>
    %dma_start3A_31 = arith.constant 0 : i32
    %dma_start3A_32 = arith.constant 0 : i32
    %dma_start3A_33 = tpu.memref_slice %arg2[%dma_start3A_31, %dma_start3A_32] : memref<8192x128xf32, #tpu.memory_space<hbm>> -> memref<8192x128xf32, #tpu.memory_space<hbm>>
    tpu.enqueue_indirect_dma source(%dma_start3A_33 : memref<8192x128xf32, #tpu.memory_space<hbm>>) target(%dma_start3A_27 : memref<128x128xf32, #tpu.memory_space<vmem>>) offsets(%dma_start3A_30 : memref<128xi32, #tpu.memory_space<vmem>>) semaphore(%arg7 : memref<!tpu.dma_semaphore, #tpu.memory_space<semaphore_mem>>)
    %add3A_34 = arith.constant 1 : i32
    %add3A_35 = arith.addi %sub3A_21, %add3A_34 : i32
    %dma_start3A_36 = arith.constant 1 : i32
    %dma_start3A_37 = arith.constant 0 : i32
    %dma_start3A_38 = arith.constant 0 : i32
    %dma_start3A_39 = tpu.memref_slice %arg6[%dma_start3A_36, %dma_start3A_37, %dma_start3A_38] : memref<2x128x128xf32, #tpu.memory_space<vmem>> -> memref<1x128x128xf32, #tpu.memory_space<vmem>>
    %dma_start3A_40 = tpu.memref_squeeze %dma_start3A_39 : memref<1x128x128xf32, #tpu.memory_space<vmem>> -> memref<128x128xf32, #tpu.memory_space<vmem>>
    %dma_start3A_41 = arith.constant 0 : i32
    %dma_start3A_42 = tpu.memref_slice %arg5[%add3A_35, %dma_start3A_41] : memref<16x128xi32, #tpu.memory_space<vmem>> -> memref<1x128xi32, #tpu.memory_space<vmem>>
    %dma_start3A_43 = tpu.memref_squeeze %dma_start3A_42 : memref<1x128xi32, #tpu.memory_space<vmem>> -> memref<128xi32, #tpu.memory_space<vmem>>
    %dma_start3A_44 = arith.constant 0 : i32
    %dma_start3A_45 = arith.constant 0 : i32
    %dma_start3A_46 = tpu.memref_slice %arg2[%dma_start3A_44, %dma_start3A_45] : memref<8192x128xf32, #tpu.memory_space<hbm>> -> memref<8192x128xf32, #tpu.memory_space<hbm>>
    tpu.enqueue_indirect_dma source(%dma_start3A_46 : memref<8192x128xf32, #tpu.memory_space<hbm>>) target(%dma_start3A_40 : memref<128x128xf32, #tpu.memory_space<vmem>>) offsets(%dma_start3A_43 : memref<128xi32, #tpu.memory_space<vmem>>) semaphore(%arg8 : memref<!tpu.dma_semaphore, #tpu.memory_space<semaphore_mem>>)
    %dma_wait3A = arith.constant 0 : i32
    %dma_wait3A_47 = arith.constant 0 : i32
    %dma_wait3A_48 = arith.constant 0 : i32
    %dma_wait3A_49 = tpu.memref_slice %arg6[%dma_wait3A, %dma_wait3A_47, %dma_wait3A_48] : memref<2x128x128xf32, #tpu.memory_space<vmem>> -> memref<1x128x128xf32, #tpu.memory_space<vmem>>
    %dma_wait3A_50 = tpu.memref_squeeze %dma_wait3A_49 : memref<1x128x128xf32, #tpu.memory_space<vmem>> -> memref<128x128xf32, #tpu.memory_space<vmem>>
    %dma_wait3A_51 = arith.constant 0 : i32
    %dma_wait3A_52 = tpu.memref_slice %arg5[%add3A_23, %dma_wait3A_51] : memref<16x128xi32, #tpu.memory_space<vmem>> -> memref<1x128xi32, #tpu.memory_space<vmem>>
    %dma_wait3A_53 = tpu.memref_squeeze %dma_wait3A_52 : memref<1x128xi32, #tpu.memory_space<vmem>> -> memref<128xi32, #tpu.memory_space<vmem>>
    %dma_wait3A_54 = arith.constant 0 : i32
    %dma_wait3A_55 = arith.constant 0 : i32
    %dma_wait3A_56 = tpu.memref_slice %arg2[%dma_wait3A_54, %dma_wait3A_55] : memref<8192x128xf32, #tpu.memory_space<hbm>> -> memref<8192x128xf32, #tpu.memory_space<hbm>>
    tpu.wait_indirect_dma semaphore(%arg7 : memref<!tpu.dma_semaphore, #tpu.memory_space<semaphore_mem>>) src(%dma_wait3A_56 : memref<8192x128xf32, #tpu.memory_space<hbm>>) dst(%dma_wait3A_50 : memref<128x128xf32, #tpu.memory_space<vmem>>)
    %add3A_57 = arith.constant 2 : i32
    %add3A_58 = arith.addi %sub3A_21, %add3A_57 : i32
    %dma_start3A_59 = arith.constant 0 : i32
    %dma_start3A_60 = arith.constant 0 : i32
    %dma_start3A_61 = arith.constant 0 : i32
    %dma_start3A_62 = tpu.memref_slice %arg6[%dma_start3A_59, %dma_start3A_60, %dma_start3A_61] : memref<2x128x128xf32, #tpu.memory_space<vmem>> -> memref<1x128x128xf32, #tpu.memory_space<vmem>>
    %dma_start3A_63 = tpu.memref_squeeze %dma_start3A_62 : memref<1x128x128xf32, #tpu.memory_space<vmem>> -> memref<128x128xf32, #tpu.memory_space<vmem>>
    %dma_start3A_64 = arith.constant 0 : i32
    %dma_start3A_65 = tpu.memref_slice %arg5[%add3A_58, %dma_start3A_64] : memref<16x128xi32, #tpu.memory_space<vmem>> -> memref<1x128xi32, #tpu.memory_space<vmem>>
    %dma_start3A_66 = tpu.memref_squeeze %dma_start3A_65 : memref<1x128xi32, #tpu.memory_space<vmem>> -> memref<128xi32, #tpu.memory_space<vmem>>
    %dma_start3A_67 = arith.constant 0 : i32
    %dma_start3A_68 = arith.constant 0 : i32
    %dma_start3A_69 = tpu.memref_slice %arg2[%dma_start3A_67, %dma_start3A_68] : memref<8192x128xf32, #tpu.memory_space<hbm>> -> memref<8192x128xf32, #tpu.memory_space<hbm>>
    tpu.enqueue_indirect_dma source(%dma_start3A_69 : memref<8192x128xf32, #tpu.memory_space<hbm>>) target(%dma_start3A_63 : memref<128x128xf32, #tpu.memory_space<vmem>>) offsets(%dma_start3A_66 : memref<128xi32, #tpu.memory_space<vmem>>) semaphore(%arg7 : memref<!tpu.dma_semaphore, #tpu.memory_space<semaphore_mem>>)
    %add3A_70 = arith.constant 0 : i32
    %add3A_71 = arith.addi %mul3A_2, %add3A_70 : i32
    %mul3A_72 = arith.constant 128 : i32
    %mul3A_73 = arith.muli %add3A_71, %mul3A_72 : i32
    %run_scoped3A = arith.constant 0 : i32
    "tpu.region"() ({
      %run_scoped3A_280 = tpu.sem_alloc : memref<!tpu.dma_semaphore, #tpu.memory_space<semaphore_mem>>
      %dma_start3A_281 = arith.constant 0 : i32
      %dma_start3A_282 = arith.constant 0 : i32
      %dma_start3A_283 = tpu.memref_slice %arg6[%run_scoped3A, %dma_start3A_281, %dma_start3A_282] : memref<2x128x128xf32, #tpu.memory_space<vmem>> -> memref<1x128x128xf32, #tpu.memory_space<vmem>>
      %dma_start3A_284 = tpu.memref_squeeze %dma_start3A_283 : memref<1x128x128xf32, #tpu.memory_space<vmem>> -> memref<128x128xf32, #tpu.memory_space<vmem>>
      %dma_start3A_285 = arith.constant 0 : i32
      %dma_start3A_286 = tpu.memref_slice %arg4[%mul3A_73, %dma_start3A_285] : memref<36864x128xf32, #tpu.memory_space<hbm>> -> memref<128x128xf32, #tpu.memory_space<hbm>>
      %dma_start3A_287 = arith.constant 0 : i32
      %dma_start3A_288 = tpu.memref_slice %arg4[%mul3A_73, %dma_start3A_287] : memref<36864x128xf32, #tpu.memory_space<hbm>> -> memref<128x128xf32, #tpu.memory_space<hbm>>
      %dma_start3A_289 = arith.constant 0 : i32
      %dma_start3A_290 = arith.constant 0 : i32
      %dma_start3A_291 = tpu.memref_slice %arg6[%run_scoped3A, %dma_start3A_289, %dma_start3A_290] : memref<2x128x128xf32, #tpu.memory_space<vmem>> -> memref<1x128x128xf32, #tpu.memory_space<vmem>>
      %dma_start3A_292 = tpu.memref_squeeze %dma_start3A_291 : memref<1x128x128xf32, #tpu.memory_space<vmem>> -> memref<128x128xf32, #tpu.memory_space<vmem>>
      tpu.enqueue_dma source(%dma_start3A_292 : memref<128x128xf32, #tpu.memory_space<vmem>>) target(%dma_start3A_288 : memref<128x128xf32, #tpu.memory_space<hbm>>) target_semaphore(%run_scoped3A_280 : memref<!tpu.dma_semaphore, #tpu.memory_space<semaphore_mem>>)
      %dma_wait3A_293 = arith.constant 0 : i32
      %dma_wait3A_294 = arith.constant 0 : i32
      %dma_wait3A_295 = tpu.memref_slice %arg6[%run_scoped3A, %dma_wait3A_293, %dma_wait3A_294] : memref<2x128x128xf32, #tpu.memory_space<vmem>> -> memref<1x128x128xf32, #tpu.memory_space<vmem>>
      %dma_wait3A_296 = tpu.memref_squeeze %dma_wait3A_295 : memref<1x128x128xf32, #tpu.memory_space<vmem>> -> memref<128x128xf32, #tpu.memory_space<vmem>>
      %dma_wait3A_297 = arith.constant 0 : i32
      %dma_wait3A_298 = tpu.memref_slice %arg4[%mul3A_73, %dma_wait3A_297] : memref<36864x128xf32, #tpu.memory_space<hbm>> -> memref<128x128xf32, #tpu.memory_space<hbm>>
      %dma_wait3A_299 = arith.constant 0 : i32
      %dma_wait3A_300 = tpu.memref_slice %arg4[%mul3A_73, %dma_wait3A_299] : memref<36864x128xf32, #tpu.memory_space<hbm>> -> memref<128x128xf32, #tpu.memory_space<hbm>>
      %dma_wait3A_301 = arith.constant 0 : i32
      %dma_wait3A_302 = arith.constant 0 : i32
      %dma_wait3A_303 = tpu.memref_slice %arg6[%run_scoped3A, %dma_wait3A_301, %dma_wait3A_302] : memref<2x128x128xf32, #tpu.memory_space<vmem>> -> memref<1x128x128xf32, #tpu.memory_space<vmem>>
      %dma_wait3A_304 = tpu.memref_squeeze %dma_wait3A_303 : memref<1x128x128xf32, #tpu.memory_space<vmem>> -> memref<128x128xf32, #tpu.memory_space<vmem>>
      tpu.wait_dma2 semaphore(%run_scoped3A_280 : memref<!tpu.dma_semaphore, #tpu.memory_space<semaphore_mem>>) src(%dma_wait3A_304 : memref<128x128xf32, #tpu.memory_space<vmem>>) dst(%dma_wait3A_300 : memref<128x128xf32, #tpu.memory_space<hbm>>)
      tpu.yield
    }) : () -> ()
    %dma_wait3A_74 = arith.constant 1 : i32
    %dma_wait3A_75 = arith.constant 0 : i32
    %dma_wait3A_76 = arith.constant 0 : i32
    %dma_wait3A_77 = tpu.memref_slice %arg6[%dma_wait3A_74, %dma_wait3A_75, %dma_wait3A_76] : memref<2x128x128xf32, #tpu.memory_space<vmem>> -> memref<1x128x128xf32, #tpu.memory_space<vmem>>
    %dma_wait3A_78 = tpu.memref_squeeze %dma_wait3A_77 : memref<1x128x128xf32, #tpu.memory_space<vmem>> -> memref<128x128xf32, #tpu.memory_space<vmem>>
    %dma_wait3A_79 = arith.constant 0 : i32
    %dma_wait3A_80 = tpu.memref_slice %arg5[%add3A_35, %dma_wait3A_79] : memref<16x128xi32, #tpu.memory_space<vmem>> -> memref<1x128xi32, #tpu.memory_space<vmem>>
    %dma_wait3A_81 = tpu.memref_squeeze %dma_wait3A_80 : memref<1x128xi32, #tpu.memory_space<vmem>> -> memref<128xi32, #tpu.memory_space<vmem>>
    %dma_wait3A_82 = arith.constant 0 : i32
    %dma_wait3A_83 = arith.constant 0 : i32
    %dma_wait3A_84 = tpu.memref_slice %arg2[%dma_wait3A_82, %dma_wait3A_83] : memref<8192x128xf32, #tpu.memory_space<hbm>> -> memref<8192x128xf32, #tpu.memory_space<hbm>>
    tpu.wait_indirect_dma semaphore(%arg8 : memref<!tpu.dma_semaphore, #tpu.memory_space<semaphore_mem>>) src(%dma_wait3A_84 : memref<8192x128xf32, #tpu.memory_space<hbm>>) dst(%dma_wait3A_78 : memref<128x128xf32, #tpu.memory_space<vmem>>)
    %add3A_85 = arith.constant 3 : i32
    %add3A_86 = arith.addi %sub3A_21, %add3A_85 : i32
    %dma_start3A_87 = arith.constant 1 : i32
    %dma_start3A_88 = arith.constant 0 : i32
    %dma_start3A_89 = arith.constant 0 : i32
    %dma_start3A_90 = tpu.memref_slice %arg6[%dma_start3A_87, %dma_start3A_88, %dma_start3A_89] : memref<2x128x128xf32, #tpu.memory_space<vmem>> -> memref<1x128x128xf32, #tpu.memory_space<vmem>>
    %dma_start3A_91 = tpu.memref_squeeze %dma_start3A_90 : memref<1x128x128xf32, #tpu.memory_space<vmem>> -> memref<128x128xf32, #tpu.memory_space<vmem>>
    %dma_start3A_92 = arith.constant 0 : i32
    %dma_start3A_93 = tpu.memref_slice %arg5[%add3A_86, %dma_start3A_92] : memref<16x128xi32, #tpu.memory_space<vmem>> -> memref<1x128xi32, #tpu.memory_space<vmem>>
    %dma_start3A_94 = tpu.memref_squeeze %dma_start3A_93 : memref<1x128xi32, #tpu.memory_space<vmem>> -> memref<128xi32, #tpu.memory_space<vmem>>
    %dma_start3A_95 = arith.constant 0 : i32
    %dma_start3A_96 = arith.constant 0 : i32
    %dma_start3A_97 = tpu.memref_slice %arg2[%dma_start3A_95, %dma_start3A_96] : memref<8192x128xf32, #tpu.memory_space<hbm>> -> memref<8192x128xf32, #tpu.memory_space<hbm>>
    tpu.enqueue_indirect_dma source(%dma_start3A_97 : memref<8192x128xf32, #tpu.memory_space<hbm>>) target(%dma_start3A_91 : memref<128x128xf32, #tpu.memory_space<vmem>>) offsets(%dma_start3A_94 : memref<128xi32, #tpu.memory_space<vmem>>) semaphore(%arg8 : memref<!tpu.dma_semaphore, #tpu.memory_space<semaphore_mem>>)
    %add3A_98 = arith.constant 1 : i32
    %add3A_99 = arith.addi %mul3A_2, %add3A_98 : i32
    %mul3A_100 = arith.constant 128 : i32
    %mul3A_101 = arith.muli %add3A_99, %mul3A_100 : i32
    %run_scoped3A_102 = arith.constant 1 : i32
    "tpu.region"() ({
      %run_scoped3A_280 = tpu.sem_alloc : memref<!tpu.dma_semaphore, #tpu.memory_space<semaphore_mem>>
      %dma_start3A_281 = arith.constant 0 : i32
      %dma_start3A_282 = arith.constant 0 : i32
      %dma_start3A_283 = tpu.memref_slice %arg6[%run_scoped3A_102, %dma_start3A_281, %dma_start3A_282] : memref<2x128x128xf32, #tpu.memory_space<vmem>> -> memref<1x128x128xf32, #tpu.memory_space<vmem>>
      %dma_start3A_284 = tpu.memref_squeeze %dma_start3A_283 : memref<1x128x128xf32, #tpu.memory_space<vmem>> -> memref<128x128xf32, #tpu.memory_space<vmem>>
      %dma_start3A_285 = arith.constant 0 : i32
      %dma_start3A_286 = tpu.memref_slice %arg4[%mul3A_101, %dma_start3A_285] : memref<36864x128xf32, #tpu.memory_space<hbm>> -> memref<128x128xf32, #tpu.memory_space<hbm>>
      %dma_start3A_287 = arith.constant 0 : i32
      %dma_start3A_288 = tpu.memref_slice %arg4[%mul3A_101, %dma_start3A_287] : memref<36864x128xf32, #tpu.memory_space<hbm>> -> memref<128x128xf32, #tpu.memory_space<hbm>>
      %dma_start3A_289 = arith.constant 0 : i32
      %dma_start3A_290 = arith.constant 0 : i32
      %dma_start3A_291 = tpu.memref_slice %arg6[%run_scoped3A_102, %dma_start3A_289, %dma_start3A_290] : memref<2x128x128xf32, #tpu.memory_space<vmem>> -> memref<1x128x128xf32, #tpu.memory_space<vmem>>
      %dma_start3A_292 = tpu.memref_squeeze %dma_start3A_291 : memref<1x128x128xf32, #tpu.memory_space<vmem>> -> memref<128x128xf32, #tpu.memory_space<vmem>>
      tpu.enqueue_dma source(%dma_start3A_292 : memref<128x128xf32, #tpu.memory_space<vmem>>) target(%dma_start3A_288 : memref<128x128xf32, #tpu.memory_space<hbm>>) target_semaphore(%run_scoped3A_280 : memref<!tpu.dma_semaphore, #tpu.memory_space<semaphore_mem>>)
      %dma_wait3A_293 = arith.constant 0 : i32
      %dma_wait3A_294 = arith.constant 0 : i32
      %dma_wait3A_295 = tpu.memref_slice %arg6[%run_scoped3A_102, %dma_wait3A_293, %dma_wait3A_294] : memref<2x128x128xf32, #tpu.memory_space<vmem>> -> memref<1x128x128xf32, #tpu.memory_space<vmem>>
      %dma_wait3A_296 = tpu.memref_squeeze %dma_wait3A_295 : memref<1x128x128xf32, #tpu.memory_space<vmem>> -> memref<128x128xf32, #tpu.memory_space<vmem>>
      %dma_wait3A_297 = arith.constant 0 : i32
      %dma_wait3A_298 = tpu.memref_slice %arg4[%mul3A_101, %dma_wait3A_297] : memref<36864x128xf32, #tpu.memory_space<hbm>> -> memref<128x128xf32, #tpu.memory_space<hbm>>
      %dma_wait3A_299 = arith.constant 0 : i32
      %dma_wait3A_300 = tpu.memref_slice %arg4[%mul3A_101, %dma_wait3A_299] : memref<36864x128xf32, #tpu.memory_space<hbm>> -> memref<128x128xf32, #tpu.memory_space<hbm>>
      %dma_wait3A_301 = arith.constant 0 : i32
      %dma_wait3A_302 = arith.constant 0 : i32
      %dma_wait3A_303 = tpu.memref_slice %arg6[%run_scoped3A_102, %dma_wait3A_301, %dma_wait3A_302] : memref<2x128x128xf32, #tpu.memory_space<vmem>> -> memref<1x128x128xf32, #tpu.memory_space<vmem>>
      %dma_wait3A_304 = tpu.memref_squeeze %dma_wait3A_303 : memref<1x128x128xf32, #tpu.memory_space<vmem>> -> memref<128x128xf32, #tpu.memory_space<vmem>>
      tpu.wait_dma2 semaphore(%run_scoped3A_280 : memref<!tpu.dma_semaphore, #tpu.memory_space<semaphore_mem>>) src(%dma_wait3A_304 : memref<128x128xf32, #tpu.memory_space<vmem>>) dst(%dma_wait3A_300 : memref<128x128xf32, #tpu.memory_space<hbm>>)
      tpu.yield
    }) : () -> ()
    %dma_wait3A_103 = arith.constant 0 : i32
    %dma_wait3A_104 = arith.constant 0 : i32
    %dma_wait3A_105 = arith.constant 0 : i32
    %dma_wait3A_106 = tpu.memref_slice %arg6[%dma_wait3A_103, %dma_wait3A_104, %dma_wait3A_105] : memref<2x128x128xf32, #tpu.memory_space<vmem>> -> memref<1x128x128xf32, #tpu.memory_space<vmem>>
    %dma_wait3A_107 = tpu.memref_squeeze %dma_wait3A_106 : memref<1x128x128xf32, #tpu.memory_space<vmem>> -> memref<128x128xf32, #tpu.memory_space<vmem>>
    %dma_wait3A_108 = arith.constant 0 : i32
    %dma_wait3A_109 = tpu.memref_slice %arg5[%add3A_58, %dma_wait3A_108] : memref<16x128xi32, #tpu.memory_space<vmem>> -> memref<1x128xi32, #tpu.memory_space<vmem>>
    %dma_wait3A_110 = tpu.memref_squeeze %dma_wait3A_109 : memref<1x128xi32, #tpu.memory_space<vmem>> -> memref<128xi32, #tpu.memory_space<vmem>>
    %dma_wait3A_111 = arith.constant 0 : i32
    %dma_wait3A_112 = arith.constant 0 : i32
    %dma_wait3A_113 = tpu.memref_slice %arg2[%dma_wait3A_111, %dma_wait3A_112] : memref<8192x128xf32, #tpu.memory_space<hbm>> -> memref<8192x128xf32, #tpu.memory_space<hbm>>
    tpu.wait_indirect_dma semaphore(%arg7 : memref<!tpu.dma_semaphore, #tpu.memory_space<semaphore_mem>>) src(%dma_wait3A_113 : memref<8192x128xf32, #tpu.memory_space<hbm>>) dst(%dma_wait3A_107 : memref<128x128xf32, #tpu.memory_space<vmem>>)
    %add3A_114 = arith.constant 4 : i32
    %add3A_115 = arith.addi %sub3A_21, %add3A_114 : i32
    %dma_start3A_116 = arith.constant 0 : i32
    %dma_start3A_117 = arith.constant 0 : i32
    %dma_start3A_118 = arith.constant 0 : i32
    %dma_start3A_119 = tpu.memref_slice %arg6[%dma_start3A_116, %dma_start3A_117, %dma_start3A_118] : memref<2x128x128xf32, #tpu.memory_space<vmem>> -> memref<1x128x128xf32, #tpu.memory_space<vmem>>
    %dma_start3A_120 = tpu.memref_squeeze %dma_start3A_119 : memref<1x128x128xf32, #tpu.memory_space<vmem>> -> memref<128x128xf32, #tpu.memory_space<vmem>>
    %dma_start3A_121 = arith.constant 0 : i32
    %dma_start3A_122 = tpu.memref_slice %arg5[%add3A_115, %dma_start3A_121] : memref<16x128xi32, #tpu.memory_space<vmem>> -> memref<1x128xi32, #tpu.memory_space<vmem>>
    %dma_start3A_123 = tpu.memref_squeeze %dma_start3A_122 : memref<1x128xi32, #tpu.memory_space<vmem>> -> memref<128xi32, #tpu.memory_space<vmem>>
    %dma_start3A_124 = arith.constant 0 : i32
    %dma_start3A_125 = arith.constant 0 : i32
    %dma_start3A_126 = tpu.memref_slice %arg2[%dma_start3A_124, %dma_start3A_125] : memref<8192x128xf32, #tpu.memory_space<hbm>> -> memref<8192x128xf32, #tpu.memory_space<hbm>>
    tpu.enqueue_indirect_dma source(%dma_start3A_126 : memref<8192x128xf32, #tpu.memory_space<hbm>>) target(%dma_start3A_120 : memref<128x128xf32, #tpu.memory_space<vmem>>) offsets(%dma_start3A_123 : memref<128xi32, #tpu.memory_space<vmem>>) semaphore(%arg7 : memref<!tpu.dma_semaphore, #tpu.memory_space<semaphore_mem>>)
    %add3A_127 = arith.constant 2 : i32
    %add3A_128 = arith.addi %mul3A_2, %add3A_127 : i32
    %mul3A_129 = arith.constant 128 : i32
    %mul3A_130 = arith.muli %add3A_128, %mul3A_129 : i32
    %run_scoped3A_131 = arith.constant 0 : i32
    "tpu.region"() ({
      %run_scoped3A_280 = tpu.sem_alloc : memref<!tpu.dma_semaphore, #tpu.memory_space<semaphore_mem>>
      %dma_start3A_281 = arith.constant 0 : i32
      %dma_start3A_282 = arith.constant 0 : i32
      %dma_start3A_283 = tpu.memref_slice %arg6[%run_scoped3A_131, %dma_start3A_281, %dma_start3A_282] : memref<2x128x128xf32, #tpu.memory_space<vmem>> -> memref<1x128x128xf32, #tpu.memory_space<vmem>>
      %dma_start3A_284 = tpu.memref_squeeze %dma_start3A_283 : memref<1x128x128xf32, #tpu.memory_space<vmem>> -> memref<128x128xf32, #tpu.memory_space<vmem>>
      %dma_start3A_285 = arith.constant 0 : i32
      %dma_start3A_286 = tpu.memref_slice %arg4[%mul3A_130, %dma_start3A_285] : memref<36864x128xf32, #tpu.memory_space<hbm>> -> memref<128x128xf32, #tpu.memory_space<hbm>>
      %dma_start3A_287 = arith.constant 0 : i32
      %dma_start3A_288 = tpu.memref_slice %arg4[%mul3A_130, %dma_start3A_287] : memref<36864x128xf32, #tpu.memory_space<hbm>> -> memref<128x128xf32, #tpu.memory_space<hbm>>
      %dma_start3A_289 = arith.constant 0 : i32
      %dma_start3A_290 = arith.constant 0 : i32
      %dma_start3A_291 = tpu.memref_slice %arg6[%run_scoped3A_131, %dma_start3A_289, %dma_start3A_290] : memref<2x128x128xf32, #tpu.memory_space<vmem>> -> memref<1x128x128xf32, #tpu.memory_space<vmem>>
      %dma_start3A_292 = tpu.memref_squeeze %dma_start3A_291 : memref<1x128x128xf32, #tpu.memory_space<vmem>> -> memref<128x128xf32, #tpu.memory_space<vmem>>
      tpu.enqueue_dma source(%dma_start3A_292 : memref<128x128xf32, #tpu.memory_space<vmem>>) target(%dma_start3A_288 : memref<128x128xf32, #tpu.memory_space<hbm>>) target_semaphore(%run_scoped3A_280 : memref<!tpu.dma_semaphore, #tpu.memory_space<semaphore_mem>>)
      %dma_wait3A_293 = arith.constant 0 : i32
      %dma_wait3A_294 = arith.constant 0 : i32
      %dma_wait3A_295 = tpu.memref_slice %arg6[%run_scoped3A_131, %dma_wait3A_293, %dma_wait3A_294] : memref<2x128x128xf32, #tpu.memory_space<vmem>> -> memref<1x128x128xf32, #tpu.memory_space<vmem>>
      %dma_wait3A_296 = tpu.memref_squeeze %dma_wait3A_295 : memref<1x128x128xf32, #tpu.memory_space<vmem>> -> memref<128x128xf32, #tpu.memory_space<vmem>>
      %dma_wait3A_297 = arith.constant 0 : i32
      %dma_wait3A_298 = tpu.memref_slice %arg4[%mul3A_130, %dma_wait3A_297] : memref<36864x128xf32, #tpu.memory_space<hbm>> -> memref<128x128xf32, #tpu.memory_space<hbm>>
      %dma_wait3A_299 = arith.constant 0 : i32
      %dma_wait3A_300 = tpu.memref_slice %arg4[%mul3A_130, %dma_wait3A_299] : memref<36864x128xf32, #tpu.memory_space<hbm>> -> memref<128x128xf32, #tpu.memory_space<hbm>>
      %dma_wait3A_301 = arith.constant 0 : i32
      %dma_wait3A_302 = arith.constant 0 : i32
      %dma_wait3A_303 = tpu.memref_slice %arg6[%run_scoped3A_131, %dma_wait3A_301, %dma_wait3A_302] : memref<2x128x128xf32, #tpu.memory_space<vmem>> -> memref<1x128x128xf32, #tpu.memory_space<vmem>>
      %dma_wait3A_304 = tpu.memref_squeeze %dma_wait3A_303 : memref<1x128x128xf32, #tpu.memory_space<vmem>> -> memref<128x128xf32, #tpu.memory_space<vmem>>
      tpu.wait_dma2 semaphore(%run_scoped3A_280 : memref<!tpu.dma_semaphore, #tpu.memory_space<semaphore_mem>>) src(%dma_wait3A_304 : memref<128x128xf32, #tpu.memory_space<vmem>>) dst(%dma_wait3A_300 : memref<128x128xf32, #tpu.memory_space<hbm>>)
      tpu.yield
    }) : () -> ()
    %dma_wait3A_132 = arith.constant 1 : i32
    %dma_wait3A_133 = arith.constant 0 : i32
    %dma_wait3A_134 = arith.constant 0 : i32
    %dma_wait3A_135 = tpu.memref_slice %arg6[%dma_wait3A_132, %dma_wait3A_133, %dma_wait3A_134] : memref<2x128x128xf32, #tpu.memory_space<vmem>> -> memref<1x128x128xf32, #tpu.memory_space<vmem>>
    %dma_wait3A_136 = tpu.memref_squeeze %dma_wait3A_135 : memref<1x128x128xf32, #tpu.memory_space<vmem>> -> memref<128x128xf32, #tpu.memory_space<vmem>>
    %dma_wait3A_137 = arith.constant 0 : i32
    %dma_wait3A_138 = tpu.memref_slice %arg5[%add3A_86, %dma_wait3A_137] : memref<16x128xi32, #tpu.memory_space<vmem>> -> memref<1x128xi32, #tpu.memory_space<vmem>>
    %dma_wait3A_139 = tpu.memref_squeeze %dma_wait3A_138 : memref<1x128xi32, #tpu.memory_space<vmem>> -> memref<128xi32, #tpu.memory_space<vmem>>
    %dma_wait3A_140 = arith.constant 0 : i32
    %dma_wait3A_141 = arith.constant 0 : i32
    %dma_wait3A_142 = tpu.memref_slice %arg2[%dma_wait3A_140, %dma_wait3A_141] : memref<8192x128xf32, #tpu.memory_space<hbm>> -> memref<8192x128xf32, #tpu.memory_space<hbm>>
    tpu.wait_indirect_dma semaphore(%arg8 : memref<!tpu.dma_semaphore, #tpu.memory_space<semaphore_mem>>) src(%dma_wait3A_142 : memref<8192x128xf32, #tpu.memory_space<hbm>>) dst(%dma_wait3A_136 : memref<128x128xf32, #tpu.memory_space<vmem>>)
    %add3A_143 = arith.constant 5 : i32
    %add3A_144 = arith.addi %sub3A_21, %add3A_143 : i32
    %dma_start3A_145 = arith.constant 1 : i32
    %dma_start3A_146 = arith.constant 0 : i32
    %dma_start3A_147 = arith.constant 0 : i32
    %dma_start3A_148 = tpu.memref_slice %arg6[%dma_start3A_145, %dma_start3A_146, %dma_start3A_147] : memref<2x128x128xf32, #tpu.memory_space<vmem>> -> memref<1x128x128xf32, #tpu.memory_space<vmem>>
    %dma_start3A_149 = tpu.memref_squeeze %dma_start3A_148 : memref<1x128x128xf32, #tpu.memory_space<vmem>> -> memref<128x128xf32, #tpu.memory_space<vmem>>
    %dma_start3A_150 = arith.constant 0 : i32
    %dma_start3A_151 = tpu.memref_slice %arg5[%add3A_144, %dma_start3A_150] : memref<16x128xi32, #tpu.memory_space<vmem>> -> memref<1x128xi32, #tpu.memory_space<vmem>>
    %dma_start3A_152 = tpu.memref_squeeze %dma_start3A_151 : memref<1x128xi32, #tpu.memory_space<vmem>> -> memref<128xi32, #tpu.memory_space<vmem>>
    %dma_start3A_153 = arith.constant 0 : i32
    %dma_start3A_154 = arith.constant 0 : i32
    %dma_start3A_155 = tpu.memref_slice %arg2[%dma_start3A_153, %dma_start3A_154] : memref<8192x128xf32, #tpu.memory_space<hbm>> -> memref<8192x128xf32, #tpu.memory_space<hbm>>
    tpu.enqueue_indirect_dma source(%dma_start3A_155 : memref<8192x128xf32, #tpu.memory_space<hbm>>) target(%dma_start3A_149 : memref<128x128xf32, #tpu.memory_space<vmem>>) offsets(%dma_start3A_152 : memref<128xi32, #tpu.memory_space<vmem>>) semaphore(%arg8 : memref<!tpu.dma_semaphore, #tpu.memory_space<semaphore_mem>>)
    %add3A_156 = arith.constant 3 : i32
    %add3A_157 = arith.addi %mul3A_2, %add3A_156 : i32
    %mul3A_158 = arith.constant 128 : i32
    %mul3A_159 = arith.muli %add3A_157, %mul3A_158 : i32
    %run_scoped3A_160 = arith.constant 1 : i32
    "tpu.region"() ({
      %run_scoped3A_280 = tpu.sem_alloc : memref<!tpu.dma_semaphore, #tpu.memory_space<semaphore_mem>>
      %dma_start3A_281 = arith.constant 0 : i32
      %dma_start3A_282 = arith.constant 0 : i32
      %dma_start3A_283 = tpu.memref_slice %arg6[%run_scoped3A_160, %dma_start3A_281, %dma_start3A_282] : memref<2x128x128xf32, #tpu.memory_space<vmem>> -> memref<1x128x128xf32, #tpu.memory_space<vmem>>
      %dma_start3A_284 = tpu.memref_squeeze %dma_start3A_283 : memref<1x128x128xf32, #tpu.memory_space<vmem>> -> memref<128x128xf32, #tpu.memory_space<vmem>>
      %dma_start3A_285 = arith.constant 0 : i32
      %dma_start3A_286 = tpu.memref_slice %arg4[%mul3A_159, %dma_start3A_285] : memref<36864x128xf32, #tpu.memory_space<hbm>> -> memref<128x128xf32, #tpu.memory_space<hbm>>
      %dma_start3A_287 = arith.constant 0 : i32
      %dma_start3A_288 = tpu.memref_slice %arg4[%mul3A_159, %dma_start3A_287] : memref<36864x128xf32, #tpu.memory_space<hbm>> -> memref<128x128xf32, #tpu.memory_space<hbm>>
      %dma_start3A_289 = arith.constant 0 : i32
      %dma_start3A_290 = arith.constant 0 : i32
      %dma_start3A_291 = tpu.memref_slice %arg6[%run_scoped3A_160, %dma_start3A_289, %dma_start3A_290] : memref<2x128x128xf32, #tpu.memory_space<vmem>> -> memref<1x128x128xf32, #tpu.memory_space<vmem>>
      %dma_start3A_292 = tpu.memref_squeeze %dma_start3A_291 : memref<1x128x128xf32, #tpu.memory_space<vmem>> -> memref<128x128xf32, #tpu.memory_space<vmem>>
      tpu.enqueue_dma source(%dma_start3A_292 : memref<128x128xf32, #tpu.memory_space<vmem>>) target(%dma_start3A_288 : memref<128x128xf32, #tpu.memory_space<hbm>>) target_semaphore(%run_scoped3A_280 : memref<!tpu.dma_semaphore, #tpu.memory_space<semaphore_mem>>)
      %dma_wait3A_293 = arith.constant 0 : i32
      %dma_wait3A_294 = arith.constant 0 : i32
      %dma_wait3A_295 = tpu.memref_slice %arg6[%run_scoped3A_160, %dma_wait3A_293, %dma_wait3A_294] : memref<2x128x128xf32, #tpu.memory_space<vmem>> -> memref<1x128x128xf32, #tpu.memory_space<vmem>>
      %dma_wait3A_296 = tpu.memref_squeeze %dma_wait3A_295 : memref<1x128x128xf32, #tpu.memory_space<vmem>> -> memref<128x128xf32, #tpu.memory_space<vmem>>
      %dma_wait3A_297 = arith.constant 0 : i32
      %dma_wait3A_298 = tpu.memref_slice %arg4[%mul3A_159, %dma_wait3A_297] : memref<36864x128xf32, #tpu.memory_space<hbm>> -> memref<128x128xf32, #tpu.memory_space<hbm>>
      %dma_wait3A_299 = arith.constant 0 : i32
      %dma_wait3A_300 = tpu.memref_slice %arg4[%mul3A_159, %dma_wait3A_299] : memref<36864x128xf32, #tpu.memory_space<hbm>> -> memref<128x128xf32, #tpu.memory_space<hbm>>
      %dma_wait3A_301 = arith.constant 0 : i32
      %dma_wait3A_302 = arith.constant 0 : i32
      %dma_wait3A_303 = tpu.memref_slice %arg6[%run_scoped3A_160, %dma_wait3A_301, %dma_wait3A_302] : memref<2x128x128xf32, #tpu.memory_space<vmem>> -> memref<1x128x128xf32, #tpu.memory_space<vmem>>
      %dma_wait3A_304 = tpu.memref_squeeze %dma_wait3A_303 : memref<1x128x128xf32, #tpu.memory_space<vmem>> -> memref<128x128xf32, #tpu.memory_space<vmem>>
      tpu.wait_dma2 semaphore(%run_scoped3A_280 : memref<!tpu.dma_semaphore, #tpu.memory_space<semaphore_mem>>) src(%dma_wait3A_304 : memref<128x128xf32, #tpu.memory_space<vmem>>) dst(%dma_wait3A_300 : memref<128x128xf32, #tpu.memory_space<hbm>>)
      tpu.yield
    }) : () -> ()
    %dma_wait3A_161 = arith.constant 0 : i32
    %dma_wait3A_162 = arith.constant 0 : i32
    %dma_wait3A_163 = arith.constant 0 : i32
    %dma_wait3A_164 = tpu.memref_slice %arg6[%dma_wait3A_161, %dma_wait3A_162, %dma_wait3A_163] : memref<2x128x128xf32, #tpu.memory_space<vmem>> -> memref<1x128x128xf32, #tpu.memory_space<vmem>>
    %dma_wait3A_165 = tpu.memref_squeeze %dma_wait3A_164 : memref<1x128x128xf32, #tpu.memory_space<vmem>> -> memref<128x128xf32, #tpu.memory_space<vmem>>
    %dma_wait3A_166 = arith.constant 0 : i32
    %dma_wait3A_167 = tpu.memref_slice %arg5[%add3A_115, %dma_wait3A_166] : memref<16x128xi32, #tpu.memory_space<vmem>> -> memref<1x128xi32, #tpu.memory_space<vmem>>
    %dma_wait3A_168 = tpu.memref_squeeze %dma_wait3A_167 : memref<1x128xi32, #tpu.memory_space<vmem>> -> memref<128xi32, #tpu.memory_space<vmem>>
    %dma_wait3A_169 = arith.constant 0 : i32
    %dma_wait3A_170 = arith.constant 0 : i32
    %dma_wait3A_171 = tpu.memref_slice %arg2[%dma_wait3A_169, %dma_wait3A_170] : memref<8192x128xf32, #tpu.memory_space<hbm>> -> memref<8192x128xf32, #tpu.memory_space<hbm>>
    tpu.wait_indirect_dma semaphore(%arg7 : memref<!tpu.dma_semaphore, #tpu.memory_space<semaphore_mem>>) src(%dma_wait3A_171 : memref<8192x128xf32, #tpu.memory_space<hbm>>) dst(%dma_wait3A_165 : memref<128x128xf32, #tpu.memory_space<vmem>>)
    %add3A_172 = arith.constant 6 : i32
    %add3A_173 = arith.addi %sub3A_21, %add3A_172 : i32
    %dma_start3A_174 = arith.constant 0 : i32
    %dma_start3A_175 = arith.constant 0 : i32
    %dma_start3A_176 = arith.constant 0 : i32
    %dma_start3A_177 = tpu.memref_slice %arg6[%dma_start3A_174, %dma_start3A_175, %dma_start3A_176] : memref<2x128x128xf32, #tpu.memory_space<vmem>> -> memref<1x128x128xf32, #tpu.memory_space<vmem>>
    %dma_start3A_178 = tpu.memref_squeeze %dma_start3A_177 : memref<1x128x128xf32, #tpu.memory_space<vmem>> -> memref<128x128xf32, #tpu.memory_space<vmem>>
    %dma_start3A_179 = arith.constant 0 : i32
    %dma_start3A_180 = tpu.memref_slice %arg5[%add3A_173, %dma_start3A_179] : memref<16x128xi32, #tpu.memory_space<vmem>> -> memref<1x128xi32, #tpu.memory_space<vmem>>
    %dma_start3A_181 = tpu.memref_squeeze %dma_start3A_180 : memref<1x128xi32, #tpu.memory_space<vmem>> -> memref<128xi32, #tpu.memory_space<vmem>>
    %dma_start3A_182 = arith.constant 0 : i32
    %dma_start3A_183 = arith.constant 0 : i32
    %dma_start3A_184 = tpu.memref_slice %arg2[%dma_start3A_182, %dma_start3A_183] : memref<8192x128xf32, #tpu.memory_space<hbm>> -> memref<8192x128xf32, #tpu.memory_space<hbm>>
    tpu.enqueue_indirect_dma source(%dma_start3A_184 : memref<8192x128xf32, #tpu.memory_space<hbm>>) target(%dma_start3A_178 : memref<128x128xf32, #tpu.memory_space<vmem>>) offsets(%dma_start3A_181 : memref<128xi32, #tpu.memory_space<vmem>>) semaphore(%arg7 : memref<!tpu.dma_semaphore, #tpu.memory_space<semaphore_mem>>)
    %add3A_185 = arith.constant 4 : i32
    %add3A_186 = arith.addi %mul3A_2, %add3A_185 : i32
    %mul3A_187 = arith.constant 128 : i32
    %mul3A_188 = arith.muli %add3A_186, %mul3A_187 : i32
    %run_scoped3A_189 = arith.constant 0 : i32
    "tpu.region"() ({
      %run_scoped3A_280 = tpu.sem_alloc : memref<!tpu.dma_semaphore, #tpu.memory_space<semaphore_mem>>
      %dma_start3A_281 = arith.constant 0 : i32
      %dma_start3A_282 = arith.constant 0 : i32
      %dma_start3A_283 = tpu.memref_slice %arg6[%run_scoped3A_189, %dma_start3A_281, %dma_start3A_282] : memref<2x128x128xf32, #tpu.memory_space<vmem>> -> memref<1x128x128xf32, #tpu.memory_space<vmem>>
      %dma_start3A_284 = tpu.memref_squeeze %dma_start3A_283 : memref<1x128x128xf32, #tpu.memory_space<vmem>> -> memref<128x128xf32, #tpu.memory_space<vmem>>
      %dma_start3A_285 = arith.constant 0 : i32
      %dma_start3A_286 = tpu.memref_slice %arg4[%mul3A_188, %dma_start3A_285] : memref<36864x128xf32, #tpu.memory_space<hbm>> -> memref<128x128xf32, #tpu.memory_space<hbm>>
      %dma_start3A_287 = arith.constant 0 : i32
      %dma_start3A_288 = tpu.memref_slice %arg4[%mul3A_188, %dma_start3A_287] : memref<36864x128xf32, #tpu.memory_space<hbm>> -> memref<128x128xf32, #tpu.memory_space<hbm>>
      %dma_start3A_289 = arith.constant 0 : i32
      %dma_start3A_290 = arith.constant 0 : i32
      %dma_start3A_291 = tpu.memref_slice %arg6[%run_scoped3A_189, %dma_start3A_289, %dma_start3A_290] : memref<2x128x128xf32, #tpu.memory_space<vmem>> -> memref<1x128x128xf32, #tpu.memory_space<vmem>>
      %dma_start3A_292 = tpu.memref_squeeze %dma_start3A_291 : memref<1x128x128xf32, #tpu.memory_space<vmem>> -> memref<128x128xf32, #tpu.memory_space<vmem>>
      tpu.enqueue_dma source(%dma_start3A_292 : memref<128x128xf32, #tpu.memory_space<vmem>>) target(%dma_start3A_288 : memref<128x128xf32, #tpu.memory_space<hbm>>) target_semaphore(%run_scoped3A_280 : memref<!tpu.dma_semaphore, #tpu.memory_space<semaphore_mem>>)
      %dma_wait3A_293 = arith.constant 0 : i32
      %dma_wait3A_294 = arith.constant 0 : i32
      %dma_wait3A_295 = tpu.memref_slice %arg6[%run_scoped3A_189, %dma_wait3A_293, %dma_wait3A_294] : memref<2x128x128xf32, #tpu.memory_space<vmem>> -> memref<1x128x128xf32, #tpu.memory_space<vmem>>
      %dma_wait3A_296 = tpu.memref_squeeze %dma_wait3A_295 : memref<1x128x128xf32, #tpu.memory_space<vmem>> -> memref<128x128xf32, #tpu.memory_space<vmem>>
      %dma_wait3A_297 = arith.constant 0 : i32
      %dma_wait3A_298 = tpu.memref_slice %arg4[%mul3A_188, %dma_wait3A_297] : memref<36864x128xf32, #tpu.memory_space<hbm>> -> memref<128x128xf32, #tpu.memory_space<hbm>>
      %dma_wait3A_299 = arith.constant 0 : i32
      %dma_wait3A_300 = tpu.memref_slice %arg4[%mul3A_188, %dma_wait3A_299] : memref<36864x128xf32, #tpu.memory_space<hbm>> -> memref<128x128xf32, #tpu.memory_space<hbm>>
      %dma_wait3A_301 = arith.constant 0 : i32
      %dma_wait3A_302 = arith.constant 0 : i32
      %dma_wait3A_303 = tpu.memref_slice %arg6[%run_scoped3A_189, %dma_wait3A_301, %dma_wait3A_302] : memref<2x128x128xf32, #tpu.memory_space<vmem>> -> memref<1x128x128xf32, #tpu.memory_space<vmem>>
      %dma_wait3A_304 = tpu.memref_squeeze %dma_wait3A_303 : memref<1x128x128xf32, #tpu.memory_space<vmem>> -> memref<128x128xf32, #tpu.memory_space<vmem>>
      tpu.wait_dma2 semaphore(%run_scoped3A_280 : memref<!tpu.dma_semaphore, #tpu.memory_space<semaphore_mem>>) src(%dma_wait3A_304 : memref<128x128xf32, #tpu.memory_space<vmem>>) dst(%dma_wait3A_300 : memref<128x128xf32, #tpu.memory_space<hbm>>)
      tpu.yield
    }) : () -> ()
    %dma_wait3A_190 = arith.constant 1 : i32
    %dma_wait3A_191 = arith.constant 0 : i32
    %dma_wait3A_192 = arith.constant 0 : i32
    %dma_wait3A_193 = tpu.memref_slice %arg6[%dma_wait3A_190, %dma_wait3A_191, %dma_wait3A_192] : memref<2x128x128xf32, #tpu.memory_space<vmem>> -> memref<1x128x128xf32, #tpu.memory_space<vmem>>
    %dma_wait3A_194 = tpu.memref_squeeze %dma_wait3A_193 : memref<1x128x128xf32, #tpu.memory_space<vmem>> -> memref<128x128xf32, #tpu.memory_space<vmem>>
    %dma_wait3A_195 = arith.constant 0 : i32
    %dma_wait3A_196 = tpu.memref_slice %arg5[%add3A_144, %dma_wait3A_195] : memref<16x128xi32, #tpu.memory_space<vmem>> -> memref<1x128xi32, #tpu.memory_space<vmem>>
    %dma_wait3A_197 = tpu.memref_squeeze %dma_wait3A_196 : memref<1x128xi32, #tpu.memory_space<vmem>> -> memref<128xi32, #tpu.memory_space<vmem>>
    %dma_wait3A_198 = arith.constant 0 : i32
    %dma_wait3A_199 = arith.constant 0 : i32
    %dma_wait3A_200 = tpu.memref_slice %arg2[%dma_wait3A_198, %dma_wait3A_199] : memref<8192x128xf32, #tpu.memory_space<hbm>> -> memref<8192x128xf32, #tpu.memory_space<hbm>>
    tpu.wait_indirect_dma semaphore(%arg8 : memref<!tpu.dma_semaphore, #tpu.memory_space<semaphore_mem>>) src(%dma_wait3A_200 : memref<8192x128xf32, #tpu.memory_space<hbm>>) dst(%dma_wait3A_194 : memref<128x128xf32, #tpu.memory_space<vmem>>)
    %add3A_201 = arith.constant 7 : i32
    %add3A_202 = arith.addi %sub3A_21, %add3A_201 : i32
    %dma_start3A_203 = arith.constant 1 : i32
    %dma_start3A_204 = arith.constant 0 : i32
    %dma_start3A_205 = arith.constant 0 : i32
    %dma_start3A_206 = tpu.memref_slice %arg6[%dma_start3A_203, %dma_start3A_204, %dma_start3A_205] : memref<2x128x128xf32, #tpu.memory_space<vmem>> -> memref<1x128x128xf32, #tpu.memory_space<vmem>>
    %dma_start3A_207 = tpu.memref_squeeze %dma_start3A_206 : memref<1x128x128xf32, #tpu.memory_space<vmem>> -> memref<128x128xf32, #tpu.memory_space<vmem>>
    %dma_start3A_208 = arith.constant 0 : i32
    %dma_start3A_209 = tpu.memref_slice %arg5[%add3A_202, %dma_start3A_208] : memref<16x128xi32, #tpu.memory_space<vmem>> -> memref<1x128xi32, #tpu.memory_space<vmem>>
    %dma_start3A_210 = tpu.memref_squeeze %dma_start3A_209 : memref<1x128xi32, #tpu.memory_space<vmem>> -> memref<128xi32, #tpu.memory_space<vmem>>
    %dma_start3A_211 = arith.constant 0 : i32
    %dma_start3A_212 = arith.constant 0 : i32
    %dma_start3A_213 = tpu.memref_slice %arg2[%dma_start3A_211, %dma_start3A_212] : memref<8192x128xf32, #tpu.memory_space<hbm>> -> memref<8192x128xf32, #tpu.memory_space<hbm>>
    tpu.enqueue_indirect_dma source(%dma_start3A_213 : memref<8192x128xf32, #tpu.memory_space<hbm>>) target(%dma_start3A_207 : memref<128x128xf32, #tpu.memory_space<vmem>>) offsets(%dma_start3A_210 : memref<128xi32, #tpu.memory_space<vmem>>) semaphore(%arg8 : memref<!tpu.dma_semaphore, #tpu.memory_space<semaphore_mem>>)
    %add3A_214 = arith.constant 5 : i32
    %add3A_215 = arith.addi %mul3A_2, %add3A_214 : i32
    %mul3A_216 = arith.constant 128 : i32
    %mul3A_217 = arith.muli %add3A_215, %mul3A_216 : i32
    %run_scoped3A_218 = arith.constant 1 : i32
    "tpu.region"() ({
      %run_scoped3A_280 = tpu.sem_alloc : memref<!tpu.dma_semaphore, #tpu.memory_space<semaphore_mem>>
      %dma_start3A_281 = arith.constant 0 : i32
      %dma_start3A_282 = arith.constant 0 : i32
      %dma_start3A_283 = tpu.memref_slice %arg6[%run_scoped3A_218, %dma_start3A_281, %dma_start3A_282] : memref<2x128x128xf32, #tpu.memory_space<vmem>> -> memref<1x128x128xf32, #tpu.memory_space<vmem>>
      %dma_start3A_284 = tpu.memref_squeeze %dma_start3A_283 : memref<1x128x128xf32, #tpu.memory_space<vmem>> -> memref<128x128xf32, #tpu.memory_space<vmem>>
      %dma_start3A_285 = arith.constant 0 : i32
      %dma_start3A_286 = tpu.memref_slice %arg4[%mul3A_217, %dma_start3A_285] : memref<36864x128xf32, #tpu.memory_space<hbm>> -> memref<128x128xf32, #tpu.memory_space<hbm>>
      %dma_start3A_287 = arith.constant 0 : i32
      %dma_start3A_288 = tpu.memref_slice %arg4[%mul3A_217, %dma_start3A_287] : memref<36864x128xf32, #tpu.memory_space<hbm>> -> memref<128x128xf32, #tpu.memory_space<hbm>>
      %dma_start3A_289 = arith.constant 0 : i32
      %dma_start3A_290 = arith.constant 0 : i32
      %dma_start3A_291 = tpu.memref_slice %arg6[%run_scoped3A_218, %dma_start3A_289, %dma_start3A_290] : memref<2x128x128xf32, #tpu.memory_space<vmem>> -> memref<1x128x128xf32, #tpu.memory_space<vmem>>
      %dma_start3A_292 = tpu.memref_squeeze %dma_start3A_291 : memref<1x128x128xf32, #tpu.memory_space<vmem>> -> memref<128x128xf32, #tpu.memory_space<vmem>>
      tpu.enqueue_dma source(%dma_start3A_292 : memref<128x128xf32, #tpu.memory_space<vmem>>) target(%dma_start3A_288 : memref<128x128xf32, #tpu.memory_space<hbm>>) target_semaphore(%run_scoped3A_280 : memref<!tpu.dma_semaphore, #tpu.memory_space<semaphore_mem>>)
      %dma_wait3A_293 = arith.constant 0 : i32
      %dma_wait3A_294 = arith.constant 0 : i32
      %dma_wait3A_295 = tpu.memref_slice %arg6[%run_scoped3A_218, %dma_wait3A_293, %dma_wait3A_294] : memref<2x128x128xf32, #tpu.memory_space<vmem>> -> memref<1x128x128xf32, #tpu.memory_space<vmem>>
      %dma_wait3A_296 = tpu.memref_squeeze %dma_wait3A_295 : memref<1x128x128xf32, #tpu.memory_space<vmem>> -> memref<128x128xf32, #tpu.memory_space<vmem>>
      %dma_wait3A_297 = arith.constant 0 : i32
      %dma_wait3A_298 = tpu.memref_slice %arg4[%mul3A_217, %dma_wait3A_297] : memref<36864x128xf32, #tpu.memory_space<hbm>> -> memref<128x128xf32, #tpu.memory_space<hbm>>
      %dma_wait3A_299 = arith.constant 0 : i32
      %dma_wait3A_300 = tpu.memref_slice %arg4[%mul3A_217, %dma_wait3A_299] : memref<36864x128xf32, #tpu.memory_space<hbm>> -> memref<128x128xf32, #tpu.memory_space<hbm>>
      %dma_wait3A_301 = arith.constant 0 : i32
      %dma_wait3A_302 = arith.constant 0 : i32
      %dma_wait3A_303 = tpu.memref_slice %arg6[%run_scoped3A_218, %dma_wait3A_301, %dma_wait3A_302] : memref<2x128x128xf32, #tpu.memory_space<vmem>> -> memref<1x128x128xf32, #tpu.memory_space<vmem>>
      %dma_wait3A_304 = tpu.memref_squeeze %dma_wait3A_303 : memref<1x128x128xf32, #tpu.memory_space<vmem>> -> memref<128x128xf32, #tpu.memory_space<vmem>>
      tpu.wait_dma2 semaphore(%run_scoped3A_280 : memref<!tpu.dma_semaphore, #tpu.memory_space<semaphore_mem>>) src(%dma_wait3A_304 : memref<128x128xf32, #tpu.memory_space<vmem>>) dst(%dma_wait3A_300 : memref<128x128xf32, #tpu.memory_space<hbm>>)
      tpu.yield
    }) : () -> ()
    %dma_wait3A_219 = arith.constant 0 : i32
    %dma_wait3A_220 = arith.constant 0 : i32
    %dma_wait3A_221 = arith.constant 0 : i32
    %dma_wait3A_222 = tpu.memref_slice %arg6[%dma_wait3A_219, %dma_wait3A_220, %dma_wait3A_221] : memref<2x128x128xf32, #tpu.memory_space<vmem>> -> memref<1x128x128xf32, #tpu.memory_space<vmem>>
    %dma_wait3A_223 = tpu.memref_squeeze %dma_wait3A_222 : memref<1x128x128xf32, #tpu.memory_space<vmem>> -> memref<128x128xf32, #tpu.memory_space<vmem>>
    %dma_wait3A_224 = arith.constant 0 : i32
    %dma_wait3A_225 = tpu.memref_slice %arg5[%add3A_173, %dma_wait3A_224] : memref<16x128xi32, #tpu.memory_space<vmem>> -> memref<1x128xi32, #tpu.memory_space<vmem>>
    %dma_wait3A_226 = tpu.memref_squeeze %dma_wait3A_225 : memref<1x128xi32, #tpu.memory_space<vmem>> -> memref<128xi32, #tpu.memory_space<vmem>>
    %dma_wait3A_227 = arith.constant 0 : i32
    %dma_wait3A_228 = arith.constant 0 : i32
    %dma_wait3A_229 = tpu.memref_slice %arg2[%dma_wait3A_227, %dma_wait3A_228] : memref<8192x128xf32, #tpu.memory_space<hbm>> -> memref<8192x128xf32, #tpu.memory_space<hbm>>
    tpu.wait_indirect_dma semaphore(%arg7 : memref<!tpu.dma_semaphore, #tpu.memory_space<semaphore_mem>>) src(%dma_wait3A_229 : memref<8192x128xf32, #tpu.memory_space<hbm>>) dst(%dma_wait3A_223 : memref<128x128xf32, #tpu.memory_space<vmem>>)
    %add3A_230 = arith.constant 8 : i32
    %add3A_231 = arith.addi %sub3A_21, %add3A_230 : i32
    %dma_start3A_232 = arith.constant 0 : i32
    %dma_start3A_233 = arith.constant 0 : i32
    %dma_start3A_234 = arith.constant 0 : i32
    %dma_start3A_235 = tpu.memref_slice %arg6[%dma_start3A_232, %dma_start3A_233, %dma_start3A_234] : memref<2x128x128xf32, #tpu.memory_space<vmem>> -> memref<1x128x128xf32, #tpu.memory_space<vmem>>
    %dma_start3A_236 = tpu.memref_squeeze %dma_start3A_235 : memref<1x128x128xf32, #tpu.memory_space<vmem>> -> memref<128x128xf32, #tpu.memory_space<vmem>>
    %dma_start3A_237 = arith.constant 0 : i32
    %dma_start3A_238 = tpu.memref_slice %arg5[%add3A_231, %dma_start3A_237] : memref<16x128xi32, #tpu.memory_space<vmem>> -> memref<1x128xi32, #tpu.memory_space<vmem>>
    %dma_start3A_239 = tpu.memref_squeeze %dma_start3A_238 : memref<1x128xi32, #tpu.memory_space<vmem>> -> memref<128xi32, #tpu.memory_space<vmem>>
    %dma_start3A_240 = arith.constant 0 : i32
    %dma_start3A_241 = arith.constant 0 : i32
    %dma_start3A_242 = tpu.memref_slice %arg2[%dma_start3A_240, %dma_start3A_241] : memref<8192x128xf32, #tpu.memory_space<hbm>> -> memref<8192x128xf32, #tpu.memory_space<hbm>>
    tpu.enqueue_indirect_dma source(%dma_start3A_242 : memref<8192x128xf32, #tpu.memory_space<hbm>>) target(%dma_start3A_236 : memref<128x128xf32, #tpu.memory_space<vmem>>) offsets(%dma_start3A_239 : memref<128xi32, #tpu.memory_space<vmem>>) semaphore(%arg7 : memref<!tpu.dma_semaphore, #tpu.memory_space<semaphore_mem>>)
    %add3A_243 = arith.constant 6 : i32
    %add3A_244 = arith.addi %mul3A_2, %add3A_243 : i32
    %mul3A_245 = arith.constant 128 : i32
    %mul3A_246 = arith.muli %add3A_244, %mul3A_245 : i32
    %run_scoped3A_247 = arith.constant 0 : i32
    "tpu.region"() ({
      %run_scoped3A_280 = tpu.sem_alloc : memref<!tpu.dma_semaphore, #tpu.memory_space<semaphore_mem>>
      %dma_start3A_281 = arith.constant 0 : i32
      %dma_start3A_282 = arith.constant 0 : i32
      %dma_start3A_283 = tpu.memref_slice %arg6[%run_scoped3A_247, %dma_start3A_281, %dma_start3A_282] : memref<2x128x128xf32, #tpu.memory_space<vmem>> -> memref<1x128x128xf32, #tpu.memory_space<vmem>>
      %dma_start3A_284 = tpu.memref_squeeze %dma_start3A_283 : memref<1x128x128xf32, #tpu.memory_space<vmem>> -> memref<128x128xf32, #tpu.memory_space<vmem>>
      %dma_start3A_285 = arith.constant 0 : i32
      %dma_start3A_286 = tpu.memref_slice %arg4[%mul3A_246, %dma_start3A_285] : memref<36864x128xf32, #tpu.memory_space<hbm>> -> memref<128x128xf32, #tpu.memory_space<hbm>>
      %dma_start3A_287 = arith.constant 0 : i32
      %dma_start3A_288 = tpu.memref_slice %arg4[%mul3A_246, %dma_start3A_287] : memref<36864x128xf32, #tpu.memory_space<hbm>> -> memref<128x128xf32, #tpu.memory_space<hbm>>
      %dma_start3A_289 = arith.constant 0 : i32
      %dma_start3A_290 = arith.constant 0 : i32
      %dma_start3A_291 = tpu.memref_slice %arg6[%run_scoped3A_247, %dma_start3A_289, %dma_start3A_290] : memref<2x128x128xf32, #tpu.memory_space<vmem>> -> memref<1x128x128xf32, #tpu.memory_space<vmem>>
      %dma_start3A_292 = tpu.memref_squeeze %dma_start3A_291 : memref<1x128x128xf32, #tpu.memory_space<vmem>> -> memref<128x128xf32, #tpu.memory_space<vmem>>
      tpu.enqueue_dma source(%dma_start3A_292 : memref<128x128xf32, #tpu.memory_space<vmem>>) target(%dma_start3A_288 : memref<128x128xf32, #tpu.memory_space<hbm>>) target_semaphore(%run_scoped3A_280 : memref<!tpu.dma_semaphore, #tpu.memory_space<semaphore_mem>>)
      %dma_wait3A_293 = arith.constant 0 : i32
      %dma_wait3A_294 = arith.constant 0 : i32
      %dma_wait3A_295 = tpu.memref_slice %arg6[%run_scoped3A_247, %dma_wait3A_293, %dma_wait3A_294] : memref<2x128x128xf32, #tpu.memory_space<vmem>> -> memref<1x128x128xf32, #tpu.memory_space<vmem>>
      %dma_wait3A_296 = tpu.memref_squeeze %dma_wait3A_295 : memref<1x128x128xf32, #tpu.memory_space<vmem>> -> memref<128x128xf32, #tpu.memory_space<vmem>>
      %dma_wait3A_297 = arith.constant 0 : i32
      %dma_wait3A_298 = tpu.memref_slice %arg4[%mul3A_246, %dma_wait3A_297] : memref<36864x128xf32, #tpu.memory_space<hbm>> -> memref<128x128xf32, #tpu.memory_space<hbm>>
      %dma_wait3A_299 = arith.constant 0 : i32
      %dma_wait3A_300 = tpu.memref_slice %arg4[%mul3A_246, %dma_wait3A_299] : memref<36864x128xf32, #tpu.memory_space<hbm>> -> memref<128x128xf32, #tpu.memory_space<hbm>>
      %dma_wait3A_301 = arith.constant 0 : i32
      %dma_wait3A_302 = arith.constant 0 : i32
      %dma_wait3A_303 = tpu.memref_slice %arg6[%run_scoped3A_247, %dma_wait3A_301, %dma_wait3A_302] : memref<2x128x128xf32, #tpu.memory_space<vmem>> -> memref<1x128x128xf32, #tpu.memory_space<vmem>>
      %dma_wait3A_304 = tpu.memref_squeeze %dma_wait3A_303 : memref<1x128x128xf32, #tpu.memory_space<vmem>> -> memref<128x128xf32, #tpu.memory_space<vmem>>
      tpu.wait_dma2 semaphore(%run_scoped3A_280 : memref<!tpu.dma_semaphore, #tpu.memory_space<semaphore_mem>>) src(%dma_wait3A_304 : memref<128x128xf32, #tpu.memory_space<vmem>>) dst(%dma_wait3A_300 : memref<128x128xf32, #tpu.memory_space<hbm>>)
      tpu.yield
    }) : () -> ()
    %dma_wait3A_248 = arith.constant 1 : i32
    %dma_wait3A_249 = arith.constant 0 : i32
    %dma_wait3A_250 = arith.constant 0 : i32
    %dma_wait3A_251 = tpu.memref_slice %arg6[%dma_wait3A_248, %dma_wait3A_249, %dma_wait3A_250] : memref<2x128x128xf32, #tpu.memory_space<vmem>> -> memref<1x128x128xf32, #tpu.memory_space<vmem>>
    %dma_wait3A_252 = tpu.memref_squeeze %dma_wait3A_251 : memref<1x128x128xf32, #tpu.memory_space<vmem>> -> memref<128x128xf32, #tpu.memory_space<vmem>>
    %dma_wait3A_253 = arith.constant 0 : i32
    %dma_wait3A_254 = tpu.memref_slice %arg5[%add3A_202, %dma_wait3A_253] : memref<16x128xi32, #tpu.memory_space<vmem>> -> memref<1x128xi32, #tpu.memory_space<vmem>>
    %dma_wait3A_255 = tpu.memref_squeeze %dma_wait3A_254 : memref<1x128xi32, #tpu.memory_space<vmem>> -> memref<128xi32, #tpu.memory_space<vmem>>
    %dma_wait3A_256 = arith.constant 0 : i32
    %dma_wait3A_257 = arith.constant 0 : i32
    %dma_wait3A_258 = tpu.memref_slice %arg2[%dma_wait3A_256, %dma_wait3A_257] : memref<8192x128xf32, #tpu.memory_space<hbm>> -> memref<8192x128xf32, #tpu.memory_space<hbm>>
    tpu.wait_indirect_dma semaphore(%arg8 : memref<!tpu.dma_semaphore, #tpu.memory_space<semaphore_mem>>) src(%dma_wait3A_258 : memref<8192x128xf32, #tpu.memory_space<hbm>>) dst(%dma_wait3A_252 : memref<128x128xf32, #tpu.memory_space<vmem>>)
    %add3A_259 = arith.constant 7 : i32
    %add3A_260 = arith.addi %mul3A_2, %add3A_259 : i32
    %mul3A_261 = arith.constant 128 : i32
    %mul3A_262 = arith.muli %add3A_260, %mul3A_261 : i32
    %run_scoped3A_263 = arith.constant 1 : i32
    "tpu.region"() ({
      %run_scoped3A_280 = tpu.sem_alloc : memref<!tpu.dma_semaphore, #tpu.memory_space<semaphore_mem>>
      %dma_start3A_281 = arith.constant 0 : i32
      %dma_start3A_282 = arith.constant 0 : i32
      %dma_start3A_283 = tpu.memref_slice %arg6[%run_scoped3A_263, %dma_start3A_281, %dma_start3A_282] : memref<2x128x128xf32, #tpu.memory_space<vmem>> -> memref<1x128x128xf32, #tpu.memory_space<vmem>>
      %dma_start3A_284 = tpu.memref_squeeze %dma_start3A_283 : memref<1x128x128xf32, #tpu.memory_space<vmem>> -> memref<128x128xf32, #tpu.memory_space<vmem>>
      %dma_start3A_285 = arith.constant 0 : i32
      %dma_start3A_286 = tpu.memref_slice %arg4[%mul3A_262, %dma_start3A_285] : memref<36864x128xf32, #tpu.memory_space<hbm>> -> memref<128x128xf32, #tpu.memory_space<hbm>>
      %dma_start3A_287 = arith.constant 0 : i32
      %dma_start3A_288 = tpu.memref_slice %arg4[%mul3A_262, %dma_start3A_287] : memref<36864x128xf32, #tpu.memory_space<hbm>> -> memref<128x128xf32, #tpu.memory_space<hbm>>
      %dma_start3A_289 = arith.constant 0 : i32
      %dma_start3A_290 = arith.constant 0 : i32
      %dma_start3A_291 = tpu.memref_slice %arg6[%run_scoped3A_263, %dma_start3A_289, %dma_start3A_290] : memref<2x128x128xf32, #tpu.memory_space<vmem>> -> memref<1x128x128xf32, #tpu.memory_space<vmem>>
      %dma_start3A_292 = tpu.memref_squeeze %dma_start3A_291 : memref<1x128x128xf32, #tpu.memory_space<vmem>> -> memref<128x128xf32, #tpu.memory_space<vmem>>
      tpu.enqueue_dma source(%dma_start3A_292 : memref<128x128xf32, #tpu.memory_space<vmem>>) target(%dma_start3A_288 : memref<128x128xf32, #tpu.memory_space<hbm>>) target_semaphore(%run_scoped3A_280 : memref<!tpu.dma_semaphore, #tpu.memory_space<semaphore_mem>>)
      %dma_wait3A_293 = arith.constant 0 : i32
      %dma_wait3A_294 = arith.constant 0 : i32
      %dma_wait3A_295 = tpu.memref_slice %arg6[%run_scoped3A_263, %dma_wait3A_293, %dma_wait3A_294] : memref<2x128x128xf32, #tpu.memory_space<vmem>> -> memref<1x128x128xf32, #tpu.memory_space<vmem>>
      %dma_wait3A_296 = tpu.memref_squeeze %dma_wait3A_295 : memref<1x128x128xf32, #tpu.memory_space<vmem>> -> memref<128x128xf32, #tpu.memory_space<vmem>>
      %dma_wait3A_297 = arith.constant 0 : i32
      %dma_wait3A_298 = tpu.memref_slice %arg4[%mul3A_262, %dma_wait3A_297] : memref<36864x128xf32, #tpu.memory_space<hbm>> -> memref<128x128xf32, #tpu.memory_space<hbm>>
      %dma_wait3A_299 = arith.constant 0 : i32
      %dma_wait3A_300 = tpu.memref_slice %arg4[%mul3A_262, %dma_wait3A_299] : memref<36864x128xf32, #tpu.memory_space<hbm>> -> memref<128x128xf32, #tpu.memory_space<hbm>>
      %dma_wait3A_301 = arith.constant 0 : i32
      %dma_wait3A_302 = arith.constant 0 : i32
      %dma_wait3A_303 = tpu.memref_slice %arg6[%run_scoped3A_263, %dma_wait3A_301, %dma_wait3A_302] : memref<2x128x128xf32, #tpu.memory_space<vmem>> -> memref<1x128x128xf32, #tpu.memory_space<vmem>>
      %dma_wait3A_304 = tpu.memref_squeeze %dma_wait3A_303 : memref<1x128x128xf32, #tpu.memory_space<vmem>> -> memref<128x128xf32, #tpu.memory_space<vmem>>
      tpu.wait_dma2 semaphore(%run_scoped3A_280 : memref<!tpu.dma_semaphore, #tpu.memory_space<semaphore_mem>>) src(%dma_wait3A_304 : memref<128x128xf32, #tpu.memory_space<vmem>>) dst(%dma_wait3A_300 : memref<128x128xf32, #tpu.memory_space<hbm>>)
      tpu.yield
    }) : () -> ()
    %dma_wait3A_264 = arith.constant 0 : i32
    %dma_wait3A_265 = arith.constant 0 : i32
    %dma_wait3A_266 = arith.constant 0 : i32
    %dma_wait3A_267 = tpu.memref_slice %arg6[%dma_wait3A_264, %dma_wait3A_265, %dma_wait3A_266] : memref<2x128x128xf32, #tpu.memory_space<vmem>> -> memref<1x128x128xf32, #tpu.memory_space<vmem>>
    %dma_wait3A_268 = tpu.memref_squeeze %dma_wait3A_267 : memref<1x128x128xf32, #tpu.memory_space<vmem>> -> memref<128x128xf32, #tpu.memory_space<vmem>>
    %dma_wait3A_269 = arith.constant 0 : i32
    %dma_wait3A_270 = tpu.memref_slice %arg5[%add3A_231, %dma_wait3A_269] : memref<16x128xi32, #tpu.memory_space<vmem>> -> memref<1x128xi32, #tpu.memory_space<vmem>>
    %dma_wait3A_271 = tpu.memref_squeeze %dma_wait3A_270 : memref<1x128xi32, #tpu.memory_space<vmem>> -> memref<128xi32, #tpu.memory_space<vmem>>
    %dma_wait3A_272 = arith.constant 0 : i32
    %dma_wait3A_273 = arith.constant 0 : i32
    %dma_wait3A_274 = tpu.memref_slice %arg2[%dma_wait3A_272, %dma_wait3A_273] : memref<8192x128xf32, #tpu.memory_space<hbm>> -> memref<8192x128xf32, #tpu.memory_space<hbm>>
    tpu.wait_indirect_dma semaphore(%arg7 : memref<!tpu.dma_semaphore, #tpu.memory_space<semaphore_mem>>) src(%dma_wait3A_274 : memref<8192x128xf32, #tpu.memory_space<hbm>>) dst(%dma_wait3A_268 : memref<128x128xf32, #tpu.memory_space<vmem>>)
    %add3A_275 = arith.constant 8 : i32
    %add3A_276 = arith.addi %mul3A_2, %add3A_275 : i32
    %mul3A_277 = arith.constant 128 : i32
    %mul3A_278 = arith.muli %add3A_276, %mul3A_277 : i32
    %run_scoped3A_279 = arith.constant 0 : i32
    "tpu.region"() ({
      %run_scoped3A_280 = tpu.sem_alloc : memref<!tpu.dma_semaphore, #tpu.memory_space<semaphore_mem>>
      %dma_start3A_281 = arith.constant 0 : i32
      %dma_start3A_282 = arith.constant 0 : i32
      %dma_start3A_283 = tpu.memref_slice %arg6[%run_scoped3A_279, %dma_start3A_281, %dma_start3A_282] : memref<2x128x128xf32, #tpu.memory_space<vmem>> -> memref<1x128x128xf32, #tpu.memory_space<vmem>>
      %dma_start3A_284 = tpu.memref_squeeze %dma_start3A_283 : memref<1x128x128xf32, #tpu.memory_space<vmem>> -> memref<128x128xf32, #tpu.memory_space<vmem>>
      %dma_start3A_285 = arith.constant 0 : i32
      %dma_start3A_286 = tpu.memref_slice %arg4[%mul3A_278, %dma_start3A_285] : memref<36864x128xf32, #tpu.memory_space<hbm>> -> memref<128x128xf32, #tpu.memory_space<hbm>>
      %dma_start3A_287 = arith.constant 0 : i32
      %dma_start3A_288 = tpu.memref_slice %arg4[%mul3A_278, %dma_start3A_287] : memref<36864x128xf32, #tpu.memory_space<hbm>> -> memref<128x128xf32, #tpu.memory_space<hbm>>
      %dma_start3A_289 = arith.constant 0 : i32
      %dma_start3A_290 = arith.constant 0 : i32
      %dma_start3A_291 = tpu.memref_slice %arg6[%run_scoped3A_279, %dma_start3A_289, %dma_start3A_290] : memref<2x128x128xf32, #tpu.memory_space<vmem>> -> memref<1x128x128xf32, #tpu.memory_space<vmem>>
      %dma_start3A_292 = tpu.memref_squeeze %dma_start3A_291 : memref<1x128x128xf32, #tpu.memory_space<vmem>> -> memref<128x128xf32, #tpu.memory_space<vmem>>
      tpu.enqueue_dma source(%dma_start3A_292 : memref<128x128xf32, #tpu.memory_space<vmem>>) target(%dma_start3A_288 : memref<128x128xf32, #tpu.memory_space<hbm>>) target_semaphore(%run_scoped3A_280 : memref<!tpu.dma_semaphore, #tpu.memory_space<semaphore_mem>>)
      %dma_wait3A_293 = arith.constant 0 : i32
      %dma_wait3A_294 = arith.constant 0 : i32
      %dma_wait3A_295 = tpu.memref_slice %arg6[%run_scoped3A_279, %dma_wait3A_293, %dma_wait3A_294] : memref<2x128x128xf32, #tpu.memory_space<vmem>> -> memref<1x128x128xf32, #tpu.memory_space<vmem>>
      %dma_wait3A_296 = tpu.memref_squeeze %dma_wait3A_295 : memref<1x128x128xf32, #tpu.memory_space<vmem>> -> memref<128x128xf32, #tpu.memory_space<vmem>>
      %dma_wait3A_297 = arith.constant 0 : i32
      %dma_wait3A_298 = tpu.memref_slice %arg4[%mul3A_278, %dma_wait3A_297] : memref<36864x128xf32, #tpu.memory_space<hbm>> -> memref<128x128xf32, #tpu.memory_space<hbm>>
      %dma_wait3A_299 = arith.constant 0 : i32
      %dma_wait3A_300 = tpu.memref_slice %arg4[%mul3A_278, %dma_wait3A_299] : memref<36864x128xf32, #tpu.memory_space<hbm>> -> memref<128x128xf32, #tpu.memory_space<hbm>>
      %dma_wait3A_301 = arith.constant 0 : i32
      %dma_wait3A_302 = arith.constant 0 : i32
      %dma_wait3A_303 = tpu.memref_slice %arg6[%run_scoped3A_279, %dma_wait3A_301, %dma_wait3A_302] : memref<2x128x128xf32, #tpu.memory_space<vmem>> -> memref<1x128x128xf32, #tpu.memory_space<vmem>>
      %dma_wait3A_304 = tpu.memref_squeeze %dma_wait3A_303 : memref<1x128x128xf32, #tpu.memory_space<vmem>> -> memref<128x128xf32, #tpu.memory_space<vmem>>
      tpu.wait_dma2 semaphore(%run_scoped3A_280 : memref<!tpu.dma_semaphore, #tpu.memory_space<semaphore_mem>>) src(%dma_wait3A_304 : memref<128x128xf32, #tpu.memory_space<vmem>>) dst(%dma_wait3A_300 : memref<128x128xf32, #tpu.memory_space<hbm>>)
      tpu.yield
    }) : () -> ()
    return
  }
}

module attributes {stable_mosaic.version = 14 : i64} {
  func.func @_topk_body(%arg0: i32, %arg1: i32, %arg2: memref<1x1024x128xf32, #tpu.memory_space<vmem>>, %arg3: memref<1x2048x128xf32, #tpu.memory_space<vmem>>, %arg4: memref<9x8x128xi32, #tpu.memory_space<vmem>>) attributes {dimension_semantics = [#tpu.dimension_semantics<parallel>, #tpu.dimension_semantics<arbitrary>], iteration_bounds = array<i64: 2, 2>, scalar_prefetch = 0 : i64, scratch_operands = 0 : i64, tpu.core_type = #tpu.core_type<tc>, window_params = [{transform_indices = @transform_0, window_bounds = array<i64: 1, 1024, 128>}, {transform_indices = @transform_1, window_bounds = array<i64: 1, 2048, 128>}, {transform_indices = @transform_2, window_bounds = array<i64: 9, 8, 128>}]} {
    %get3A = arith.constant 0 : index
    %get3A_0 = arith.constant 0 : index
    %get3A_1 = arith.constant 0 : index
    %get3A_2 = vector.load %arg2[%get3A, %get3A_0, %get3A_1] : memref<1x1024x128xf32, #tpu.memory_space<vmem>>, vector<1x1024x128xf32>
    %get3A_3 = vector.shape_cast %get3A_2 : vector<1x1024x128xf32> to vector<1024x128xf32>
    %get3A_4 = arith.constant 0 : index
    %get3A_5 = arith.constant 0 : index
    %get3A_6 = arith.constant 0 : index
    %get3A_7 = vector.load %arg3[%get3A_4, %get3A_5, %get3A_6] : memref<1x2048x128xf32, #tpu.memory_space<vmem>>, vector<1x2048x128xf32>
    %get3A_8 = vector.shape_cast %get3A_7 : vector<1x2048x128xf32> to vector<2048x128xf32>
    %dot_general3A = arith.constant dense<0.000000e+00> : vector<1024x2048xf32>
    %dot_general3A_9 = tpu.matmul %get3A_3, %get3A_8, %dot_general3A {dimension_numbers = #tpu.dot_dimension_numbers<[1], [1], [0], [0], [0, 0, 1, 0], [], []>, transpose_lhs_hint = false} : vector<1024x128xf32>, vector<2048x128xf32>, vector<1024x2048xf32> -> vector<1024x2048xf32>
    %reshape3A = vector.shape_cast %dot_general3A_9 : vector<1024x2048xf32> to vector<8x128x2048xf32>
    %reshape3A_10 = vector.shape_cast %get3A_3 : vector<1024x128xf32> to vector<8x128x128xf32>
    %mul3A = arith.mulf %reshape3A_10, %reshape3A_10 : vector<8x128x128xf32>
    %reduce_sum3A = arith.constant dense<0.000000e+00> : vector<8x128xf32>
    %reduce_sum3A_11 = vector.multi_reduction <add>, %mul3A, %reduce_sum3A [2] : vector<8x128x128xf32> to vector<8x128xf32>
    %broadcast_in_dim3A = vector.shape_cast %reduce_sum3A_11 : vector<8x128xf32> to vector<8x128x1xf32>
    %mul3A_12 = arith.mulf %get3A_8, %get3A_8 : vector<2048x128xf32>
    %reduce_sum3A_13 = arith.constant dense<0.000000e+00> : vector<2048xf32>
    %reduce_sum3A_14 = vector.multi_reduction <add>, %mul3A_12, %reduce_sum3A_13 [1] : vector<2048x128xf32> to vector<2048xf32>
    %neg3A = arith.constant 0.000000e+00 : f32
    %neg3A_15 = vector.broadcast %neg3A : f32 to vector<8x128x1xf32>
    %neg3A_16 = arith.subf %neg3A_15, %broadcast_in_dim3A : vector<8x128x1xf32>
    %mul3A_17 = arith.constant 2.000000e+00 : f32
    %mul3A_18 = vector.broadcast %mul3A_17 : f32 to vector<8x128x2048xf32>
    %mul3A_19 = arith.mulf %mul3A_18, %reshape3A : vector<8x128x2048xf32>
    %add3A = vector.broadcast %neg3A_16 : vector<8x128x1xf32> to vector<8x128x2048xf32>
    %add3A_20 = arith.addf %add3A, %mul3A_19 : vector<8x128x2048xf32>
    %broadcast_in_dim3A_21 = vector.shape_cast %reduce_sum3A_14 : vector<2048xf32> to vector<1x1x2048xf32>
    %sub3A = vector.broadcast %broadcast_in_dim3A_21 : vector<1x1x2048xf32> to vector<8x128x2048xf32>
    %sub3A_22 = arith.subf %add3A_20, %sub3A : vector<8x128x2048xf32>
    %iota3A = tpu.iota {dimensions = array<i32: 2>} : vector<8x128x2048xi32>
    %convert_element_type3A = arith.sitofp %iota3A : vector<8x128x2048xi32> to vector<8x128x2048xf32>
    %neg3A_23 = arith.constant 0.000000e+00 : f32
    %neg3A_24 = vector.broadcast %neg3A_23 : f32 to vector<8x128x2048xf32>
    %neg3A_25 = arith.subf %neg3A_24, %convert_element_type3A : vector<8x128x2048xf32>
    %add3A_26 = arith.constant 2 : i32
    %add3A_27 = arith.addi %arg0, %add3A_26 : i32
    %mul3A_28 = arith.constant 2048 : i32
    %mul3A_29 = arith.muli %add3A_27, %mul3A_28 : i32
    %reduce_max3A = arith.constant dense<0xFF800000> : vector<8x128xf32>
    %reduce_max3A_30 = vector.multi_reduction <maximumf>, %sub3A_22, %reduce_max3A [2] : vector<8x128x2048xf32> to vector<8x128xf32>
    %broadcast_in_dim3A_31 = vector.shape_cast %reduce_max3A_30 : vector<8x128xf32> to vector<8x128x1xf32>
    %eq3A = vector.broadcast %broadcast_in_dim3A_31 : vector<8x128x1xf32> to vector<8x128x2048xf32>
    %eq3A_32 = arith.cmpf oeq, %sub3A_22, %eq3A : vector<8x128x2048xf32>
    %neg3A_33 = arith.constant 0.000000e+00 : f32
    %neg3A_34 = arith.constant 2.048000e+03 : f32
    %neg3A_35 = arith.subf %neg3A_33, %neg3A_34 : f32
    %broadcast_in_dim3A_36 = vector.broadcast %neg3A_35 : f32 to vector<8x128x2048xf32>
    %select_n3A = arith.select %eq3A_32, %neg3A_25, %broadcast_in_dim3A_36 : vector<8x128x2048xi1>, vector<8x128x2048xf32>
    %reduce_max3A_37 = arith.constant dense<0xFF800000> : vector<8x128xf32>
    %reduce_max3A_38 = vector.multi_reduction <maximumf>, %select_n3A, %reduce_max3A_37 [2] : vector<8x128x2048xf32> to vector<8x128xf32>
    %neg3A_39 = arith.constant 0.000000e+00 : f32
    %neg3A_40 = vector.broadcast %neg3A_39 : f32 to vector<8x128xf32>
    %neg3A_41 = arith.subf %neg3A_40, %reduce_max3A_38 : vector<8x128xf32>
    %convert_element_type3A_42 = arith.fptosi %neg3A_41 : vector<8x128xf32> to vector<8x128xi32>
    %add3A_43 = vector.broadcast %mul3A_29 : i32 to vector<8x128xi32>
    %add3A_44 = arith.addi %convert_element_type3A_42, %add3A_43 : vector<8x128xi32>
    %swap3A = arith.constant 0 : index
    %swap3A_45 = arith.constant 0 : index
    %swap3A_46 = arith.constant 0 : index
    %swap3A_47 = vector.load %arg4[%swap3A, %swap3A_45, %swap3A_46] : memref<9x8x128xi32, #tpu.memory_space<vmem>>, vector<1x8x128xi32>
    %swap3A_48 = vector.shape_cast %swap3A_47 : vector<1x8x128xi32> to vector<8x128xi32>
    %swap3A_49 = vector.shape_cast %add3A_44 : vector<8x128xi32> to vector<1x8x128xi32>
    tpu.vector_store %arg4[%swap3A, %swap3A_45, %swap3A_46], %swap3A_49 {strides = array<i32>} : memref<9x8x128xi32, #tpu.memory_space<vmem>>, vector<1x8x128xi32>,
    %broadcast_in_dim3A_50 = vector.shape_cast %reduce_max3A_38 : vector<8x128xf32> to vector<8x128x1xf32>
    %eq3A_51 = vector.broadcast %broadcast_in_dim3A_50 : vector<8x128x1xf32> to vector<8x128x2048xf32>
    %eq3A_52 = arith.cmpf oeq, %neg3A_25, %eq3A_51 : vector<8x128x2048xf32>
    %jit3A = arith.constant 0xFF800000 : f32
    %broadcast_in_dim3A_53 = vector.broadcast %jit3A : f32 to vector<8x128x2048xf32>
    %select_n3A_54 = arith.select %eq3A_52, %broadcast_in_dim3A_53, %sub3A_22 : vector<8x128x2048xi1>, vector<8x128x2048xf32>
    %reduce_max3A_55 = arith.constant dense<0xFF800000> : vector<8x128xf32>
    %reduce_max3A_56 = vector.multi_reduction <maximumf>, %select_n3A_54, %reduce_max3A_55 [2] : vector<8x128x2048xf32> to vector<8x128xf32>
    %broadcast_in_dim3A_57 = vector.shape_cast %reduce_max3A_56 : vector<8x128xf32> to vector<8x128x1xf32>
    %eq3A_58 = vector.broadcast %broadcast_in_dim3A_57 : vector<8x128x1xf32> to vector<8x128x2048xf32>
    %eq3A_59 = arith.cmpf oeq, %select_n3A_54, %eq3A_58 : vector<8x128x2048xf32>
    %neg3A_60 = arith.constant 0.000000e+00 : f32
    %neg3A_61 = arith.constant 2.048000e+03 : f32
    %neg3A_62 = arith.subf %neg3A_60, %neg3A_61 : f32
    %broadcast_in_dim3A_63 = vector.broadcast %neg3A_62 : f32 to vector<8x128x2048xf32>
    %select_n3A_64 = arith.select %eq3A_59, %neg3A_25, %broadcast_in_dim3A_63 : vector<8x128x2048xi1>, vector<8x128x2048xf32>
    %reduce_max3A_65 = arith.constant dense<0xFF800000> : vector<8x128xf32>
    %reduce_max3A_66 = vector.multi_reduction <maximumf>, %select_n3A_64, %reduce_max3A_65 [2] : vector<8x128x2048xf32> to vector<8x128xf32>
    %neg3A_67 = arith.constant 0.000000e+00 : f32
    %neg3A_68 = vector.broadcast %neg3A_67 : f32 to vector<8x128xf32>
    %neg3A_69 = arith.subf %neg3A_68, %reduce_max3A_66 : vector<8x128xf32>
    %convert_element_type3A_70 = arith.fptosi %neg3A_69 : vector<8x128xf32> to vector<8x128xi32>
    %add3A_71 = vector.broadcast %mul3A_29 : i32 to vector<8x128xi32>
    %add3A_72 = arith.addi %convert_element_type3A_70, %add3A_71 : vector<8x128xi32>
    %swap3A_73 = arith.constant 1 : index
    %swap3A_74 = arith.constant 0 : index
    %swap3A_75 = arith.constant 0 : index
    %swap3A_76 = vector.load %arg4[%swap3A_73, %swap3A_74, %swap3A_75] : memref<9x8x128xi32, #tpu.memory_space<vmem>>, vector<1x8x128xi32>
    %swap3A_77 = vector.shape_cast %swap3A_76 : vector<1x8x128xi32> to vector<8x128xi32>
    %swap3A_78 = vector.shape_cast %add3A_72 : vector<8x128xi32> to vector<1x8x128xi32>
    tpu.vector_store %arg4[%swap3A_73, %swap3A_74, %swap3A_75], %swap3A_78 {strides = array<i32>} : memref<9x8x128xi32, #tpu.memory_space<vmem>>, vector<1x8x128xi32>,
    %broadcast_in_dim3A_79 = vector.shape_cast %reduce_max3A_66 : vector<8x128xf32> to vector<8x128x1xf32>
    %eq3A_80 = vector.broadcast %broadcast_in_dim3A_79 : vector<8x128x1xf32> to vector<8x128x2048xf32>
    %eq3A_81 = arith.cmpf oeq, %neg3A_25, %eq3A_80 : vector<8x128x2048xf32>
    %jit3A_82 = arith.constant 0xFF800000 : f32
    %broadcast_in_dim3A_83 = vector.broadcast %jit3A_82 : f32 to vector<8x128x2048xf32>
    %select_n3A_84 = arith.select %eq3A_81, %broadcast_in_dim3A_83, %select_n3A_54 : vector<8x128x2048xi1>, vector<8x128x2048xf32>
    %reduce_max3A_85 = arith.constant dense<0xFF800000> : vector<8x128xf32>
    %reduce_max3A_86 = vector.multi_reduction <maximumf>, %select_n3A_84, %reduce_max3A_85 [2] : vector<8x128x2048xf32> to vector<8x128xf32>
    %broadcast_in_dim3A_87 = vector.shape_cast %reduce_max3A_86 : vector<8x128xf32> to vector<8x128x1xf32>
    %eq3A_88 = vector.broadcast %broadcast_in_dim3A_87 : vector<8x128x1xf32> to vector<8x128x2048xf32>
    %eq3A_89 = arith.cmpf oeq, %select_n3A_84, %eq3A_88 : vector<8x128x2048xf32>
    %neg3A_90 = arith.constant 0.000000e+00 : f32
    %neg3A_91 = arith.constant 2.048000e+03 : f32
    %neg3A_92 = arith.subf %neg3A_90, %neg3A_91 : f32
    %broadcast_in_dim3A_93 = vector.broadcast %neg3A_92 : f32 to vector<8x128x2048xf32>
    %select_n3A_94 = arith.select %eq3A_89, %neg3A_25, %broadcast_in_dim3A_93 : vector<8x128x2048xi1>, vector<8x128x2048xf32>
    %reduce_max3A_95 = arith.constant dense<0xFF800000> : vector<8x128xf32>
    %reduce_max3A_96 = vector.multi_reduction <maximumf>, %select_n3A_94, %reduce_max3A_95 [2] : vector<8x128x2048xf32> to vector<8x128xf32>
    %neg3A_97 = arith.constant 0.000000e+00 : f32
    %neg3A_98 = vector.broadcast %neg3A_97 : f32 to vector<8x128xf32>
    %neg3A_99 = arith.subf %neg3A_98, %reduce_max3A_96 : vector<8x128xf32>
    %convert_element_type3A_100 = arith.fptosi %neg3A_99 : vector<8x128xf32> to vector<8x128xi32>
    %add3A_101 = vector.broadcast %mul3A_29 : i32 to vector<8x128xi32>
    %add3A_102 = arith.addi %convert_element_type3A_100, %add3A_101 : vector<8x128xi32>
    %swap3A_103 = arith.constant 2 : index
    %swap3A_104 = arith.constant 0 : index
    %swap3A_105 = arith.constant 0 : index
    %swap3A_106 = vector.load %arg4[%swap3A_103, %swap3A_104, %swap3A_105] : memref<9x8x128xi32, #tpu.memory_space<vmem>>, vector<1x8x128xi32>
    %swap3A_107 = vector.shape_cast %swap3A_106 : vector<1x8x128xi32> to vector<8x128xi32>
    %swap3A_108 = vector.shape_cast %add3A_102 : vector<8x128xi32> to vector<1x8x128xi32>
    tpu.vector_store %arg4[%swap3A_103, %swap3A_104, %swap3A_105], %swap3A_108 {strides = array<i32>} : memref<9x8x128xi32, #tpu.memory_space<vmem>>, vector<1x8x128xi32>,
    %broadcast_in_dim3A_109 = vector.shape_cast %reduce_max3A_96 : vector<8x128xf32> to vector<8x128x1xf32>
    %eq3A_110 = vector.broadcast %broadcast_in_dim3A_109 : vector<8x128x1xf32> to vector<8x128x2048xf32>
    %eq3A_111 = arith.cmpf oeq, %neg3A_25, %eq3A_110 : vector<8x128x2048xf32>
    %jit3A_112 = arith.constant 0xFF800000 : f32
    %broadcast_in_dim3A_113 = vector.broadcast %jit3A_112 : f32 to vector<8x128x2048xf32>
    %select_n3A_114 = arith.select %eq3A_111, %broadcast_in_dim3A_113, %select_n3A_84 : vector<8x128x2048xi1>, vector<8x128x2048xf32>
    %reduce_max3A_115 = arith.constant dense<0xFF800000> : vector<8x128xf32>
    %reduce_max3A_116 = vector.multi_reduction <maximumf>, %select_n3A_114, %reduce_max3A_115 [2] : vector<8x128x2048xf32> to vector<8x128xf32>
    %broadcast_in_dim3A_117 = vector.shape_cast %reduce_max3A_116 : vector<8x128xf32> to vector<8x128x1xf32>
    %eq3A_118 = vector.broadcast %broadcast_in_dim3A_117 : vector<8x128x1xf32> to vector<8x128x2048xf32>
    %eq3A_119 = arith.cmpf oeq, %select_n3A_114, %eq3A_118 : vector<8x128x2048xf32>
    %neg3A_120 = arith.constant 0.000000e+00 : f32
    %neg3A_121 = arith.constant 2.048000e+03 : f32
    %neg3A_122 = arith.subf %neg3A_120, %neg3A_121 : f32
    %broadcast_in_dim3A_123 = vector.broadcast %neg3A_122 : f32 to vector<8x128x2048xf32>
    %select_n3A_124 = arith.select %eq3A_119, %neg3A_25, %broadcast_in_dim3A_123 : vector<8x128x2048xi1>, vector<8x128x2048xf32>
    %reduce_max3A_125 = arith.constant dense<0xFF800000> : vector<8x128xf32>
    %reduce_max3A_126 = vector.multi_reduction <maximumf>, %select_n3A_124, %reduce_max3A_125 [2] : vector<8x128x2048xf32> to vector<8x128xf32>
    %neg3A_127 = arith.constant 0.000000e+00 : f32
    %neg3A_128 = vector.broadcast %neg3A_127 : f32 to vector<8x128xf32>
    %neg3A_129 = arith.subf %neg3A_128, %reduce_max3A_126 : vector<8x128xf32>
    %convert_element_type3A_130 = arith.fptosi %neg3A_129 : vector<8x128xf32> to vector<8x128xi32>
    %add3A_131 = vector.broadcast %mul3A_29 : i32 to vector<8x128xi32>
    %add3A_132 = arith.addi %convert_element_type3A_130, %add3A_131 : vector<8x128xi32>
    %swap3A_133 = arith.constant 3 : index
    %swap3A_134 = arith.constant 0 : index
    %swap3A_135 = arith.constant 0 : index
    %swap3A_136 = vector.load %arg4[%swap3A_133, %swap3A_134, %swap3A_135] : memref<9x8x128xi32, #tpu.memory_space<vmem>>, vector<1x8x128xi32>
    %swap3A_137 = vector.shape_cast %swap3A_136 : vector<1x8x128xi32> to vector<8x128xi32>
    %swap3A_138 = vector.shape_cast %add3A_132 : vector<8x128xi32> to vector<1x8x128xi32>
    tpu.vector_store %arg4[%swap3A_133, %swap3A_134, %swap3A_135], %swap3A_138 {strides = array<i32>} : memref<9x8x128xi32, #tpu.memory_space<vmem>>, vector<1x8x128xi32>,
    %broadcast_in_dim3A_139 = vector.shape_cast %reduce_max3A_126 : vector<8x128xf32> to vector<8x128x1xf32>
    %eq3A_140 = vector.broadcast %broadcast_in_dim3A_139 : vector<8x128x1xf32> to vector<8x128x2048xf32>
    %eq3A_141 = arith.cmpf oeq, %neg3A_25, %eq3A_140 : vector<8x128x2048xf32>
    %jit3A_142 = arith.constant 0xFF800000 : f32
    %broadcast_in_dim3A_143 = vector.broadcast %jit3A_142 : f32 to vector<8x128x2048xf32>
    %select_n3A_144 = arith.select %eq3A_141, %broadcast_in_dim3A_143, %select_n3A_114 : vector<8x128x2048xi1>, vector<8x128x2048xf32>
    %reduce_max3A_145 = arith.constant dense<0xFF800000> : vector<8x128xf32>
    %reduce_max3A_146 = vector.multi_reduction <maximumf>, %select_n3A_144, %reduce_max3A_145 [2] : vector<8x128x2048xf32> to vector<8x128xf32>
    %broadcast_in_dim3A_147 = vector.shape_cast %reduce_max3A_146 : vector<8x128xf32> to vector<8x128x1xf32>
    %eq3A_148 = vector.broadcast %broadcast_in_dim3A_147 : vector<8x128x1xf32> to vector<8x128x2048xf32>
    %eq3A_149 = arith.cmpf oeq, %select_n3A_144, %eq3A_148 : vector<8x128x2048xf32>
    %neg3A_150 = arith.constant 0.000000e+00 : f32
    %neg3A_151 = arith.constant 2.048000e+03 : f32
    %neg3A_152 = arith.subf %neg3A_150, %neg3A_151 : f32
    %broadcast_in_dim3A_153 = vector.broadcast %neg3A_152 : f32 to vector<8x128x2048xf32>
    %select_n3A_154 = arith.select %eq3A_149, %neg3A_25, %broadcast_in_dim3A_153 : vector<8x128x2048xi1>, vector<8x128x2048xf32>
    %reduce_max3A_155 = arith.constant dense<0xFF800000> : vector<8x128xf32>
    %reduce_max3A_156 = vector.multi_reduction <maximumf>, %select_n3A_154, %reduce_max3A_155 [2] : vector<8x128x2048xf32> to vector<8x128xf32>
    %neg3A_157 = arith.constant 0.000000e+00 : f32
    %neg3A_158 = vector.broadcast %neg3A_157 : f32 to vector<8x128xf32>
    %neg3A_159 = arith.subf %neg3A_158, %reduce_max3A_156 : vector<8x128xf32>
    %convert_element_type3A_160 = arith.fptosi %neg3A_159 : vector<8x128xf32> to vector<8x128xi32>
    %add3A_161 = vector.broadcast %mul3A_29 : i32 to vector<8x128xi32>
    %add3A_162 = arith.addi %convert_element_type3A_160, %add3A_161 : vector<8x128xi32>
    %swap3A_163 = arith.constant 4 : index
    %swap3A_164 = arith.constant 0 : index
    %swap3A_165 = arith.constant 0 : index
    %swap3A_166 = vector.load %arg4[%swap3A_163, %swap3A_164, %swap3A_165] : memref<9x8x128xi32, #tpu.memory_space<vmem>>, vector<1x8x128xi32>
    %swap3A_167 = vector.shape_cast %swap3A_166 : vector<1x8x128xi32> to vector<8x128xi32>
    %swap3A_168 = vector.shape_cast %add3A_162 : vector<8x128xi32> to vector<1x8x128xi32>
    tpu.vector_store %arg4[%swap3A_163, %swap3A_164, %swap3A_165], %swap3A_168 {strides = array<i32>} : memref<9x8x128xi32, #tpu.memory_space<vmem>>, vector<1x8x128xi32>,
    %broadcast_in_dim3A_169 = vector.shape_cast %reduce_max3A_156 : vector<8x128xf32> to vector<8x128x1xf32>
    %eq3A_170 = vector.broadcast %broadcast_in_dim3A_169 : vector<8x128x1xf32> to vector<8x128x2048xf32>
    %eq3A_171 = arith.cmpf oeq, %neg3A_25, %eq3A_170 : vector<8x128x2048xf32>
    %jit3A_172 = arith.constant 0xFF800000 : f32
    %broadcast_in_dim3A_173 = vector.broadcast %jit3A_172 : f32 to vector<8x128x2048xf32>
    %select_n3A_174 = arith.select %eq3A_171, %broadcast_in_dim3A_173, %select_n3A_144 : vector<8x128x2048xi1>, vector<8x128x2048xf32>
    %reduce_max3A_175 = arith.constant dense<0xFF800000> : vector<8x128xf32>
    %reduce_max3A_176 = vector.multi_reduction <maximumf>, %select_n3A_174, %reduce_max3A_175 [2] : vector<8x128x2048xf32> to vector<8x128xf32>
    %broadcast_in_dim3A_177 = vector.shape_cast %reduce_max3A_176 : vector<8x128xf32> to vector<8x128x1xf32>
    %eq3A_178 = vector.broadcast %broadcast_in_dim3A_177 : vector<8x128x1xf32> to vector<8x128x2048xf32>
    %eq3A_179 = arith.cmpf oeq, %select_n3A_174, %eq3A_178 : vector<8x128x2048xf32>
    %neg3A_180 = arith.constant 0.000000e+00 : f32
    %neg3A_181 = arith.constant 2.048000e+03 : f32
    %neg3A_182 = arith.subf %neg3A_180, %neg3A_181 : f32
    %broadcast_in_dim3A_183 = vector.broadcast %neg3A_182 : f32 to vector<8x128x2048xf32>
    %select_n3A_184 = arith.select %eq3A_179, %neg3A_25, %broadcast_in_dim3A_183 : vector<8x128x2048xi1>, vector<8x128x2048xf32>
    %reduce_max3A_185 = arith.constant dense<0xFF800000> : vector<8x128xf32>
    %reduce_max3A_186 = vector.multi_reduction <maximumf>, %select_n3A_184, %reduce_max3A_185 [2] : vector<8x128x2048xf32> to vector<8x128xf32>
    %neg3A_187 = arith.constant 0.000000e+00 : f32
    %neg3A_188 = vector.broadcast %neg3A_187 : f32 to vector<8x128xf32>
    %neg3A_189 = arith.subf %neg3A_188, %reduce_max3A_186 : vector<8x128xf32>
    %convert_element_type3A_190 = arith.fptosi %neg3A_189 : vector<8x128xf32> to vector<8x128xi32>
    %add3A_191 = vector.broadcast %mul3A_29 : i32 to vector<8x128xi32>
    %add3A_192 = arith.addi %convert_element_type3A_190, %add3A_191 : vector<8x128xi32>
    %swap3A_193 = arith.constant 5 : index
    %swap3A_194 = arith.constant 0 : index
    %swap3A_195 = arith.constant 0 : index
    %swap3A_196 = vector.load %arg4[%swap3A_193, %swap3A_194, %swap3A_195] : memref<9x8x128xi32, #tpu.memory_space<vmem>>, vector<1x8x128xi32>
    %swap3A_197 = vector.shape_cast %swap3A_196 : vector<1x8x128xi32> to vector<8x128xi32>
    %swap3A_198 = vector.shape_cast %add3A_192 : vector<8x128xi32> to vector<1x8x128xi32>
    tpu.vector_store %arg4[%swap3A_193, %swap3A_194, %swap3A_195], %swap3A_198 {strides = array<i32>} : memref<9x8x128xi32, #tpu.memory_space<vmem>>, vector<1x8x128xi32>,
    %broadcast_in_dim3A_199 = vector.shape_cast %reduce_max3A_186 : vector<8x128xf32> to vector<8x128x1xf32>
    %eq3A_200 = vector.broadcast %broadcast_in_dim3A_199 : vector<8x128x1xf32> to vector<8x128x2048xf32>
    %eq3A_201 = arith.cmpf oeq, %neg3A_25, %eq3A_200 : vector<8x128x2048xf32>
    %jit3A_202 = arith.constant 0xFF800000 : f32
    %broadcast_in_dim3A_203 = vector.broadcast %jit3A_202 : f32 to vector<8x128x2048xf32>
    %select_n3A_204 = arith.select %eq3A_201, %broadcast_in_dim3A_203, %select_n3A_174 : vector<8x128x2048xi1>, vector<8x128x2048xf32>
    %reduce_max3A_205 = arith.constant dense<0xFF800000> : vector<8x128xf32>
    %reduce_max3A_206 = vector.multi_reduction <maximumf>, %select_n3A_204, %reduce_max3A_205 [2] : vector<8x128x2048xf32> to vector<8x128xf32>
    %broadcast_in_dim3A_207 = vector.shape_cast %reduce_max3A_206 : vector<8x128xf32> to vector<8x128x1xf32>
    %eq3A_208 = vector.broadcast %broadcast_in_dim3A_207 : vector<8x128x1xf32> to vector<8x128x2048xf32>
    %eq3A_209 = arith.cmpf oeq, %select_n3A_204, %eq3A_208 : vector<8x128x2048xf32>
    %neg3A_210 = arith.constant 0.000000e+00 : f32
    %neg3A_211 = arith.constant 2.048000e+03 : f32
    %neg3A_212 = arith.subf %neg3A_210, %neg3A_211 : f32
    %broadcast_in_dim3A_213 = vector.broadcast %neg3A_212 : f32 to vector<8x128x2048xf32>
    %select_n3A_214 = arith.select %eq3A_209, %neg3A_25, %broadcast_in_dim3A_213 : vector<8x128x2048xi1>, vector<8x128x2048xf32>
    %reduce_max3A_215 = arith.constant dense<0xFF800000> : vector<8x128xf32>
    %reduce_max3A_216 = vector.multi_reduction <maximumf>, %select_n3A_214, %reduce_max3A_215 [2] : vector<8x128x2048xf32> to vector<8x128xf32>
    %neg3A_217 = arith.constant 0.000000e+00 : f32
    %neg3A_218 = vector.broadcast %neg3A_217 : f32 to vector<8x128xf32>
    %neg3A_219 = arith.subf %neg3A_218, %reduce_max3A_216 : vector<8x128xf32>
    %convert_element_type3A_220 = arith.fptosi %neg3A_219 : vector<8x128xf32> to vector<8x128xi32>
    %add3A_221 = vector.broadcast %mul3A_29 : i32 to vector<8x128xi32>
    %add3A_222 = arith.addi %convert_element_type3A_220, %add3A_221 : vector<8x128xi32>
    %swap3A_223 = arith.constant 6 : index
    %swap3A_224 = arith.constant 0 : index
    %swap3A_225 = arith.constant 0 : index
    %swap3A_226 = vector.load %arg4[%swap3A_223, %swap3A_224, %swap3A_225] : memref<9x8x128xi32, #tpu.memory_space<vmem>>, vector<1x8x128xi32>
    %swap3A_227 = vector.shape_cast %swap3A_226 : vector<1x8x128xi32> to vector<8x128xi32>
    %swap3A_228 = vector.shape_cast %add3A_222 : vector<8x128xi32> to vector<1x8x128xi32>
    tpu.vector_store %arg4[%swap3A_223, %swap3A_224, %swap3A_225], %swap3A_228 {strides = array<i32>} : memref<9x8x128xi32, #tpu.memory_space<vmem>>, vector<1x8x128xi32>,
    %broadcast_in_dim3A_229 = vector.shape_cast %reduce_max3A_216 : vector<8x128xf32> to vector<8x128x1xf32>
    %eq3A_230 = vector.broadcast %broadcast_in_dim3A_229 : vector<8x128x1xf32> to vector<8x128x2048xf32>
    %eq3A_231 = arith.cmpf oeq, %neg3A_25, %eq3A_230 : vector<8x128x2048xf32>
    %jit3A_232 = arith.constant 0xFF800000 : f32
    %broadcast_in_dim3A_233 = vector.broadcast %jit3A_232 : f32 to vector<8x128x2048xf32>
    %select_n3A_234 = arith.select %eq3A_231, %broadcast_in_dim3A_233, %select_n3A_204 : vector<8x128x2048xi1>, vector<8x128x2048xf32>
    %reduce_max3A_235 = arith.constant dense<0xFF800000> : vector<8x128xf32>
    %reduce_max3A_236 = vector.multi_reduction <maximumf>, %select_n3A_234, %reduce_max3A_235 [2] : vector<8x128x2048xf32> to vector<8x128xf32>
    %broadcast_in_dim3A_237 = vector.shape_cast %reduce_max3A_236 : vector<8x128xf32> to vector<8x128x1xf32>
    %eq3A_238 = vector.broadcast %broadcast_in_dim3A_237 : vector<8x128x1xf32> to vector<8x128x2048xf32>
    %eq3A_239 = arith.cmpf oeq, %select_n3A_234, %eq3A_238 : vector<8x128x2048xf32>
    %neg3A_240 = arith.constant 0.000000e+00 : f32
    %neg3A_241 = arith.constant 2.048000e+03 : f32
    %neg3A_242 = arith.subf %neg3A_240, %neg3A_241 : f32
    %broadcast_in_dim3A_243 = vector.broadcast %neg3A_242 : f32 to vector<8x128x2048xf32>
    %select_n3A_244 = arith.select %eq3A_239, %neg3A_25, %broadcast_in_dim3A_243 : vector<8x128x2048xi1>, vector<8x128x2048xf32>
    %reduce_max3A_245 = arith.constant dense<0xFF800000> : vector<8x128xf32>
    %reduce_max3A_246 = vector.multi_reduction <maximumf>, %select_n3A_244, %reduce_max3A_245 [2] : vector<8x128x2048xf32> to vector<8x128xf32>
    %neg3A_247 = arith.constant 0.000000e+00 : f32
    %neg3A_248 = vector.broadcast %neg3A_247 : f32 to vector<8x128xf32>
    %neg3A_249 = arith.subf %neg3A_248, %reduce_max3A_246 : vector<8x128xf32>
    %convert_element_type3A_250 = arith.fptosi %neg3A_249 : vector<8x128xf32> to vector<8x128xi32>
    %add3A_251 = vector.broadcast %mul3A_29 : i32 to vector<8x128xi32>
    %add3A_252 = arith.addi %convert_element_type3A_250, %add3A_251 : vector<8x128xi32>
    %swap3A_253 = arith.constant 7 : index
    %swap3A_254 = arith.constant 0 : index
    %swap3A_255 = arith.constant 0 : index
    %swap3A_256 = vector.load %arg4[%swap3A_253, %swap3A_254, %swap3A_255] : memref<9x8x128xi32, #tpu.memory_space<vmem>>, vector<1x8x128xi32>
    %swap3A_257 = vector.shape_cast %swap3A_256 : vector<1x8x128xi32> to vector<8x128xi32>
    %swap3A_258 = vector.shape_cast %add3A_252 : vector<8x128xi32> to vector<1x8x128xi32>
    tpu.vector_store %arg4[%swap3A_253, %swap3A_254, %swap3A_255], %swap3A_258 {strides = array<i32>} : memref<9x8x128xi32, #tpu.memory_space<vmem>>, vector<1x8x128xi32>,
    %broadcast_in_dim3A_259 = vector.shape_cast %reduce_max3A_246 : vector<8x128xf32> to vector<8x128x1xf32>
    %eq3A_260 = vector.broadcast %broadcast_in_dim3A_259 : vector<8x128x1xf32> to vector<8x128x2048xf32>
    %eq3A_261 = arith.cmpf oeq, %neg3A_25, %eq3A_260 : vector<8x128x2048xf32>
    %jit3A_262 = arith.constant 0xFF800000 : f32
    %broadcast_in_dim3A_263 = vector.broadcast %jit3A_262 : f32 to vector<8x128x2048xf32>
    %select_n3A_264 = arith.select %eq3A_261, %broadcast_in_dim3A_263, %select_n3A_234 : vector<8x128x2048xi1>, vector<8x128x2048xf32>
    %reduce_max3A_265 = arith.constant dense<0xFF800000> : vector<8x128xf32>
    %reduce_max3A_266 = vector.multi_reduction <maximumf>, %select_n3A_264, %reduce_max3A_265 [2] : vector<8x128x2048xf32> to vector<8x128xf32>
    %broadcast_in_dim3A_267 = vector.shape_cast %reduce_max3A_266 : vector<8x128xf32> to vector<8x128x1xf32>
    %eq3A_268 = vector.broadcast %broadcast_in_dim3A_267 : vector<8x128x1xf32> to vector<8x128x2048xf32>
    %eq3A_269 = arith.cmpf oeq, %select_n3A_264, %eq3A_268 : vector<8x128x2048xf32>
    %neg3A_270 = arith.constant 0.000000e+00 : f32
    %neg3A_271 = arith.constant 2.048000e+03 : f32
    %neg3A_272 = arith.subf %neg3A_270, %neg3A_271 : f32
    %broadcast_in_dim3A_273 = vector.broadcast %neg3A_272 : f32 to vector<8x128x2048xf32>
    %select_n3A_274 = arith.select %eq3A_269, %neg3A_25, %broadcast_in_dim3A_273 : vector<8x128x2048xi1>, vector<8x128x2048xf32>
    %reduce_max3A_275 = arith.constant dense<0xFF800000> : vector<8x128xf32>
    %reduce_max3A_276 = vector.multi_reduction <maximumf>, %select_n3A_274, %reduce_max3A_275 [2] : vector<8x128x2048xf32> to vector<8x128xf32>
    %neg3A_277 = arith.constant 0.000000e+00 : f32
    %neg3A_278 = vector.broadcast %neg3A_277 : f32 to vector<8x128xf32>
    %neg3A_279 = arith.subf %neg3A_278, %reduce_max3A_276 : vector<8x128xf32>
    %convert_element_type3A_280 = arith.fptosi %neg3A_279 : vector<8x128xf32> to vector<8x128xi32>
    %add3A_281 = vector.broadcast %mul3A_29 : i32 to vector<8x128xi32>
    %add3A_282 = arith.addi %convert_element_type3A_280, %add3A_281 : vector<8x128xi32>
    %swap3A_283 = arith.constant 8 : index
    %swap3A_284 = arith.constant 0 : index
    %swap3A_285 = arith.constant 0 : index
    %swap3A_286 = vector.load %arg4[%swap3A_283, %swap3A_284, %swap3A_285] : memref<9x8x128xi32, #tpu.memory_space<vmem>>, vector<1x8x128xi32>
    %swap3A_287 = vector.shape_cast %swap3A_286 : vector<1x8x128xi32> to vector<8x128xi32>
    %swap3A_288 = vector.shape_cast %add3A_282 : vector<8x128xi32> to vector<1x8x128xi32>
    tpu.vector_store %arg4[%swap3A_283, %swap3A_284, %swap3A_285], %swap3A_288 {strides = array<i32>} : memref<9x8x128xi32, #tpu.memory_space<vmem>>, vector<1x8x128xi32>,
    return
  }
  func.func @transform_0(%arg0: i32, %arg1: i32) -> (i32, i32, i32) {
    %add3A = arith.constant 2 : i32
    %add3A_0 = arith.addi %arg0, %add3A : i32
    %c0_i32 = arith.constant 0 : i32
    %c0_i32_1 = arith.constant 0 : i32
    return %add3A_0, %arg1, %c0_i32 : i32, i32, i32
  }
  func.func @transform_1(%arg0: i32, %arg1: i32) -> (i32, i32, i32) {
    %add3A = arith.constant 2 : i32
    %add3A_0 = arith.addi %arg0, %add3A : i32
    %c0_i32 = arith.constant 0 : i32
    %c0_i32_1 = arith.constant 0 : i32
    %c0_i32_2 = arith.constant 0 : i32
    return %add3A_0, %c0_i32, %c0_i32_1 : i32, i32, i32
  }
  func.func @transform_2(%arg0: i32, %arg1: i32) -> (i32, i32, i32) {
    %mul3A = arith.constant 2 : i32
    %mul3A_0 = arith.muli %arg0, %mul3A : i32
    %add3A = arith.addi %mul3A_0, %arg1 : i32
    %c0_i32 = arith.constant 0 : i32
    %c0_i32_1 = arith.constant 0 : i32
    %c0_i32_2 = arith.constant 0 : i32
    return %c0_i32, %add3A, %c0_i32_1 : i32, i32, i32
  }
}

module attributes {stable_mosaic.version = 14 : i64} {
  func.func @_topk_body(%arg0: i32, %arg1: i32, %arg2: memref<1x1024x128xf32, #tpu.memory_space<vmem>>, %arg3: memref<1x2048x128xf32, #tpu.memory_space<vmem>>, %arg4: memref<9x8x128xi32, #tpu.memory_space<vmem>>) attributes {dimension_semantics = [#tpu.dimension_semantics<parallel>, #tpu.dimension_semantics<arbitrary>], iteration_bounds = array<i64: 2, 2>, scalar_prefetch = 0 : i64, scratch_operands = 0 : i64, tpu.core_type = #tpu.core_type<tc>, window_params = [{transform_indices = @transform_0, window_bounds = array<i64: 1, 1024, 128>}, {transform_indices = @transform_1, window_bounds = array<i64: 1, 2048, 128>}, {transform_indices = @transform_2, window_bounds = array<i64: 9, 8, 128>}]} {
    %get3A = arith.constant 0 : index
    %get3A_0 = arith.constant 0 : index
    %get3A_1 = arith.constant 0 : index
    %get3A_2 = vector.load %arg2[%get3A, %get3A_0, %get3A_1] : memref<1x1024x128xf32, #tpu.memory_space<vmem>>, vector<1x1024x128xf32>
    %get3A_3 = vector.shape_cast %get3A_2 : vector<1x1024x128xf32> to vector<1024x128xf32>
    %get3A_4 = arith.constant 0 : index
    %get3A_5 = arith.constant 0 : index
    %get3A_6 = arith.constant 0 : index
    %get3A_7 = vector.load %arg3[%get3A_4, %get3A_5, %get3A_6] : memref<1x2048x128xf32, #tpu.memory_space<vmem>>, vector<1x2048x128xf32>
    %get3A_8 = vector.shape_cast %get3A_7 : vector<1x2048x128xf32> to vector<2048x128xf32>
    %dot_general3A = arith.constant dense<0.000000e+00> : vector<1024x2048xf32>
    %dot_general3A_9 = tpu.matmul %get3A_3, %get3A_8, %dot_general3A {dimension_numbers = #tpu.dot_dimension_numbers<[1], [1], [0], [0], [0, 0, 1, 0], [], []>, transpose_lhs_hint = false} : vector<1024x128xf32>, vector<2048x128xf32>, vector<1024x2048xf32> -> vector<1024x2048xf32>
    %reshape3A = vector.shape_cast %dot_general3A_9 : vector<1024x2048xf32> to vector<8x128x2048xf32>
    %reshape3A_10 = vector.shape_cast %get3A_3 : vector<1024x128xf32> to vector<8x128x128xf32>
    %mul3A = arith.mulf %reshape3A_10, %reshape3A_10 : vector<8x128x128xf32>
    %reduce_sum3A = arith.constant dense<0.000000e+00> : vector<8x128xf32>
    %reduce_sum3A_11 = vector.multi_reduction <add>, %mul3A, %reduce_sum3A [2] : vector<8x128x128xf32> to vector<8x128xf32>
    %broadcast_in_dim3A = vector.shape_cast %reduce_sum3A_11 : vector<8x128xf32> to vector<8x128x1xf32>
    %mul3A_12 = arith.mulf %get3A_8, %get3A_8 : vector<2048x128xf32>
    %reduce_sum3A_13 = arith.constant dense<0.000000e+00> : vector<2048xf32>
    %reduce_sum3A_14 = vector.multi_reduction <add>, %mul3A_12, %reduce_sum3A_13 [1] : vector<2048x128xf32> to vector<2048xf32>
    %neg3A = arith.constant 0.000000e+00 : f32
    %neg3A_15 = vector.broadcast %neg3A : f32 to vector<8x128x1xf32>
    %neg3A_16 = arith.subf %neg3A_15, %broadcast_in_dim3A : vector<8x128x1xf32>
    %mul3A_17 = arith.constant 2.000000e+00 : f32
    %mul3A_18 = vector.broadcast %mul3A_17 : f32 to vector<8x128x2048xf32>
    %mul3A_19 = arith.mulf %mul3A_18, %reshape3A : vector<8x128x2048xf32>
    %add3A = vector.broadcast %neg3A_16 : vector<8x128x1xf32> to vector<8x128x2048xf32>
    %add3A_20 = arith.addf %add3A, %mul3A_19 : vector<8x128x2048xf32>
    %broadcast_in_dim3A_21 = vector.shape_cast %reduce_sum3A_14 : vector<2048xf32> to vector<1x1x2048xf32>
    %sub3A = vector.broadcast %broadcast_in_dim3A_21 : vector<1x1x2048xf32> to vector<8x128x2048xf32>
    %sub3A_22 = arith.subf %add3A_20, %sub3A : vector<8x128x2048xf32>
    %iota3A = tpu.iota {dimensions = array<i32: 2>} : vector<8x128x2048xi32>
    %convert_element_type3A = arith.sitofp %iota3A : vector<8x128x2048xi32> to vector<8x128x2048xf32>
    %neg3A_23 = arith.constant 0.000000e+00 : f32
    %neg3A_24 = vector.broadcast %neg3A_23 : f32 to vector<8x128x2048xf32>
    %neg3A_25 = arith.subf %neg3A_24, %convert_element_type3A : vector<8x128x2048xf32>
    %add3A_26 = arith.constant 0 : i32
    %add3A_27 = arith.addi %arg0, %add3A_26 : i32
    %mul3A_28 = arith.constant 2048 : i32
    %mul3A_29 = arith.muli %add3A_27, %mul3A_28 : i32
    %reduce_max3A = arith.constant dense<0xFF800000> : vector<8x128xf32>
    %reduce_max3A_30 = vector.multi_reduction <maximumf>, %sub3A_22, %reduce_max3A [2] : vector<8x128x2048xf32> to vector<8x128xf32>
    %broadcast_in_dim3A_31 = vector.shape_cast %reduce_max3A_30 : vector<8x128xf32> to vector<8x128x1xf32>
    %eq3A = vector.broadcast %broadcast_in_dim3A_31 : vector<8x128x1xf32> to vector<8x128x2048xf32>
    %eq3A_32 = arith.cmpf oeq, %sub3A_22, %eq3A : vector<8x128x2048xf32>
    %neg3A_33 = arith.constant 0.000000e+00 : f32
    %neg3A_34 = arith.constant 2.048000e+03 : f32
    %neg3A_35 = arith.subf %neg3A_33, %neg3A_34 : f32
    %broadcast_in_dim3A_36 = vector.broadcast %neg3A_35 : f32 to vector<8x128x2048xf32>
    %select_n3A = arith.select %eq3A_32, %neg3A_25, %broadcast_in_dim3A_36 : vector<8x128x2048xi1>, vector<8x128x2048xf32>
    %reduce_max3A_37 = arith.constant dense<0xFF800000> : vector<8x128xf32>
    %reduce_max3A_38 = vector.multi_reduction <maximumf>, %select_n3A, %reduce_max3A_37 [2] : vector<8x128x2048xf32> to vector<8x128xf32>
    %neg3A_39 = arith.constant 0.000000e+00 : f32
    %neg3A_40 = vector.broadcast %neg3A_39 : f32 to vector<8x128xf32>
    %neg3A_41 = arith.subf %neg3A_40, %reduce_max3A_38 : vector<8x128xf32>
    %convert_element_type3A_42 = arith.fptosi %neg3A_41 : vector<8x128xf32> to vector<8x128xi32>
    %add3A_43 = vector.broadcast %mul3A_29 : i32 to vector<8x128xi32>
    %add3A_44 = arith.addi %convert_element_type3A_42, %add3A_43 : vector<8x128xi32>
    %swap3A = arith.constant 0 : index
    %swap3A_45 = arith.constant 0 : index
    %swap3A_46 = arith.constant 0 : index
    %swap3A_47 = vector.load %arg4[%swap3A, %swap3A_45, %swap3A_46] : memref<9x8x128xi32, #tpu.memory_space<vmem>>, vector<1x8x128xi32>
    %swap3A_48 = vector.shape_cast %swap3A_47 : vector<1x8x128xi32> to vector<8x128xi32>
    %swap3A_49 = vector.shape_cast %add3A_44 : vector<8x128xi32> to vector<1x8x128xi32>
    tpu.vector_store %arg4[%swap3A, %swap3A_45, %swap3A_46], %swap3A_49 {strides = array<i32>} : memref<9x8x128xi32, #tpu.memory_space<vmem>>, vector<1x8x128xi32>,
    %broadcast_in_dim3A_50 = vector.shape_cast %reduce_max3A_38 : vector<8x128xf32> to vector<8x128x1xf32>
    %eq3A_51 = vector.broadcast %broadcast_in_dim3A_50 : vector<8x128x1xf32> to vector<8x128x2048xf32>
    %eq3A_52 = arith.cmpf oeq, %neg3A_25, %eq3A_51 : vector<8x128x2048xf32>
    %jit3A = arith.constant 0xFF800000 : f32
    %broadcast_in_dim3A_53 = vector.broadcast %jit3A : f32 to vector<8x128x2048xf32>
    %select_n3A_54 = arith.select %eq3A_52, %broadcast_in_dim3A_53, %sub3A_22 : vector<8x128x2048xi1>, vector<8x128x2048xf32>
    %reduce_max3A_55 = arith.constant dense<0xFF800000> : vector<8x128xf32>
    %reduce_max3A_56 = vector.multi_reduction <maximumf>, %select_n3A_54, %reduce_max3A_55 [2] : vector<8x128x2048xf32> to vector<8x128xf32>
    %broadcast_in_dim3A_57 = vector.shape_cast %reduce_max3A_56 : vector<8x128xf32> to vector<8x128x1xf32>
    %eq3A_58 = vector.broadcast %broadcast_in_dim3A_57 : vector<8x128x1xf32> to vector<8x128x2048xf32>
    %eq3A_59 = arith.cmpf oeq, %select_n3A_54, %eq3A_58 : vector<8x128x2048xf32>
    %neg3A_60 = arith.constant 0.000000e+00 : f32
    %neg3A_61 = arith.constant 2.048000e+03 : f32
    %neg3A_62 = arith.subf %neg3A_60, %neg3A_61 : f32
    %broadcast_in_dim3A_63 = vector.broadcast %neg3A_62 : f32 to vector<8x128x2048xf32>
    %select_n3A_64 = arith.select %eq3A_59, %neg3A_25, %broadcast_in_dim3A_63 : vector<8x128x2048xi1>, vector<8x128x2048xf32>
    %reduce_max3A_65 = arith.constant dense<0xFF800000> : vector<8x128xf32>
    %reduce_max3A_66 = vector.multi_reduction <maximumf>, %select_n3A_64, %reduce_max3A_65 [2] : vector<8x128x2048xf32> to vector<8x128xf32>
    %neg3A_67 = arith.constant 0.000000e+00 : f32
    %neg3A_68 = vector.broadcast %neg3A_67 : f32 to vector<8x128xf32>
    %neg3A_69 = arith.subf %neg3A_68, %reduce_max3A_66 : vector<8x128xf32>
    %convert_element_type3A_70 = arith.fptosi %neg3A_69 : vector<8x128xf32> to vector<8x128xi32>
    %add3A_71 = vector.broadcast %mul3A_29 : i32 to vector<8x128xi32>
    %add3A_72 = arith.addi %convert_element_type3A_70, %add3A_71 : vector<8x128xi32>
    %swap3A_73 = arith.constant 1 : index
    %swap3A_74 = arith.constant 0 : index
    %swap3A_75 = arith.constant 0 : index
    %swap3A_76 = vector.load %arg4[%swap3A_73, %swap3A_74, %swap3A_75] : memref<9x8x128xi32, #tpu.memory_space<vmem>>, vector<1x8x128xi32>
    %swap3A_77 = vector.shape_cast %swap3A_76 : vector<1x8x128xi32> to vector<8x128xi32>
    %swap3A_78 = vector.shape_cast %add3A_72 : vector<8x128xi32> to vector<1x8x128xi32>
    tpu.vector_store %arg4[%swap3A_73, %swap3A_74, %swap3A_75], %swap3A_78 {strides = array<i32>} : memref<9x8x128xi32, #tpu.memory_space<vmem>>, vector<1x8x128xi32>,
    %broadcast_in_dim3A_79 = vector.shape_cast %reduce_max3A_66 : vector<8x128xf32> to vector<8x128x1xf32>
    %eq3A_80 = vector.broadcast %broadcast_in_dim3A_79 : vector<8x128x1xf32> to vector<8x128x2048xf32>
    %eq3A_81 = arith.cmpf oeq, %neg3A_25, %eq3A_80 : vector<8x128x2048xf32>
    %jit3A_82 = arith.constant 0xFF800000 : f32
    %broadcast_in_dim3A_83 = vector.broadcast %jit3A_82 : f32 to vector<8x128x2048xf32>
    %select_n3A_84 = arith.select %eq3A_81, %broadcast_in_dim3A_83, %select_n3A_54 : vector<8x128x2048xi1>, vector<8x128x2048xf32>
    %reduce_max3A_85 = arith.constant dense<0xFF800000> : vector<8x128xf32>
    %reduce_max3A_86 = vector.multi_reduction <maximumf>, %select_n3A_84, %reduce_max3A_85 [2] : vector<8x128x2048xf32> to vector<8x128xf32>
    %broadcast_in_dim3A_87 = vector.shape_cast %reduce_max3A_86 : vector<8x128xf32> to vector<8x128x1xf32>
    %eq3A_88 = vector.broadcast %broadcast_in_dim3A_87 : vector<8x128x1xf32> to vector<8x128x2048xf32>
    %eq3A_89 = arith.cmpf oeq, %select_n3A_84, %eq3A_88 : vector<8x128x2048xf32>
    %neg3A_90 = arith.constant 0.000000e+00 : f32
    %neg3A_91 = arith.constant 2.048000e+03 : f32
    %neg3A_92 = arith.subf %neg3A_90, %neg3A_91 : f32
    %broadcast_in_dim3A_93 = vector.broadcast %neg3A_92 : f32 to vector<8x128x2048xf32>
    %select_n3A_94 = arith.select %eq3A_89, %neg3A_25, %broadcast_in_dim3A_93 : vector<8x128x2048xi1>, vector<8x128x2048xf32>
    %reduce_max3A_95 = arith.constant dense<0xFF800000> : vector<8x128xf32>
    %reduce_max3A_96 = vector.multi_reduction <maximumf>, %select_n3A_94, %reduce_max3A_95 [2] : vector<8x128x2048xf32> to vector<8x128xf32>
    %neg3A_97 = arith.constant 0.000000e+00 : f32
    %neg3A_98 = vector.broadcast %neg3A_97 : f32 to vector<8x128xf32>
    %neg3A_99 = arith.subf %neg3A_98, %reduce_max3A_96 : vector<8x128xf32>
    %convert_element_type3A_100 = arith.fptosi %neg3A_99 : vector<8x128xf32> to vector<8x128xi32>
    %add3A_101 = vector.broadcast %mul3A_29 : i32 to vector<8x128xi32>
    %add3A_102 = arith.addi %convert_element_type3A_100, %add3A_101 : vector<8x128xi32>
    %swap3A_103 = arith.constant 2 : index
    %swap3A_104 = arith.constant 0 : index
    %swap3A_105 = arith.constant 0 : index
    %swap3A_106 = vector.load %arg4[%swap3A_103, %swap3A_104, %swap3A_105] : memref<9x8x128xi32, #tpu.memory_space<vmem>>, vector<1x8x128xi32>
    %swap3A_107 = vector.shape_cast %swap3A_106 : vector<1x8x128xi32> to vector<8x128xi32>
    %swap3A_108 = vector.shape_cast %add3A_102 : vector<8x128xi32> to vector<1x8x128xi32>
    tpu.vector_store %arg4[%swap3A_103, %swap3A_104, %swap3A_105], %swap3A_108 {strides = array<i32>} : memref<9x8x128xi32, #tpu.memory_space<vmem>>, vector<1x8x128xi32>,
    %broadcast_in_dim3A_109 = vector.shape_cast %reduce_max3A_96 : vector<8x128xf32> to vector<8x128x1xf32>
    %eq3A_110 = vector.broadcast %broadcast_in_dim3A_109 : vector<8x128x1xf32> to vector<8x128x2048xf32>
    %eq3A_111 = arith.cmpf oeq, %neg3A_25, %eq3A_110 : vector<8x128x2048xf32>
    %jit3A_112 = arith.constant 0xFF800000 : f32
    %broadcast_in_dim3A_113 = vector.broadcast %jit3A_112 : f32 to vector<8x128x2048xf32>
    %select_n3A_114 = arith.select %eq3A_111, %broadcast_in_dim3A_113, %select_n3A_84 : vector<8x128x2048xi1>, vector<8x128x2048xf32>
    %reduce_max3A_115 = arith.constant dense<0xFF800000> : vector<8x128xf32>
    %reduce_max3A_116 = vector.multi_reduction <maximumf>, %select_n3A_114, %reduce_max3A_115 [2] : vector<8x128x2048xf32> to vector<8x128xf32>
    %broadcast_in_dim3A_117 = vector.shape_cast %reduce_max3A_116 : vector<8x128xf32> to vector<8x128x1xf32>
    %eq3A_118 = vector.broadcast %broadcast_in_dim3A_117 : vector<8x128x1xf32> to vector<8x128x2048xf32>
    %eq3A_119 = arith.cmpf oeq, %select_n3A_114, %eq3A_118 : vector<8x128x2048xf32>
    %neg3A_120 = arith.constant 0.000000e+00 : f32
    %neg3A_121 = arith.constant 2.048000e+03 : f32
    %neg3A_122 = arith.subf %neg3A_120, %neg3A_121 : f32
    %broadcast_in_dim3A_123 = vector.broadcast %neg3A_122 : f32 to vector<8x128x2048xf32>
    %select_n3A_124 = arith.select %eq3A_119, %neg3A_25, %broadcast_in_dim3A_123 : vector<8x128x2048xi1>, vector<8x128x2048xf32>
    %reduce_max3A_125 = arith.constant dense<0xFF800000> : vector<8x128xf32>
    %reduce_max3A_126 = vector.multi_reduction <maximumf>, %select_n3A_124, %reduce_max3A_125 [2] : vector<8x128x2048xf32> to vector<8x128xf32>
    %neg3A_127 = arith.constant 0.000000e+00 : f32
    %neg3A_128 = vector.broadcast %neg3A_127 : f32 to vector<8x128xf32>
    %neg3A_129 = arith.subf %neg3A_128, %reduce_max3A_126 : vector<8x128xf32>
    %convert_element_type3A_130 = arith.fptosi %neg3A_129 : vector<8x128xf32> to vector<8x128xi32>
    %add3A_131 = vector.broadcast %mul3A_29 : i32 to vector<8x128xi32>
    %add3A_132 = arith.addi %convert_element_type3A_130, %add3A_131 : vector<8x128xi32>
    %swap3A_133 = arith.constant 3 : index
    %swap3A_134 = arith.constant 0 : index
    %swap3A_135 = arith.constant 0 : index
    %swap3A_136 = vector.load %arg4[%swap3A_133, %swap3A_134, %swap3A_135] : memref<9x8x128xi32, #tpu.memory_space<vmem>>, vector<1x8x128xi32>
    %swap3A_137 = vector.shape_cast %swap3A_136 : vector<1x8x128xi32> to vector<8x128xi32>
    %swap3A_138 = vector.shape_cast %add3A_132 : vector<8x128xi32> to vector<1x8x128xi32>
    tpu.vector_store %arg4[%swap3A_133, %swap3A_134, %swap3A_135], %swap3A_138 {strides = array<i32>} : memref<9x8x128xi32, #tpu.memory_space<vmem>>, vector<1x8x128xi32>,
    %broadcast_in_dim3A_139 = vector.shape_cast %reduce_max3A_126 : vector<8x128xf32> to vector<8x128x1xf32>
    %eq3A_140 = vector.broadcast %broadcast_in_dim3A_139 : vector<8x128x1xf32> to vector<8x128x2048xf32>
    %eq3A_141 = arith.cmpf oeq, %neg3A_25, %eq3A_140 : vector<8x128x2048xf32>
    %jit3A_142 = arith.constant 0xFF800000 : f32
    %broadcast_in_dim3A_143 = vector.broadcast %jit3A_142 : f32 to vector<8x128x2048xf32>
    %select_n3A_144 = arith.select %eq3A_141, %broadcast_in_dim3A_143, %select_n3A_114 : vector<8x128x2048xi1>, vector<8x128x2048xf32>
    %reduce_max3A_145 = arith.constant dense<0xFF800000> : vector<8x128xf32>
    %reduce_max3A_146 = vector.multi_reduction <maximumf>, %select_n3A_144, %reduce_max3A_145 [2] : vector<8x128x2048xf32> to vector<8x128xf32>
    %broadcast_in_dim3A_147 = vector.shape_cast %reduce_max3A_146 : vector<8x128xf32> to vector<8x128x1xf32>
    %eq3A_148 = vector.broadcast %broadcast_in_dim3A_147 : vector<8x128x1xf32> to vector<8x128x2048xf32>
    %eq3A_149 = arith.cmpf oeq, %select_n3A_144, %eq3A_148 : vector<8x128x2048xf32>
    %neg3A_150 = arith.constant 0.000000e+00 : f32
    %neg3A_151 = arith.constant 2.048000e+03 : f32
    %neg3A_152 = arith.subf %neg3A_150, %neg3A_151 : f32
    %broadcast_in_dim3A_153 = vector.broadcast %neg3A_152 : f32 to vector<8x128x2048xf32>
    %select_n3A_154 = arith.select %eq3A_149, %neg3A_25, %broadcast_in_dim3A_153 : vector<8x128x2048xi1>, vector<8x128x2048xf32>
    %reduce_max3A_155 = arith.constant dense<0xFF800000> : vector<8x128xf32>
    %reduce_max3A_156 = vector.multi_reduction <maximumf>, %select_n3A_154, %reduce_max3A_155 [2] : vector<8x128x2048xf32> to vector<8x128xf32>
    %neg3A_157 = arith.constant 0.000000e+00 : f32
    %neg3A_158 = vector.broadcast %neg3A_157 : f32 to vector<8x128xf32>
    %neg3A_159 = arith.subf %neg3A_158, %reduce_max3A_156 : vector<8x128xf32>
    %convert_element_type3A_160 = arith.fptosi %neg3A_159 : vector<8x128xf32> to vector<8x128xi32>
    %add3A_161 = vector.broadcast %mul3A_29 : i32 to vector<8x128xi32>
    %add3A_162 = arith.addi %convert_element_type3A_160, %add3A_161 : vector<8x128xi32>
    %swap3A_163 = arith.constant 4 : index
    %swap3A_164 = arith.constant 0 : index
    %swap3A_165 = arith.constant 0 : index
    %swap3A_166 = vector.load %arg4[%swap3A_163, %swap3A_164, %swap3A_165] : memref<9x8x128xi32, #tpu.memory_space<vmem>>, vector<1x8x128xi32>
    %swap3A_167 = vector.shape_cast %swap3A_166 : vector<1x8x128xi32> to vector<8x128xi32>
    %swap3A_168 = vector.shape_cast %add3A_162 : vector<8x128xi32> to vector<1x8x128xi32>
    tpu.vector_store %arg4[%swap3A_163, %swap3A_164, %swap3A_165], %swap3A_168 {strides = array<i32>} : memref<9x8x128xi32, #tpu.memory_space<vmem>>, vector<1x8x128xi32>,
    %broadcast_in_dim3A_169 = vector.shape_cast %reduce_max3A_156 : vector<8x128xf32> to vector<8x128x1xf32>
    %eq3A_170 = vector.broadcast %broadcast_in_dim3A_169 : vector<8x128x1xf32> to vector<8x128x2048xf32>
    %eq3A_171 = arith.cmpf oeq, %neg3A_25, %eq3A_170 : vector<8x128x2048xf32>
    %jit3A_172 = arith.constant 0xFF800000 : f32
    %broadcast_in_dim3A_173 = vector.broadcast %jit3A_172 : f32 to vector<8x128x2048xf32>
    %select_n3A_174 = arith.select %eq3A_171, %broadcast_in_dim3A_173, %select_n3A_144 : vector<8x128x2048xi1>, vector<8x128x2048xf32>
    %reduce_max3A_175 = arith.constant dense<0xFF800000> : vector<8x128xf32>
    %reduce_max3A_176 = vector.multi_reduction <maximumf>, %select_n3A_174, %reduce_max3A_175 [2] : vector<8x128x2048xf32> to vector<8x128xf32>
    %broadcast_in_dim3A_177 = vector.shape_cast %reduce_max3A_176 : vector<8x128xf32> to vector<8x128x1xf32>
    %eq3A_178 = vector.broadcast %broadcast_in_dim3A_177 : vector<8x128x1xf32> to vector<8x128x2048xf32>
    %eq3A_179 = arith.cmpf oeq, %select_n3A_174, %eq3A_178 : vector<8x128x2048xf32>
    %neg3A_180 = arith.constant 0.000000e+00 : f32
    %neg3A_181 = arith.constant 2.048000e+03 : f32
    %neg3A_182 = arith.subf %neg3A_180, %neg3A_181 : f32
    %broadcast_in_dim3A_183 = vector.broadcast %neg3A_182 : f32 to vector<8x128x2048xf32>
    %select_n3A_184 = arith.select %eq3A_179, %neg3A_25, %broadcast_in_dim3A_183 : vector<8x128x2048xi1>, vector<8x128x2048xf32>
    %reduce_max3A_185 = arith.constant dense<0xFF800000> : vector<8x128xf32>
    %reduce_max3A_186 = vector.multi_reduction <maximumf>, %select_n3A_184, %reduce_max3A_185 [2] : vector<8x128x2048xf32> to vector<8x128xf32>
    %neg3A_187 = arith.constant 0.000000e+00 : f32
    %neg3A_188 = vector.broadcast %neg3A_187 : f32 to vector<8x128xf32>
    %neg3A_189 = arith.subf %neg3A_188, %reduce_max3A_186 : vector<8x128xf32>
    %convert_element_type3A_190 = arith.fptosi %neg3A_189 : vector<8x128xf32> to vector<8x128xi32>
    %add3A_191 = vector.broadcast %mul3A_29 : i32 to vector<8x128xi32>
    %add3A_192 = arith.addi %convert_element_type3A_190, %add3A_191 : vector<8x128xi32>
    %swap3A_193 = arith.constant 5 : index
    %swap3A_194 = arith.constant 0 : index
    %swap3A_195 = arith.constant 0 : index
    %swap3A_196 = vector.load %arg4[%swap3A_193, %swap3A_194, %swap3A_195] : memref<9x8x128xi32, #tpu.memory_space<vmem>>, vector<1x8x128xi32>
    %swap3A_197 = vector.shape_cast %swap3A_196 : vector<1x8x128xi32> to vector<8x128xi32>
    %swap3A_198 = vector.shape_cast %add3A_192 : vector<8x128xi32> to vector<1x8x128xi32>
    tpu.vector_store %arg4[%swap3A_193, %swap3A_194, %swap3A_195], %swap3A_198 {strides = array<i32>} : memref<9x8x128xi32, #tpu.memory_space<vmem>>, vector<1x8x128xi32>,
    %broadcast_in_dim3A_199 = vector.shape_cast %reduce_max3A_186 : vector<8x128xf32> to vector<8x128x1xf32>
    %eq3A_200 = vector.broadcast %broadcast_in_dim3A_199 : vector<8x128x1xf32> to vector<8x128x2048xf32>
    %eq3A_201 = arith.cmpf oeq, %neg3A_25, %eq3A_200 : vector<8x128x2048xf32>
    %jit3A_202 = arith.constant 0xFF800000 : f32
    %broadcast_in_dim3A_203 = vector.broadcast %jit3A_202 : f32 to vector<8x128x2048xf32>
    %select_n3A_204 = arith.select %eq3A_201, %broadcast_in_dim3A_203, %select_n3A_174 : vector<8x128x2048xi1>, vector<8x128x2048xf32>
    %reduce_max3A_205 = arith.constant dense<0xFF800000> : vector<8x128xf32>
    %reduce_max3A_206 = vector.multi_reduction <maximumf>, %select_n3A_204, %reduce_max3A_205 [2] : vector<8x128x2048xf32> to vector<8x128xf32>
    %broadcast_in_dim3A_207 = vector.shape_cast %reduce_max3A_206 : vector<8x128xf32> to vector<8x128x1xf32>
    %eq3A_208 = vector.broadcast %broadcast_in_dim3A_207 : vector<8x128x1xf32> to vector<8x128x2048xf32>
    %eq3A_209 = arith.cmpf oeq, %select_n3A_204, %eq3A_208 : vector<8x128x2048xf32>
    %neg3A_210 = arith.constant 0.000000e+00 : f32
    %neg3A_211 = arith.constant 2.048000e+03 : f32
    %neg3A_212 = arith.subf %neg3A_210, %neg3A_211 : f32
    %broadcast_in_dim3A_213 = vector.broadcast %neg3A_212 : f32 to vector<8x128x2048xf32>
    %select_n3A_214 = arith.select %eq3A_209, %neg3A_25, %broadcast_in_dim3A_213 : vector<8x128x2048xi1>, vector<8x128x2048xf32>
    %reduce_max3A_215 = arith.constant dense<0xFF800000> : vector<8x128xf32>
    %reduce_max3A_216 = vector.multi_reduction <maximumf>, %select_n3A_214, %reduce_max3A_215 [2] : vector<8x128x2048xf32> to vector<8x128xf32>
    %neg3A_217 = arith.constant 0.000000e+00 : f32
    %neg3A_218 = vector.broadcast %neg3A_217 : f32 to vector<8x128xf32>
    %neg3A_219 = arith.subf %neg3A_218, %reduce_max3A_216 : vector<8x128xf32>
    %convert_element_type3A_220 = arith.fptosi %neg3A_219 : vector<8x128xf32> to vector<8x128xi32>
    %add3A_221 = vector.broadcast %mul3A_29 : i32 to vector<8x128xi32>
    %add3A_222 = arith.addi %convert_element_type3A_220, %add3A_221 : vector<8x128xi32>
    %swap3A_223 = arith.constant 6 : index
    %swap3A_224 = arith.constant 0 : index
    %swap3A_225 = arith.constant 0 : index
    %swap3A_226 = vector.load %arg4[%swap3A_223, %swap3A_224, %swap3A_225] : memref<9x8x128xi32, #tpu.memory_space<vmem>>, vector<1x8x128xi32>
    %swap3A_227 = vector.shape_cast %swap3A_226 : vector<1x8x128xi32> to vector<8x128xi32>
    %swap3A_228 = vector.shape_cast %add3A_222 : vector<8x128xi32> to vector<1x8x128xi32>
    tpu.vector_store %arg4[%swap3A_223, %swap3A_224, %swap3A_225], %swap3A_228 {strides = array<i32>} : memref<9x8x128xi32, #tpu.memory_space<vmem>>, vector<1x8x128xi32>,
    %broadcast_in_dim3A_229 = vector.shape_cast %reduce_max3A_216 : vector<8x128xf32> to vector<8x128x1xf32>
    %eq3A_230 = vector.broadcast %broadcast_in_dim3A_229 : vector<8x128x1xf32> to vector<8x128x2048xf32>
    %eq3A_231 = arith.cmpf oeq, %neg3A_25, %eq3A_230 : vector<8x128x2048xf32>
    %jit3A_232 = arith.constant 0xFF800000 : f32
    %broadcast_in_dim3A_233 = vector.broadcast %jit3A_232 : f32 to vector<8x128x2048xf32>
    %select_n3A_234 = arith.select %eq3A_231, %broadcast_in_dim3A_233, %select_n3A_204 : vector<8x128x2048xi1>, vector<8x128x2048xf32>
    %reduce_max3A_235 = arith.constant dense<0xFF800000> : vector<8x128xf32>
    %reduce_max3A_236 = vector.multi_reduction <maximumf>, %select_n3A_234, %reduce_max3A_235 [2] : vector<8x128x2048xf32> to vector<8x128xf32>
    %broadcast_in_dim3A_237 = vector.shape_cast %reduce_max3A_236 : vector<8x128xf32> to vector<8x128x1xf32>
    %eq3A_238 = vector.broadcast %broadcast_in_dim3A_237 : vector<8x128x1xf32> to vector<8x128x2048xf32>
    %eq3A_239 = arith.cmpf oeq, %select_n3A_234, %eq3A_238 : vector<8x128x2048xf32>
    %neg3A_240 = arith.constant 0.000000e+00 : f32
    %neg3A_241 = arith.constant 2.048000e+03 : f32
    %neg3A_242 = arith.subf %neg3A_240, %neg3A_241 : f32
    %broadcast_in_dim3A_243 = vector.broadcast %neg3A_242 : f32 to vector<8x128x2048xf32>
    %select_n3A_244 = arith.select %eq3A_239, %neg3A_25, %broadcast_in_dim3A_243 : vector<8x128x2048xi1>, vector<8x128x2048xf32>
    %reduce_max3A_245 = arith.constant dense<0xFF800000> : vector<8x128xf32>
    %reduce_max3A_246 = vector.multi_reduction <maximumf>, %select_n3A_244, %reduce_max3A_245 [2] : vector<8x128x2048xf32> to vector<8x128xf32>
    %neg3A_247 = arith.constant 0.000000e+00 : f32
    %neg3A_248 = vector.broadcast %neg3A_247 : f32 to vector<8x128xf32>
    %neg3A_249 = arith.subf %neg3A_248, %reduce_max3A_246 : vector<8x128xf32>
    %convert_element_type3A_250 = arith.fptosi %neg3A_249 : vector<8x128xf32> to vector<8x128xi32>
    %add3A_251 = vector.broadcast %mul3A_29 : i32 to vector<8x128xi32>
    %add3A_252 = arith.addi %convert_element_type3A_250, %add3A_251 : vector<8x128xi32>
    %swap3A_253 = arith.constant 7 : index
    %swap3A_254 = arith.constant 0 : index
    %swap3A_255 = arith.constant 0 : index
    %swap3A_256 = vector.load %arg4[%swap3A_253, %swap3A_254, %swap3A_255] : memref<9x8x128xi32, #tpu.memory_space<vmem>>, vector<1x8x128xi32>
    %swap3A_257 = vector.shape_cast %swap3A_256 : vector<1x8x128xi32> to vector<8x128xi32>
    %swap3A_258 = vector.shape_cast %add3A_252 : vector<8x128xi32> to vector<1x8x128xi32>
    tpu.vector_store %arg4[%swap3A_253, %swap3A_254, %swap3A_255], %swap3A_258 {strides = array<i32>} : memref<9x8x128xi32, #tpu.memory_space<vmem>>, vector<1x8x128xi32>,
    %broadcast_in_dim3A_259 = vector.shape_cast %reduce_max3A_246 : vector<8x128xf32> to vector<8x128x1xf32>
    %eq3A_260 = vector.broadcast %broadcast_in_dim3A_259 : vector<8x128x1xf32> to vector<8x128x2048xf32>
    %eq3A_261 = arith.cmpf oeq, %neg3A_25, %eq3A_260 : vector<8x128x2048xf32>
    %jit3A_262 = arith.constant 0xFF800000 : f32
    %broadcast_in_dim3A_263 = vector.broadcast %jit3A_262 : f32 to vector<8x128x2048xf32>
    %select_n3A_264 = arith.select %eq3A_261, %broadcast_in_dim3A_263, %select_n3A_234 : vector<8x128x2048xi1>, vector<8x128x2048xf32>
    %reduce_max3A_265 = arith.constant dense<0xFF800000> : vector<8x128xf32>
    %reduce_max3A_266 = vector.multi_reduction <maximumf>, %select_n3A_264, %reduce_max3A_265 [2] : vector<8x128x2048xf32> to vector<8x128xf32>
    %broadcast_in_dim3A_267 = vector.shape_cast %reduce_max3A_266 : vector<8x128xf32> to vector<8x128x1xf32>
    %eq3A_268 = vector.broadcast %broadcast_in_dim3A_267 : vector<8x128x1xf32> to vector<8x128x2048xf32>
    %eq3A_269 = arith.cmpf oeq, %select_n3A_264, %eq3A_268 : vector<8x128x2048xf32>
    %neg3A_270 = arith.constant 0.000000e+00 : f32
    %neg3A_271 = arith.constant 2.048000e+03 : f32
    %neg3A_272 = arith.subf %neg3A_270, %neg3A_271 : f32
    %broadcast_in_dim3A_273 = vector.broadcast %neg3A_272 : f32 to vector<8x128x2048xf32>
    %select_n3A_274 = arith.select %eq3A_269, %neg3A_25, %broadcast_in_dim3A_273 : vector<8x128x2048xi1>, vector<8x128x2048xf32>
    %reduce_max3A_275 = arith.constant dense<0xFF800000> : vector<8x128xf32>
    %reduce_max3A_276 = vector.multi_reduction <maximumf>, %select_n3A_274, %reduce_max3A_275 [2] : vector<8x128x2048xf32> to vector<8x128xf32>
    %neg3A_277 = arith.constant 0.000000e+00 : f32
    %neg3A_278 = vector.broadcast %neg3A_277 : f32 to vector<8x128xf32>
    %neg3A_279 = arith.subf %neg3A_278, %reduce_max3A_276 : vector<8x128xf32>
    %convert_element_type3A_280 = arith.fptosi %neg3A_279 : vector<8x128xf32> to vector<8x128xi32>
    %add3A_281 = vector.broadcast %mul3A_29 : i32 to vector<8x128xi32>
    %add3A_282 = arith.addi %convert_element_type3A_280, %add3A_281 : vector<8x128xi32>
    %swap3A_283 = arith.constant 8 : index
    %swap3A_284 = arith.constant 0 : index
    %swap3A_285 = arith.constant 0 : index
    %swap3A_286 = vector.load %arg4[%swap3A_283, %swap3A_284, %swap3A_285] : memref<9x8x128xi32, #tpu.memory_space<vmem>>, vector<1x8x128xi32>
    %swap3A_287 = vector.shape_cast %swap3A_286 : vector<1x8x128xi32> to vector<8x128xi32>
    %swap3A_288 = vector.shape_cast %add3A_282 : vector<8x128xi32> to vector<1x8x128xi32>
    tpu.vector_store %arg4[%swap3A_283, %swap3A_284, %swap3A_285], %swap3A_288 {strides = array<i32>} : memref<9x8x128xi32, #tpu.memory_space<vmem>>, vector<1x8x128xi32>,
    return
  }
  func.func @transform_0(%arg0: i32, %arg1: i32) -> (i32, i32, i32) {
    %add3A = arith.constant 0 : i32
    %add3A_0 = arith.addi %arg0, %add3A : i32
    %c0_i32 = arith.constant 0 : i32
    %c0_i32_1 = arith.constant 0 : i32
    return %add3A_0, %arg1, %c0_i32 : i32, i32, i32
  }
  func.func @transform_1(%arg0: i32, %arg1: i32) -> (i32, i32, i32) {
    %add3A = arith.constant 0 : i32
    %add3A_0 = arith.addi %arg0, %add3A : i32
    %c0_i32 = arith.constant 0 : i32
    %c0_i32_1 = arith.constant 0 : i32
    %c0_i32_2 = arith.constant 0 : i32
    return %add3A_0, %c0_i32, %c0_i32_1 : i32, i32, i32
  }
  func.func @transform_2(%arg0: i32, %arg1: i32) -> (i32, i32, i32) {
    %mul3A = arith.constant 2 : i32
    %mul3A_0 = arith.muli %arg0, %mul3A : i32
    %add3A = arith.addi %mul3A_0, %arg1 : i32
    %c0_i32 = arith.constant 0 : i32
    %c0_i32_1 = arith.constant 0 : i32
    %c0_i32_2 = arith.constant 0 : i32
    return %c0_i32, %add3A, %c0_i32_1 : i32, i32, i32
  }
}

module attributes {stable_mosaic.version = 14 : i64} {
  func.func @_conv1_body(%arg0: i32, %arg1: i32, %arg2: memref<1x256x128xf32, #tpu.memory_space<vmem>>, %arg3: memref<9x1x256x128xf32, #tpu.memory_space<vmem>>, %arg4: memref<128x128xf32, #tpu.memory_space<vmem>>, %arg5: memref<3x128x128xf32, #tpu.memory_space<vmem>>, %arg6: memref<1x128xf32, #tpu.memory_space<vmem>>, %arg7: memref<1x256x384xf32, #tpu.memory_space<vmem>>, %arg8: memref<1x1x2x128xf32, #tpu.memory_space<vmem>>) attributes {dimension_semantics = [#tpu.dimension_semantics<parallel>, #tpu.dimension_semantics<arbitrary>], iteration_bounds = array<i64: 2, 8>, scalar_prefetch = 0 : i64, scratch_operands = 0 : i64, tpu.core_type = #tpu.core_type<tc>, window_params = [{transform_indices = @transform_0, window_bounds = array<i64: 1, 256, 128>}, {transform_indices = @transform_1, window_bounds = array<i64: 9, 1, 256, 128>}, {pipeline_mode = #tpu.pipeline_mode<synchronous>, transform_indices = @transform_2, window_bounds = array<i64: 128, 128>}, {pipeline_mode = #tpu.pipeline_mode<synchronous>, transform_indices = @transform_3, window_bounds = array<i64: 3, 128, 128>}, {pipeline_mode = #tpu.pipeline_mode<synchronous>, transform_indices = @transform_4, window_bounds = array<i64: 1, 128>}, {transform_indices = @transform_5, window_bounds = array<i64: 1, 256, 384>}, {transform_indices = @transform_6, window_bounds = array<i64: 1, 1, 2, 128>}]} {
    %get3A = arith.constant 0 : index
    %get3A_0 = arith.constant 0 : index
    %get3A_1 = arith.constant 0 : index
    %get3A_2 = vector.load %arg2[%get3A, %get3A_0, %get3A_1] : memref<1x256x128xf32, #tpu.memory_space<vmem>>, vector<1x256x128xf32>
    %get3A_3 = vector.shape_cast %get3A_2 : vector<1x256x128xf32> to vector<256x128xf32>
    %get3A_4 = arith.constant 0 : index
    %get3A_5 = arith.constant 0 : index
    %get3A_6 = vector.load %arg4[%get3A_4, %get3A_5] : memref<128x128xf32, #tpu.memory_space<vmem>>, vector<128x128xf32>
    %dot_general3A = arith.constant dense<0.000000e+00> : vector<256x128xf32>
    %dot_general3A_7 = tpu.matmul %get3A_3, %get3A_6, %dot_general3A {dimension_numbers = #tpu.dot_dimension_numbers<[1], [0], [0], [1], [0, 0, 1, 1], [], []>, transpose_lhs_hint = false} : vector<256x128xf32>, vector<128x128xf32>, vector<256x128xf32> -> vector<256x128xf32>
    %get3A_8 = arith.constant 0 : index
    %get3A_9 = arith.constant 0 : index
    %get3A_10 = vector.load %arg6[%get3A_8, %get3A_9] : memref<1x128xf32, #tpu.memory_space<vmem>>, vector<1x128xf32>
    %get3A_11 = vector.shape_cast %get3A_10 : vector<1x128xf32> to vector<128xf32>
    %broadcast_in_dim3A = vector.shape_cast %get3A_11 : vector<128xf32> to vector<1x128xf32>
    %add3A = vector.broadcast %broadcast_in_dim3A : vector<1x128xf32> to vector<256x128xf32>
    %add3A_12 = arith.addf %dot_general3A_7, %add3A : vector<256x128xf32>
    %broadcast_in_dim3A_13 = arith.constant 0.000000e+00 : f32
    %broadcast_in_dim3A_14 = vector.broadcast %broadcast_in_dim3A_13 : f32 to vector<128xf32>
    %broadcast_in_dim3A_15 = arith.constant 0.000000e+00 : f32
    %broadcast_in_dim3A_16 = vector.broadcast %broadcast_in_dim3A_15 : f32 to vector<128xf32>
    %get3A_17 = arith.constant 0 : index
    %get3A_18 = arith.constant 0 : index
    %get3A_19 = arith.constant 0 : index
    %get3A_20 = arith.constant 0 : index
    %get3A_21 = vector.load %arg3[%get3A_17, %get3A_18, %get3A_19, %get3A_20] : memref<9x1x256x128xf32, #tpu.memory_space<vmem>>, vector<1x1x256x128xf32>
    %get3A_22 = vector.shape_cast %get3A_21 : vector<1x1x256x128xf32> to vector<256x128xf32>
    %sub3A = arith.subf %get3A_3, %get3A_22 : vector<256x128xf32>
    %abs3A = math.absf %sub3A : vector<256x128xf32>
    %sub3A_23 = arith.subf %sub3A, %abs3A : vector<256x128xf32>
    %get3A_24 = arith.constant 0 : index
    %get3A_25 = arith.constant 0 : index
    %get3A_26 = arith.constant 0 : index
    %get3A_27 = vector.load %arg5[%get3A_24, %get3A_25, %get3A_26] : memref<3x128x128xf32, #tpu.memory_space<vmem>>, vector<1x128x128xf32>
    %get3A_28 = vector.shape_cast %get3A_27 : vector<1x128x128xf32> to vector<128x128xf32>
    %dot_general3A_29 = arith.constant dense<0.000000e+00> : vector<256x128xf32>
    %dot_general3A_30 = tpu.matmul %sub3A_23, %get3A_28, %dot_general3A_29 {dimension_numbers = #tpu.dot_dimension_numbers<[1], [0], [0], [1], [0, 0, 1, 1], [], []>, transpose_lhs_hint = false} : vector<256x128xf32>, vector<128x128xf32>, vector<256x128xf32> -> vector<256x128xf32>
    %add3A_31 = arith.addf %add3A_12, %dot_general3A_30 : vector<256x128xf32>
    %get3A_32 = arith.constant 1 : index
    %get3A_33 = arith.constant 0 : index
    %get3A_34 = arith.constant 0 : index
    %get3A_35 = arith.constant 0 : index
    %get3A_36 = vector.load %arg3[%get3A_32, %get3A_33, %get3A_34, %get3A_35] : memref<9x1x256x128xf32, #tpu.memory_space<vmem>>, vector<1x1x256x128xf32>
    %get3A_37 = vector.shape_cast %get3A_36 : vector<1x1x256x128xf32> to vector<256x128xf32>
    %sub3A_38 = arith.subf %get3A_3, %get3A_37 : vector<256x128xf32>
    %abs3A_39 = math.absf %sub3A_38 : vector<256x128xf32>
    %sub3A_40 = arith.subf %sub3A_38, %abs3A_39 : vector<256x128xf32>
    %get3A_41 = arith.constant 1 : index
    %get3A_42 = arith.constant 0 : index
    %get3A_43 = arith.constant 0 : index
    %get3A_44 = vector.load %arg5[%get3A_41, %get3A_42, %get3A_43] : memref<3x128x128xf32, #tpu.memory_space<vmem>>, vector<1x128x128xf32>
    %get3A_45 = vector.shape_cast %get3A_44 : vector<1x128x128xf32> to vector<128x128xf32>
    %dot_general3A_46 = arith.constant dense<0.000000e+00> : vector<256x128xf32>
    %dot_general3A_47 = tpu.matmul %sub3A_40, %get3A_45, %dot_general3A_46 {dimension_numbers = #tpu.dot_dimension_numbers<[1], [0], [0], [1], [0, 0, 1, 1], [], []>, transpose_lhs_hint = false} : vector<256x128xf32>, vector<128x128xf32>, vector<256x128xf32> -> vector<256x128xf32>
    %add3A_48 = arith.addf %add3A_31, %dot_general3A_47 : vector<256x128xf32>
    %get3A_49 = arith.constant 2 : index
    %get3A_50 = arith.constant 0 : index
    %get3A_51 = arith.constant 0 : index
    %get3A_52 = arith.constant 0 : index
    %get3A_53 = vector.load %arg3[%get3A_49, %get3A_50, %get3A_51, %get3A_52] : memref<9x1x256x128xf32, #tpu.memory_space<vmem>>, vector<1x1x256x128xf32>
    %get3A_54 = vector.shape_cast %get3A_53 : vector<1x1x256x128xf32> to vector<256x128xf32>
    %sub3A_55 = arith.subf %get3A_3, %get3A_54 : vector<256x128xf32>
    %abs3A_56 = math.absf %sub3A_55 : vector<256x128xf32>
    %sub3A_57 = arith.subf %sub3A_55, %abs3A_56 : vector<256x128xf32>
    %get3A_58 = arith.constant 2 : index
    %get3A_59 = arith.constant 0 : index
    %get3A_60 = arith.constant 0 : index
    %get3A_61 = vector.load %arg5[%get3A_58, %get3A_59, %get3A_60] : memref<3x128x128xf32, #tpu.memory_space<vmem>>, vector<1x128x128xf32>
    %get3A_62 = vector.shape_cast %get3A_61 : vector<1x128x128xf32> to vector<128x128xf32>
    %dot_general3A_63 = arith.constant dense<0.000000e+00> : vector<256x128xf32>
    %dot_general3A_64 = tpu.matmul %sub3A_57, %get3A_62, %dot_general3A_63 {dimension_numbers = #tpu.dot_dimension_numbers<[1], [0], [0], [1], [0, 0, 1, 1], [], []>, transpose_lhs_hint = false} : vector<256x128xf32>, vector<128x128xf32>, vector<256x128xf32> -> vector<256x128xf32>
    %add3A_65 = arith.addf %add3A_48, %dot_general3A_64 : vector<256x128xf32>
    %swap3A = arith.constant 0 : index
    %swap3A_66 = arith.constant 0 : index
    %swap3A_67 = arith.constant 0 : index
    %swap3A_68 = vector.load %arg7[%swap3A, %swap3A_66, %swap3A_67] : memref<1x256x384xf32, #tpu.memory_space<vmem>>, vector<1x256x128xf32>
    %swap3A_69 = vector.shape_cast %swap3A_68 : vector<1x256x128xf32> to vector<256x128xf32>
    %swap3A_70 = vector.shape_cast %add3A_65 : vector<256x128xf32> to vector<1x256x128xf32>
    tpu.vector_store %arg7[%swap3A, %swap3A_66, %swap3A_67], %swap3A_70 {strides = array<i32>} : memref<1x256x384xf32, #tpu.memory_space<vmem>>, vector<1x256x128xf32>,
    %reduce_sum3A = arith.constant dense<0.000000e+00> : vector<128xf32>
    %reduce_sum3A_71 = vector.multi_reduction <add>, %add3A_65, %reduce_sum3A [0] : vector<256x128xf32> to vector<128xf32>
    %add3A_72 = arith.addf %broadcast_in_dim3A_14, %reduce_sum3A_71 : vector<128xf32>
    %mul3A = arith.mulf %add3A_65, %add3A_65 : vector<256x128xf32>
    %reduce_sum3A_73 = arith.constant dense<0.000000e+00> : vector<128xf32>
    %reduce_sum3A_74 = vector.multi_reduction <add>, %mul3A, %reduce_sum3A_73 [0] : vector<256x128xf32> to vector<128xf32>
    %add3A_75 = arith.addf %broadcast_in_dim3A_16, %reduce_sum3A_74 : vector<128xf32>
    %get3A_76 = arith.constant 3 : index
    %get3A_77 = arith.constant 0 : index
    %get3A_78 = arith.constant 0 : index
    %get3A_79 = arith.constant 0 : index
    %get3A_80 = vector.load %arg3[%get3A_76, %get3A_77, %get3A_78, %get3A_79] : memref<9x1x256x128xf32, #tpu.memory_space<vmem>>, vector<1x1x256x128xf32>
    %get3A_81 = vector.shape_cast %get3A_80 : vector<1x1x256x128xf32> to vector<256x128xf32>
    %sub3A_82 = arith.subf %get3A_3, %get3A_81 : vector<256x128xf32>
    %abs3A_83 = math.absf %sub3A_82 : vector<256x128xf32>
    %sub3A_84 = arith.subf %sub3A_82, %abs3A_83 : vector<256x128xf32>
    %get3A_85 = arith.constant 0 : index
    %get3A_86 = arith.constant 0 : index
    %get3A_87 = arith.constant 0 : index
    %get3A_88 = vector.load %arg5[%get3A_85, %get3A_86, %get3A_87] : memref<3x128x128xf32, #tpu.memory_space<vmem>>, vector<1x128x128xf32>
    %get3A_89 = vector.shape_cast %get3A_88 : vector<1x128x128xf32> to vector<128x128xf32>
    %dot_general3A_90 = arith.constant dense<0.000000e+00> : vector<256x128xf32>
    %dot_general3A_91 = tpu.matmul %sub3A_84, %get3A_89, %dot_general3A_90 {dimension_numbers = #tpu.dot_dimension_numbers<[1], [0], [0], [1], [0, 0, 1, 1], [], []>, transpose_lhs_hint = false} : vector<256x128xf32>, vector<128x128xf32>, vector<256x128xf32> -> vector<256x128xf32>
    %add3A_92 = arith.addf %add3A_12, %dot_general3A_91 : vector<256x128xf32>
    %get3A_93 = arith.constant 4 : index
    %get3A_94 = arith.constant 0 : index
    %get3A_95 = arith.constant 0 : index
    %get3A_96 = arith.constant 0 : index
    %get3A_97 = vector.load %arg3[%get3A_93, %get3A_94, %get3A_95, %get3A_96] : memref<9x1x256x128xf32, #tpu.memory_space<vmem>>, vector<1x1x256x128xf32>
    %get3A_98 = vector.shape_cast %get3A_97 : vector<1x1x256x128xf32> to vector<256x128xf32>
    %sub3A_99 = arith.subf %get3A_3, %get3A_98 : vector<256x128xf32>
    %abs3A_100 = math.absf %sub3A_99 : vector<256x128xf32>
    %sub3A_101 = arith.subf %sub3A_99, %abs3A_100 : vector<256x128xf32>
    %get3A_102 = arith.constant 1 : index
    %get3A_103 = arith.constant 0 : index
    %get3A_104 = arith.constant 0 : index
    %get3A_105 = vector.load %arg5[%get3A_102, %get3A_103, %get3A_104] : memref<3x128x128xf32, #tpu.memory_space<vmem>>, vector<1x128x128xf32>
    %get3A_106 = vector.shape_cast %get3A_105 : vector<1x128x128xf32> to vector<128x128xf32>
    %dot_general3A_107 = arith.constant dense<0.000000e+00> : vector<256x128xf32>
    %dot_general3A_108 = tpu.matmul %sub3A_101, %get3A_106, %dot_general3A_107 {dimension_numbers = #tpu.dot_dimension_numbers<[1], [0], [0], [1], [0, 0, 1, 1], [], []>, transpose_lhs_hint = false} : vector<256x128xf32>, vector<128x128xf32>, vector<256x128xf32> -> vector<256x128xf32>
    %add3A_109 = arith.addf %add3A_92, %dot_general3A_108 : vector<256x128xf32>
    %get3A_110 = arith.constant 5 : index
    %get3A_111 = arith.constant 0 : index
    %get3A_112 = arith.constant 0 : index
    %get3A_113 = arith.constant 0 : index
    %get3A_114 = vector.load %arg3[%get3A_110, %get3A_111, %get3A_112, %get3A_113] : memref<9x1x256x128xf32, #tpu.memory_space<vmem>>, vector<1x1x256x128xf32>
    %get3A_115 = vector.shape_cast %get3A_114 : vector<1x1x256x128xf32> to vector<256x128xf32>
    %sub3A_116 = arith.subf %get3A_3, %get3A_115 : vector<256x128xf32>
    %abs3A_117 = math.absf %sub3A_116 : vector<256x128xf32>
    %sub3A_118 = arith.subf %sub3A_116, %abs3A_117 : vector<256x128xf32>
    %get3A_119 = arith.constant 2 : index
    %get3A_120 = arith.constant 0 : index
    %get3A_121 = arith.constant 0 : index
    %get3A_122 = vector.load %arg5[%get3A_119, %get3A_120, %get3A_121] : memref<3x128x128xf32, #tpu.memory_space<vmem>>, vector<1x128x128xf32>
    %get3A_123 = vector.shape_cast %get3A_122 : vector<1x128x128xf32> to vector<128x128xf32>
    %dot_general3A_124 = arith.constant dense<0.000000e+00> : vector<256x128xf32>
    %dot_general3A_125 = tpu.matmul %sub3A_118, %get3A_123, %dot_general3A_124 {dimension_numbers = #tpu.dot_dimension_numbers<[1], [0], [0], [1], [0, 0, 1, 1], [], []>, transpose_lhs_hint = false} : vector<256x128xf32>, vector<128x128xf32>, vector<256x128xf32> -> vector<256x128xf32>
    %add3A_126 = arith.addf %add3A_109, %dot_general3A_125 : vector<256x128xf32>
    %swap3A_127 = arith.constant 0 : index
    %swap3A_128 = arith.constant 0 : index
    %swap3A_129 = arith.constant 128 : index
    %swap3A_130 = vector.load %arg7[%swap3A_127, %swap3A_128, %swap3A_129] : memref<1x256x384xf32, #tpu.memory_space<vmem>>, vector<1x256x128xf32>
    %swap3A_131 = vector.shape_cast %swap3A_130 : vector<1x256x128xf32> to vector<256x128xf32>
    %swap3A_132 = vector.shape_cast %add3A_126 : vector<256x128xf32> to vector<1x256x128xf32>
    tpu.vector_store %arg7[%swap3A_127, %swap3A_128, %swap3A_129], %swap3A_132 {strides = array<i32>} : memref<1x256x384xf32, #tpu.memory_space<vmem>>, vector<1x256x128xf32>,
    %reduce_sum3A_133 = arith.constant dense<0.000000e+00> : vector<128xf32>
    %reduce_sum3A_134 = vector.multi_reduction <add>, %add3A_126, %reduce_sum3A_133 [0] : vector<256x128xf32> to vector<128xf32>
    %add3A_135 = arith.addf %add3A_72, %reduce_sum3A_134 : vector<128xf32>
    %mul3A_136 = arith.mulf %add3A_126, %add3A_126 : vector<256x128xf32>
    %reduce_sum3A_137 = arith.constant dense<0.000000e+00> : vector<128xf32>
    %reduce_sum3A_138 = vector.multi_reduction <add>, %mul3A_136, %reduce_sum3A_137 [0] : vector<256x128xf32> to vector<128xf32>
    %add3A_139 = arith.addf %add3A_75, %reduce_sum3A_138 : vector<128xf32>
    %get3A_140 = arith.constant 6 : index
    %get3A_141 = arith.constant 0 : index
    %get3A_142 = arith.constant 0 : index
    %get3A_143 = arith.constant 0 : index
    %get3A_144 = vector.load %arg3[%get3A_140, %get3A_141, %get3A_142, %get3A_143] : memref<9x1x256x128xf32, #tpu.memory_space<vmem>>, vector<1x1x256x128xf32>
    %get3A_145 = vector.shape_cast %get3A_144 : vector<1x1x256x128xf32> to vector<256x128xf32>
    %sub3A_146 = arith.subf %get3A_3, %get3A_145 : vector<256x128xf32>
    %abs3A_147 = math.absf %sub3A_146 : vector<256x128xf32>
    %sub3A_148 = arith.subf %sub3A_146, %abs3A_147 : vector<256x128xf32>
    %get3A_149 = arith.constant 0 : index
    %get3A_150 = arith.constant 0 : index
    %get3A_151 = arith.constant 0 : index
    %get3A_152 = vector.load %arg5[%get3A_149, %get3A_150, %get3A_151] : memref<3x128x128xf32, #tpu.memory_space<vmem>>, vector<1x128x128xf32>
    %get3A_153 = vector.shape_cast %get3A_152 : vector<1x128x128xf32> to vector<128x128xf32>
    %dot_general3A_154 = arith.constant dense<0.000000e+00> : vector<256x128xf32>
    %dot_general3A_155 = tpu.matmul %sub3A_148, %get3A_153, %dot_general3A_154 {dimension_numbers = #tpu.dot_dimension_numbers<[1], [0], [0], [1], [0, 0, 1, 1], [], []>, transpose_lhs_hint = false} : vector<256x128xf32>, vector<128x128xf32>, vector<256x128xf32> -> vector<256x128xf32>
    %add3A_156 = arith.addf %add3A_12, %dot_general3A_155 : vector<256x128xf32>
    %get3A_157 = arith.constant 7 : index
    %get3A_158 = arith.constant 0 : index
    %get3A_159 = arith.constant 0 : index
    %get3A_160 = arith.constant 0 : index
    %get3A_161 = vector.load %arg3[%get3A_157, %get3A_158, %get3A_159, %get3A_160] : memref<9x1x256x128xf32, #tpu.memory_space<vmem>>, vector<1x1x256x128xf32>
    %get3A_162 = vector.shape_cast %get3A_161 : vector<1x1x256x128xf32> to vector<256x128xf32>
    %sub3A_163 = arith.subf %get3A_3, %get3A_162 : vector<256x128xf32>
    %abs3A_164 = math.absf %sub3A_163 : vector<256x128xf32>
    %sub3A_165 = arith.subf %sub3A_163, %abs3A_164 : vector<256x128xf32>
    %get3A_166 = arith.constant 1 : index
    %get3A_167 = arith.constant 0 : index
    %get3A_168 = arith.constant 0 : index
    %get3A_169 = vector.load %arg5[%get3A_166, %get3A_167, %get3A_168] : memref<3x128x128xf32, #tpu.memory_space<vmem>>, vector<1x128x128xf32>
    %get3A_170 = vector.shape_cast %get3A_169 : vector<1x128x128xf32> to vector<128x128xf32>
    %dot_general3A_171 = arith.constant dense<0.000000e+00> : vector<256x128xf32>
    %dot_general3A_172 = tpu.matmul %sub3A_165, %get3A_170, %dot_general3A_171 {dimension_numbers = #tpu.dot_dimension_numbers<[1], [0], [0], [1], [0, 0, 1, 1], [], []>, transpose_lhs_hint = false} : vector<256x128xf32>, vector<128x128xf32>, vector<256x128xf32> -> vector<256x128xf32>
    %add3A_173 = arith.addf %add3A_156, %dot_general3A_172 : vector<256x128xf32>
    %get3A_174 = arith.constant 8 : index
    %get3A_175 = arith.constant 0 : index
    %get3A_176 = arith.constant 0 : index
    %get3A_177 = arith.constant 0 : index
    %get3A_178 = vector.load %arg3[%get3A_174, %get3A_175, %get3A_176, %get3A_177] : memref<9x1x256x128xf32, #tpu.memory_space<vmem>>, vector<1x1x256x128xf32>
    %get3A_179 = vector.shape_cast %get3A_178 : vector<1x1x256x128xf32> to vector<256x128xf32>
    %sub3A_180 = arith.subf %get3A_3, %get3A_179 : vector<256x128xf32>
    %abs3A_181 = math.absf %sub3A_180 : vector<256x128xf32>
    %sub3A_182 = arith.subf %sub3A_180, %abs3A_181 : vector<256x128xf32>
    %get3A_183 = arith.constant 2 : index
    %get3A_184 = arith.constant 0 : index
    %get3A_185 = arith.constant 0 : index
    %get3A_186 = vector.load %arg5[%get3A_183, %get3A_184, %get3A_185] : memref<3x128x128xf32, #tpu.memory_space<vmem>>, vector<1x128x128xf32>
    %get3A_187 = vector.shape_cast %get3A_186 : vector<1x128x128xf32> to vector<128x128xf32>
    %dot_general3A_188 = arith.constant dense<0.000000e+00> : vector<256x128xf32>
    %dot_general3A_189 = tpu.matmul %sub3A_182, %get3A_187, %dot_general3A_188 {dimension_numbers = #tpu.dot_dimension_numbers<[1], [0], [0], [1], [0, 0, 1, 1], [], []>, transpose_lhs_hint = false} : vector<256x128xf32>, vector<128x128xf32>, vector<256x128xf32> -> vector<256x128xf32>
    %add3A_190 = arith.addf %add3A_173, %dot_general3A_189 : vector<256x128xf32>
    %swap3A_191 = arith.constant 0 : index
    %swap3A_192 = arith.constant 0 : index
    %swap3A_193 = arith.constant 256 : index
    %swap3A_194 = vector.load %arg7[%swap3A_191, %swap3A_192, %swap3A_193] : memref<1x256x384xf32, #tpu.memory_space<vmem>>, vector<1x256x128xf32>
    %swap3A_195 = vector.shape_cast %swap3A_194 : vector<1x256x128xf32> to vector<256x128xf32>
    %swap3A_196 = vector.shape_cast %add3A_190 : vector<256x128xf32> to vector<1x256x128xf32>
    tpu.vector_store %arg7[%swap3A_191, %swap3A_192, %swap3A_193], %swap3A_196 {strides = array<i32>} : memref<1x256x384xf32, #tpu.memory_space<vmem>>, vector<1x256x128xf32>,
    %reduce_sum3A_197 = arith.constant dense<0.000000e+00> : vector<128xf32>
    %reduce_sum3A_198 = vector.multi_reduction <add>, %add3A_190, %reduce_sum3A_197 [0] : vector<256x128xf32> to vector<128xf32>
    %add3A_199 = arith.addf %add3A_135, %reduce_sum3A_198 : vector<128xf32>
    %mul3A_200 = arith.mulf %add3A_190, %add3A_190 : vector<256x128xf32>
    %reduce_sum3A_201 = arith.constant dense<0.000000e+00> : vector<128xf32>
    %reduce_sum3A_202 = vector.multi_reduction <add>, %mul3A_200, %reduce_sum3A_201 [0] : vector<256x128xf32> to vector<128xf32>
    %add3A_203 = arith.addf %add3A_139, %reduce_sum3A_202 : vector<128xf32>
    %swap3A_204 = arith.constant 0 : index
    %swap3A_205 = arith.constant 0 : index
    %swap3A_206 = arith.constant 0 : index
    %swap3A_207 = arith.constant 0 : index
    %swap3A_208 = vector.load %arg8[%swap3A_204, %swap3A_205, %swap3A_206, %swap3A_207] : memref<1x1x2x128xf32, #tpu.memory_space<vmem>>, vector<1x1x1x128xf32>
    %swap3A_209 = vector.shape_cast %swap3A_208 : vector<1x1x1x128xf32> to vector<128xf32>
    %swap3A_210 = vector.shape_cast %add3A_199 : vector<128xf32> to vector<1x1x1x128xf32>
    tpu.vector_store %arg8[%swap3A_204, %swap3A_205, %swap3A_206, %swap3A_207], %swap3A_210 {strides = array<i32>} : memref<1x1x2x128xf32, #tpu.memory_space<vmem>>, vector<1x1x1x128xf32>,
    %swap3A_211 = arith.constant 0 : index
    %swap3A_212 = arith.constant 0 : index
    %swap3A_213 = arith.constant 1 : index
    %swap3A_214 = arith.constant 0 : index
    %swap3A_215 = vector.load %arg8[%swap3A_211, %swap3A_212, %swap3A_213, %swap3A_214] : memref<1x1x2x128xf32, #tpu.memory_space<vmem>>, vector<1x1x1x128xf32>
    %swap3A_216 = vector.shape_cast %swap3A_215 : vector<1x1x1x128xf32> to vector<128xf32>
    %swap3A_217 = vector.shape_cast %add3A_203 : vector<128xf32> to vector<1x1x1x128xf32>
    tpu.vector_store %arg8[%swap3A_211, %swap3A_212, %swap3A_213, %swap3A_214], %swap3A_217 {strides = array<i32>} : memref<1x1x2x128xf32, #tpu.memory_space<vmem>>, vector<1x1x1x128xf32>,
    return
  }
  func.func @transform_0(%arg0: i32, %arg1: i32) -> (i32, i32, i32) {
    %add3A = arith.constant 0 : i32
    %add3A_0 = arith.addi %arg0, %add3A : i32
    %c0_i32 = arith.constant 0 : i32
    %c0_i32_1 = arith.constant 0 : i32
    return %add3A_0, %arg1, %c0_i32 : i32, i32, i32
  }
  func.func @transform_1(%arg0: i32, %arg1: i32) -> (i32, i32, i32, i32) {
    %c0_i32 = arith.constant 0 : i32
    %c0_i32_0 = arith.constant 0 : i32
    %c0_i32_1 = arith.constant 0 : i32
    return %c0_i32, %arg0, %arg1, %c0_i32_0 : i32, i32, i32, i32
  }
  func.func @transform_2(%arg0: i32, %arg1: i32) -> (i32, i32) {
    %c0_i32 = arith.constant 0 : i32
    %c0_i32_0 = arith.constant 0 : i32
    %c0_i32_1 = arith.constant 0 : i32
    return %c0_i32, %c0_i32_0 : i32, i32
  }
  func.func @transform_3(%arg0: i32, %arg1: i32) -> (i32, i32, i32) {
    %c0_i32 = arith.constant 0 : i32
    %c0_i32_0 = arith.constant 0 : i32
    %c0_i32_1 = arith.constant 0 : i32
    %c0_i32_2 = arith.constant 0 : i32
    return %c0_i32, %c0_i32_0, %c0_i32_1 : i32, i32, i32
  }
  func.func @transform_4(%arg0: i32, %arg1: i32) -> (i32, i32) {
    %c0_i32 = arith.constant 0 : i32
    %c0_i32_0 = arith.constant 0 : i32
    %c0_i32_1 = arith.constant 0 : i32
    return %c0_i32, %c0_i32_0 : i32, i32
  }
  func.func @transform_5(%arg0: i32, %arg1: i32) -> (i32, i32, i32) {
    %c0_i32 = arith.constant 0 : i32
    %c0_i32_0 = arith.constant 0 : i32
    return %arg0, %arg1, %c0_i32 : i32, i32, i32
  }
  func.func @transform_6(%arg0: i32, %arg1: i32) -> (i32, i32, i32, i32) {
    %c0_i32 = arith.constant 0 : i32
    %c0_i32_0 = arith.constant 0 : i32
    %c0_i32_1 = arith.constant 0 : i32
    return %arg0, %arg1, %c0_i32, %c0_i32_0 : i32, i32, i32, i32
  }
}

module attributes {stable_mosaic.version = 14 : i64} {
  func.func @_conv1_body(%arg0: i32, %arg1: i32, %arg2: memref<1x256x128xf32, #tpu.memory_space<vmem>>, %arg3: memref<9x1x256x128xf32, #tpu.memory_space<vmem>>, %arg4: memref<128x128xf32, #tpu.memory_space<vmem>>, %arg5: memref<3x128x128xf32, #tpu.memory_space<vmem>>, %arg6: memref<1x128xf32, #tpu.memory_space<vmem>>, %arg7: memref<1x256x384xf32, #tpu.memory_space<vmem>>, %arg8: memref<1x1x2x128xf32, #tpu.memory_space<vmem>>) attributes {dimension_semantics = [#tpu.dimension_semantics<parallel>, #tpu.dimension_semantics<arbitrary>], iteration_bounds = array<i64: 2, 8>, scalar_prefetch = 0 : i64, scratch_operands = 0 : i64, tpu.core_type = #tpu.core_type<tc>, window_params = [{transform_indices = @transform_0, window_bounds = array<i64: 1, 256, 128>}, {transform_indices = @transform_1, window_bounds = array<i64: 9, 1, 256, 128>}, {pipeline_mode = #tpu.pipeline_mode<synchronous>, transform_indices = @transform_2, window_bounds = array<i64: 128, 128>}, {pipeline_mode = #tpu.pipeline_mode<synchronous>, transform_indices = @transform_3, window_bounds = array<i64: 3, 128, 128>}, {pipeline_mode = #tpu.pipeline_mode<synchronous>, transform_indices = @transform_4, window_bounds = array<i64: 1, 128>}, {transform_indices = @transform_5, window_bounds = array<i64: 1, 256, 384>}, {transform_indices = @transform_6, window_bounds = array<i64: 1, 1, 2, 128>}]} {
    %get3A = arith.constant 0 : index
    %get3A_0 = arith.constant 0 : index
    %get3A_1 = arith.constant 0 : index
    %get3A_2 = vector.load %arg2[%get3A, %get3A_0, %get3A_1] : memref<1x256x128xf32, #tpu.memory_space<vmem>>, vector<1x256x128xf32>
    %get3A_3 = vector.shape_cast %get3A_2 : vector<1x256x128xf32> to vector<256x128xf32>
    %get3A_4 = arith.constant 0 : index
    %get3A_5 = arith.constant 0 : index
    %get3A_6 = vector.load %arg4[%get3A_4, %get3A_5] : memref<128x128xf32, #tpu.memory_space<vmem>>, vector<128x128xf32>
    %dot_general3A = arith.constant dense<0.000000e+00> : vector<256x128xf32>
    %dot_general3A_7 = tpu.matmul %get3A_3, %get3A_6, %dot_general3A {dimension_numbers = #tpu.dot_dimension_numbers<[1], [0], [0], [1], [0, 0, 1, 1], [], []>, transpose_lhs_hint = false} : vector<256x128xf32>, vector<128x128xf32>, vector<256x128xf32> -> vector<256x128xf32>
    %get3A_8 = arith.constant 0 : index
    %get3A_9 = arith.constant 0 : index
    %get3A_10 = vector.load %arg6[%get3A_8, %get3A_9] : memref<1x128xf32, #tpu.memory_space<vmem>>, vector<1x128xf32>
    %get3A_11 = vector.shape_cast %get3A_10 : vector<1x128xf32> to vector<128xf32>
    %broadcast_in_dim3A = vector.shape_cast %get3A_11 : vector<128xf32> to vector<1x128xf32>
    %add3A = vector.broadcast %broadcast_in_dim3A : vector<1x128xf32> to vector<256x128xf32>
    %add3A_12 = arith.addf %dot_general3A_7, %add3A : vector<256x128xf32>
    %broadcast_in_dim3A_13 = arith.constant 0.000000e+00 : f32
    %broadcast_in_dim3A_14 = vector.broadcast %broadcast_in_dim3A_13 : f32 to vector<128xf32>
    %broadcast_in_dim3A_15 = arith.constant 0.000000e+00 : f32
    %broadcast_in_dim3A_16 = vector.broadcast %broadcast_in_dim3A_15 : f32 to vector<128xf32>
    %get3A_17 = arith.constant 0 : index
    %get3A_18 = arith.constant 0 : index
    %get3A_19 = arith.constant 0 : index
    %get3A_20 = arith.constant 0 : index
    %get3A_21 = vector.load %arg3[%get3A_17, %get3A_18, %get3A_19, %get3A_20] : memref<9x1x256x128xf32, #tpu.memory_space<vmem>>, vector<1x1x256x128xf32>
    %get3A_22 = vector.shape_cast %get3A_21 : vector<1x1x256x128xf32> to vector<256x128xf32>
    %sub3A = arith.subf %get3A_3, %get3A_22 : vector<256x128xf32>
    %abs3A = math.absf %sub3A : vector<256x128xf32>
    %sub3A_23 = arith.subf %sub3A, %abs3A : vector<256x128xf32>
    %get3A_24 = arith.constant 0 : index
    %get3A_25 = arith.constant 0 : index
    %get3A_26 = arith.constant 0 : index
    %get3A_27 = vector.load %arg5[%get3A_24, %get3A_25, %get3A_26] : memref<3x128x128xf32, #tpu.memory_space<vmem>>, vector<1x128x128xf32>
    %get3A_28 = vector.shape_cast %get3A_27 : vector<1x128x128xf32> to vector<128x128xf32>
    %dot_general3A_29 = arith.constant dense<0.000000e+00> : vector<256x128xf32>
    %dot_general3A_30 = tpu.matmul %sub3A_23, %get3A_28, %dot_general3A_29 {dimension_numbers = #tpu.dot_dimension_numbers<[1], [0], [0], [1], [0, 0, 1, 1], [], []>, transpose_lhs_hint = false} : vector<256x128xf32>, vector<128x128xf32>, vector<256x128xf32> -> vector<256x128xf32>
    %add3A_31 = arith.addf %add3A_12, %dot_general3A_30 : vector<256x128xf32>
    %get3A_32 = arith.constant 1 : index
    %get3A_33 = arith.constant 0 : index
    %get3A_34 = arith.constant 0 : index
    %get3A_35 = arith.constant 0 : index
    %get3A_36 = vector.load %arg3[%get3A_32, %get3A_33, %get3A_34, %get3A_35] : memref<9x1x256x128xf32, #tpu.memory_space<vmem>>, vector<1x1x256x128xf32>
    %get3A_37 = vector.shape_cast %get3A_36 : vector<1x1x256x128xf32> to vector<256x128xf32>
    %sub3A_38 = arith.subf %get3A_3, %get3A_37 : vector<256x128xf32>
    %abs3A_39 = math.absf %sub3A_38 : vector<256x128xf32>
    %sub3A_40 = arith.subf %sub3A_38, %abs3A_39 : vector<256x128xf32>
    %get3A_41 = arith.constant 1 : index
    %get3A_42 = arith.constant 0 : index
    %get3A_43 = arith.constant 0 : index
    %get3A_44 = vector.load %arg5[%get3A_41, %get3A_42, %get3A_43] : memref<3x128x128xf32, #tpu.memory_space<vmem>>, vector<1x128x128xf32>
    %get3A_45 = vector.shape_cast %get3A_44 : vector<1x128x128xf32> to vector<128x128xf32>
    %dot_general3A_46 = arith.constant dense<0.000000e+00> : vector<256x128xf32>
    %dot_general3A_47 = tpu.matmul %sub3A_40, %get3A_45, %dot_general3A_46 {dimension_numbers = #tpu.dot_dimension_numbers<[1], [0], [0], [1], [0, 0, 1, 1], [], []>, transpose_lhs_hint = false} : vector<256x128xf32>, vector<128x128xf32>, vector<256x128xf32> -> vector<256x128xf32>
    %add3A_48 = arith.addf %add3A_31, %dot_general3A_47 : vector<256x128xf32>
    %get3A_49 = arith.constant 2 : index
    %get3A_50 = arith.constant 0 : index
    %get3A_51 = arith.constant 0 : index
    %get3A_52 = arith.constant 0 : index
    %get3A_53 = vector.load %arg3[%get3A_49, %get3A_50, %get3A_51, %get3A_52] : memref<9x1x256x128xf32, #tpu.memory_space<vmem>>, vector<1x1x256x128xf32>
    %get3A_54 = vector.shape_cast %get3A_53 : vector<1x1x256x128xf32> to vector<256x128xf32>
    %sub3A_55 = arith.subf %get3A_3, %get3A_54 : vector<256x128xf32>
    %abs3A_56 = math.absf %sub3A_55 : vector<256x128xf32>
    %sub3A_57 = arith.subf %sub3A_55, %abs3A_56 : vector<256x128xf32>
    %get3A_58 = arith.constant 2 : index
    %get3A_59 = arith.constant 0 : index
    %get3A_60 = arith.constant 0 : index
    %get3A_61 = vector.load %arg5[%get3A_58, %get3A_59, %get3A_60] : memref<3x128x128xf32, #tpu.memory_space<vmem>>, vector<1x128x128xf32>
    %get3A_62 = vector.shape_cast %get3A_61 : vector<1x128x128xf32> to vector<128x128xf32>
    %dot_general3A_63 = arith.constant dense<0.000000e+00> : vector<256x128xf32>
    %dot_general3A_64 = tpu.matmul %sub3A_57, %get3A_62, %dot_general3A_63 {dimension_numbers = #tpu.dot_dimension_numbers<[1], [0], [0], [1], [0, 0, 1, 1], [], []>, transpose_lhs_hint = false} : vector<256x128xf32>, vector<128x128xf32>, vector<256x128xf32> -> vector<256x128xf32>
    %add3A_65 = arith.addf %add3A_48, %dot_general3A_64 : vector<256x128xf32>
    %swap3A = arith.constant 0 : index
    %swap3A_66 = arith.constant 0 : index
    %swap3A_67 = arith.constant 0 : index
    %swap3A_68 = vector.load %arg7[%swap3A, %swap3A_66, %swap3A_67] : memref<1x256x384xf32, #tpu.memory_space<vmem>>, vector<1x256x128xf32>
    %swap3A_69 = vector.shape_cast %swap3A_68 : vector<1x256x128xf32> to vector<256x128xf32>
    %swap3A_70 = vector.shape_cast %add3A_65 : vector<256x128xf32> to vector<1x256x128xf32>
    tpu.vector_store %arg7[%swap3A, %swap3A_66, %swap3A_67], %swap3A_70 {strides = array<i32>} : memref<1x256x384xf32, #tpu.memory_space<vmem>>, vector<1x256x128xf32>,
    %reduce_sum3A = arith.constant dense<0.000000e+00> : vector<128xf32>
    %reduce_sum3A_71 = vector.multi_reduction <add>, %add3A_65, %reduce_sum3A [0] : vector<256x128xf32> to vector<128xf32>
    %add3A_72 = arith.addf %broadcast_in_dim3A_14, %reduce_sum3A_71 : vector<128xf32>
    %mul3A = arith.mulf %add3A_65, %add3A_65 : vector<256x128xf32>
    %reduce_sum3A_73 = arith.constant dense<0.000000e+00> : vector<128xf32>
    %reduce_sum3A_74 = vector.multi_reduction <add>, %mul3A, %reduce_sum3A_73 [0] : vector<256x128xf32> to vector<128xf32>
    %add3A_75 = arith.addf %broadcast_in_dim3A_16, %reduce_sum3A_74 : vector<128xf32>
    %get3A_76 = arith.constant 3 : index
    %get3A_77 = arith.constant 0 : index
    %get3A_78 = arith.constant 0 : index
    %get3A_79 = arith.constant 0 : index
    %get3A_80 = vector.load %arg3[%get3A_76, %get3A_77, %get3A_78, %get3A_79] : memref<9x1x256x128xf32, #tpu.memory_space<vmem>>, vector<1x1x256x128xf32>
    %get3A_81 = vector.shape_cast %get3A_80 : vector<1x1x256x128xf32> to vector<256x128xf32>
    %sub3A_82 = arith.subf %get3A_3, %get3A_81 : vector<256x128xf32>
    %abs3A_83 = math.absf %sub3A_82 : vector<256x128xf32>
    %sub3A_84 = arith.subf %sub3A_82, %abs3A_83 : vector<256x128xf32>
    %get3A_85 = arith.constant 0 : index
    %get3A_86 = arith.constant 0 : index
    %get3A_87 = arith.constant 0 : index
    %get3A_88 = vector.load %arg5[%get3A_85, %get3A_86, %get3A_87] : memref<3x128x128xf32, #tpu.memory_space<vmem>>, vector<1x128x128xf32>
    %get3A_89 = vector.shape_cast %get3A_88 : vector<1x128x128xf32> to vector<128x128xf32>
    %dot_general3A_90 = arith.constant dense<0.000000e+00> : vector<256x128xf32>
    %dot_general3A_91 = tpu.matmul %sub3A_84, %get3A_89, %dot_general3A_90 {dimension_numbers = #tpu.dot_dimension_numbers<[1], [0], [0], [1], [0, 0, 1, 1], [], []>, transpose_lhs_hint = false} : vector<256x128xf32>, vector<128x128xf32>, vector<256x128xf32> -> vector<256x128xf32>
    %add3A_92 = arith.addf %add3A_12, %dot_general3A_91 : vector<256x128xf32>
    %get3A_93 = arith.constant 4 : index
    %get3A_94 = arith.constant 0 : index
    %get3A_95 = arith.constant 0 : index
    %get3A_96 = arith.constant 0 : index
    %get3A_97 = vector.load %arg3[%get3A_93, %get3A_94, %get3A_95, %get3A_96] : memref<9x1x256x128xf32, #tpu.memory_space<vmem>>, vector<1x1x256x128xf32>
    %get3A_98 = vector.shape_cast %get3A_97 : vector<1x1x256x128xf32> to vector<256x128xf32>
    %sub3A_99 = arith.subf %get3A_3, %get3A_98 : vector<256x128xf32>
    %abs3A_100 = math.absf %sub3A_99 : vector<256x128xf32>
    %sub3A_101 = arith.subf %sub3A_99, %abs3A_100 : vector<256x128xf32>
    %get3A_102 = arith.constant 1 : index
    %get3A_103 = arith.constant 0 : index
    %get3A_104 = arith.constant 0 : index
    %get3A_105 = vector.load %arg5[%get3A_102, %get3A_103, %get3A_104] : memref<3x128x128xf32, #tpu.memory_space<vmem>>, vector<1x128x128xf32>
    %get3A_106 = vector.shape_cast %get3A_105 : vector<1x128x128xf32> to vector<128x128xf32>
    %dot_general3A_107 = arith.constant dense<0.000000e+00> : vector<256x128xf32>
    %dot_general3A_108 = tpu.matmul %sub3A_101, %get3A_106, %dot_general3A_107 {dimension_numbers = #tpu.dot_dimension_numbers<[1], [0], [0], [1], [0, 0, 1, 1], [], []>, transpose_lhs_hint = false} : vector<256x128xf32>, vector<128x128xf32>, vector<256x128xf32> -> vector<256x128xf32>
    %add3A_109 = arith.addf %add3A_92, %dot_general3A_108 : vector<256x128xf32>
    %get3A_110 = arith.constant 5 : index
    %get3A_111 = arith.constant 0 : index
    %get3A_112 = arith.constant 0 : index
    %get3A_113 = arith.constant 0 : index
    %get3A_114 = vector.load %arg3[%get3A_110, %get3A_111, %get3A_112, %get3A_113] : memref<9x1x256x128xf32, #tpu.memory_space<vmem>>, vector<1x1x256x128xf32>
    %get3A_115 = vector.shape_cast %get3A_114 : vector<1x1x256x128xf32> to vector<256x128xf32>
    %sub3A_116 = arith.subf %get3A_3, %get3A_115 : vector<256x128xf32>
    %abs3A_117 = math.absf %sub3A_116 : vector<256x128xf32>
    %sub3A_118 = arith.subf %sub3A_116, %abs3A_117 : vector<256x128xf32>
    %get3A_119 = arith.constant 2 : index
    %get3A_120 = arith.constant 0 : index
    %get3A_121 = arith.constant 0 : index
    %get3A_122 = vector.load %arg5[%get3A_119, %get3A_120, %get3A_121] : memref<3x128x128xf32, #tpu.memory_space<vmem>>, vector<1x128x128xf32>
    %get3A_123 = vector.shape_cast %get3A_122 : vector<1x128x128xf32> to vector<128x128xf32>
    %dot_general3A_124 = arith.constant dense<0.000000e+00> : vector<256x128xf32>
    %dot_general3A_125 = tpu.matmul %sub3A_118, %get3A_123, %dot_general3A_124 {dimension_numbers = #tpu.dot_dimension_numbers<[1], [0], [0], [1], [0, 0, 1, 1], [], []>, transpose_lhs_hint = false} : vector<256x128xf32>, vector<128x128xf32>, vector<256x128xf32> -> vector<256x128xf32>
    %add3A_126 = arith.addf %add3A_109, %dot_general3A_125 : vector<256x128xf32>
    %swap3A_127 = arith.constant 0 : index
    %swap3A_128 = arith.constant 0 : index
    %swap3A_129 = arith.constant 128 : index
    %swap3A_130 = vector.load %arg7[%swap3A_127, %swap3A_128, %swap3A_129] : memref<1x256x384xf32, #tpu.memory_space<vmem>>, vector<1x256x128xf32>
    %swap3A_131 = vector.shape_cast %swap3A_130 : vector<1x256x128xf32> to vector<256x128xf32>
    %swap3A_132 = vector.shape_cast %add3A_126 : vector<256x128xf32> to vector<1x256x128xf32>
    tpu.vector_store %arg7[%swap3A_127, %swap3A_128, %swap3A_129], %swap3A_132 {strides = array<i32>} : memref<1x256x384xf32, #tpu.memory_space<vmem>>, vector<1x256x128xf32>,
    %reduce_sum3A_133 = arith.constant dense<0.000000e+00> : vector<128xf32>
    %reduce_sum3A_134 = vector.multi_reduction <add>, %add3A_126, %reduce_sum3A_133 [0] : vector<256x128xf32> to vector<128xf32>
    %add3A_135 = arith.addf %add3A_72, %reduce_sum3A_134 : vector<128xf32>
    %mul3A_136 = arith.mulf %add3A_126, %add3A_126 : vector<256x128xf32>
    %reduce_sum3A_137 = arith.constant dense<0.000000e+00> : vector<128xf32>
    %reduce_sum3A_138 = vector.multi_reduction <add>, %mul3A_136, %reduce_sum3A_137 [0] : vector<256x128xf32> to vector<128xf32>
    %add3A_139 = arith.addf %add3A_75, %reduce_sum3A_138 : vector<128xf32>
    %get3A_140 = arith.constant 6 : index
    %get3A_141 = arith.constant 0 : index
    %get3A_142 = arith.constant 0 : index
    %get3A_143 = arith.constant 0 : index
    %get3A_144 = vector.load %arg3[%get3A_140, %get3A_141, %get3A_142, %get3A_143] : memref<9x1x256x128xf32, #tpu.memory_space<vmem>>, vector<1x1x256x128xf32>
    %get3A_145 = vector.shape_cast %get3A_144 : vector<1x1x256x128xf32> to vector<256x128xf32>
    %sub3A_146 = arith.subf %get3A_3, %get3A_145 : vector<256x128xf32>
    %abs3A_147 = math.absf %sub3A_146 : vector<256x128xf32>
    %sub3A_148 = arith.subf %sub3A_146, %abs3A_147 : vector<256x128xf32>
    %get3A_149 = arith.constant 0 : index
    %get3A_150 = arith.constant 0 : index
    %get3A_151 = arith.constant 0 : index
    %get3A_152 = vector.load %arg5[%get3A_149, %get3A_150, %get3A_151] : memref<3x128x128xf32, #tpu.memory_space<vmem>>, vector<1x128x128xf32>
    %get3A_153 = vector.shape_cast %get3A_152 : vector<1x128x128xf32> to vector<128x128xf32>
    %dot_general3A_154 = arith.constant dense<0.000000e+00> : vector<256x128xf32>
    %dot_general3A_155 = tpu.matmul %sub3A_148, %get3A_153, %dot_general3A_154 {dimension_numbers = #tpu.dot_dimension_numbers<[1], [0], [0], [1], [0, 0, 1, 1], [], []>, transpose_lhs_hint = false} : vector<256x128xf32>, vector<128x128xf32>, vector<256x128xf32> -> vector<256x128xf32>
    %add3A_156 = arith.addf %add3A_12, %dot_general3A_155 : vector<256x128xf32>
    %get3A_157 = arith.constant 7 : index
    %get3A_158 = arith.constant 0 : index
    %get3A_159 = arith.constant 0 : index
    %get3A_160 = arith.constant 0 : index
    %get3A_161 = vector.load %arg3[%get3A_157, %get3A_158, %get3A_159, %get3A_160] : memref<9x1x256x128xf32, #tpu.memory_space<vmem>>, vector<1x1x256x128xf32>
    %get3A_162 = vector.shape_cast %get3A_161 : vector<1x1x256x128xf32> to vector<256x128xf32>
    %sub3A_163 = arith.subf %get3A_3, %get3A_162 : vector<256x128xf32>
    %abs3A_164 = math.absf %sub3A_163 : vector<256x128xf32>
    %sub3A_165 = arith.subf %sub3A_163, %abs3A_164 : vector<256x128xf32>
    %get3A_166 = arith.constant 1 : index
    %get3A_167 = arith.constant 0 : index
    %get3A_168 = arith.constant 0 : index
    %get3A_169 = vector.load %arg5[%get3A_166, %get3A_167, %get3A_168] : memref<3x128x128xf32, #tpu.memory_space<vmem>>, vector<1x128x128xf32>
    %get3A_170 = vector.shape_cast %get3A_169 : vector<1x128x128xf32> to vector<128x128xf32>
    %dot_general3A_171 = arith.constant dense<0.000000e+00> : vector<256x128xf32>
    %dot_general3A_172 = tpu.matmul %sub3A_165, %get3A_170, %dot_general3A_171 {dimension_numbers = #tpu.dot_dimension_numbers<[1], [0], [0], [1], [0, 0, 1, 1], [], []>, transpose_lhs_hint = false} : vector<256x128xf32>, vector<128x128xf32>, vector<256x128xf32> -> vector<256x128xf32>
    %add3A_173 = arith.addf %add3A_156, %dot_general3A_172 : vector<256x128xf32>
    %get3A_174 = arith.constant 8 : index
    %get3A_175 = arith.constant 0 : index
    %get3A_176 = arith.constant 0 : index
    %get3A_177 = arith.constant 0 : index
    %get3A_178 = vector.load %arg3[%get3A_174, %get3A_175, %get3A_176, %get3A_177] : memref<9x1x256x128xf32, #tpu.memory_space<vmem>>, vector<1x1x256x128xf32>
    %get3A_179 = vector.shape_cast %get3A_178 : vector<1x1x256x128xf32> to vector<256x128xf32>
    %sub3A_180 = arith.subf %get3A_3, %get3A_179 : vector<256x128xf32>
    %abs3A_181 = math.absf %sub3A_180 : vector<256x128xf32>
    %sub3A_182 = arith.subf %sub3A_180, %abs3A_181 : vector<256x128xf32>
    %get3A_183 = arith.constant 2 : index
    %get3A_184 = arith.constant 0 : index
    %get3A_185 = arith.constant 0 : index
    %get3A_186 = vector.load %arg5[%get3A_183, %get3A_184, %get3A_185] : memref<3x128x128xf32, #tpu.memory_space<vmem>>, vector<1x128x128xf32>
    %get3A_187 = vector.shape_cast %get3A_186 : vector<1x128x128xf32> to vector<128x128xf32>
    %dot_general3A_188 = arith.constant dense<0.000000e+00> : vector<256x128xf32>
    %dot_general3A_189 = tpu.matmul %sub3A_182, %get3A_187, %dot_general3A_188 {dimension_numbers = #tpu.dot_dimension_numbers<[1], [0], [0], [1], [0, 0, 1, 1], [], []>, transpose_lhs_hint = false} : vector<256x128xf32>, vector<128x128xf32>, vector<256x128xf32> -> vector<256x128xf32>
    %add3A_190 = arith.addf %add3A_173, %dot_general3A_189 : vector<256x128xf32>
    %swap3A_191 = arith.constant 0 : index
    %swap3A_192 = arith.constant 0 : index
    %swap3A_193 = arith.constant 256 : index
    %swap3A_194 = vector.load %arg7[%swap3A_191, %swap3A_192, %swap3A_193] : memref<1x256x384xf32, #tpu.memory_space<vmem>>, vector<1x256x128xf32>
    %swap3A_195 = vector.shape_cast %swap3A_194 : vector<1x256x128xf32> to vector<256x128xf32>
    %swap3A_196 = vector.shape_cast %add3A_190 : vector<256x128xf32> to vector<1x256x128xf32>
    tpu.vector_store %arg7[%swap3A_191, %swap3A_192, %swap3A_193], %swap3A_196 {strides = array<i32>} : memref<1x256x384xf32, #tpu.memory_space<vmem>>, vector<1x256x128xf32>,
    %reduce_sum3A_197 = arith.constant dense<0.000000e+00> : vector<128xf32>
    %reduce_sum3A_198 = vector.multi_reduction <add>, %add3A_190, %reduce_sum3A_197 [0] : vector<256x128xf32> to vector<128xf32>
    %add3A_199 = arith.addf %add3A_135, %reduce_sum3A_198 : vector<128xf32>
    %mul3A_200 = arith.mulf %add3A_190, %add3A_190 : vector<256x128xf32>
    %reduce_sum3A_201 = arith.constant dense<0.000000e+00> : vector<128xf32>
    %reduce_sum3A_202 = vector.multi_reduction <add>, %mul3A_200, %reduce_sum3A_201 [0] : vector<256x128xf32> to vector<128xf32>
    %add3A_203 = arith.addf %add3A_139, %reduce_sum3A_202 : vector<128xf32>
    %swap3A_204 = arith.constant 0 : index
    %swap3A_205 = arith.constant 0 : index
    %swap3A_206 = arith.constant 0 : index
    %swap3A_207 = arith.constant 0 : index
    %swap3A_208 = vector.load %arg8[%swap3A_204, %swap3A_205, %swap3A_206, %swap3A_207] : memref<1x1x2x128xf32, #tpu.memory_space<vmem>>, vector<1x1x1x128xf32>
    %swap3A_209 = vector.shape_cast %swap3A_208 : vector<1x1x1x128xf32> to vector<128xf32>
    %swap3A_210 = vector.shape_cast %add3A_199 : vector<128xf32> to vector<1x1x1x128xf32>
    tpu.vector_store %arg8[%swap3A_204, %swap3A_205, %swap3A_206, %swap3A_207], %swap3A_210 {strides = array<i32>} : memref<1x1x2x128xf32, #tpu.memory_space<vmem>>, vector<1x1x1x128xf32>,
    %swap3A_211 = arith.constant 0 : index
    %swap3A_212 = arith.constant 0 : index
    %swap3A_213 = arith.constant 1 : index
    %swap3A_214 = arith.constant 0 : index
    %swap3A_215 = vector.load %arg8[%swap3A_211, %swap3A_212, %swap3A_213, %swap3A_214] : memref<1x1x2x128xf32, #tpu.memory_space<vmem>>, vector<1x1x1x128xf32>
    %swap3A_216 = vector.shape_cast %swap3A_215 : vector<1x1x1x128xf32> to vector<128xf32>
    %swap3A_217 = vector.shape_cast %add3A_203 : vector<128xf32> to vector<1x1x1x128xf32>
    tpu.vector_store %arg8[%swap3A_211, %swap3A_212, %swap3A_213, %swap3A_214], %swap3A_217 {strides = array<i32>} : memref<1x1x2x128xf32, #tpu.memory_space<vmem>>, vector<1x1x1x128xf32>,
    return
  }
  func.func @transform_0(%arg0: i32, %arg1: i32) -> (i32, i32, i32) {
    %add3A = arith.constant 2 : i32
    %add3A_0 = arith.addi %arg0, %add3A : i32
    %c0_i32 = arith.constant 0 : i32
    %c0_i32_1 = arith.constant 0 : i32
    return %add3A_0, %arg1, %c0_i32 : i32, i32, i32
  }
  func.func @transform_1(%arg0: i32, %arg1: i32) -> (i32, i32, i32, i32) {
    %c0_i32 = arith.constant 0 : i32
    %c0_i32_0 = arith.constant 0 : i32
    %c0_i32_1 = arith.constant 0 : i32
    return %c0_i32, %arg0, %arg1, %c0_i32_0 : i32, i32, i32, i32
  }
  func.func @transform_2(%arg0: i32, %arg1: i32) -> (i32, i32) {
    %c0_i32 = arith.constant 0 : i32
    %c0_i32_0 = arith.constant 0 : i32
    %c0_i32_1 = arith.constant 0 : i32
    return %c0_i32, %c0_i32_0 : i32, i32
  }
  func.func @transform_3(%arg0: i32, %arg1: i32) -> (i32, i32, i32) {
    %c0_i32 = arith.constant 0 : i32
    %c0_i32_0 = arith.constant 0 : i32
    %c0_i32_1 = arith.constant 0 : i32
    %c0_i32_2 = arith.constant 0 : i32
    return %c0_i32, %c0_i32_0, %c0_i32_1 : i32, i32, i32
  }
  func.func @transform_4(%arg0: i32, %arg1: i32) -> (i32, i32) {
    %c0_i32 = arith.constant 0 : i32
    %c0_i32_0 = arith.constant 0 : i32
    %c0_i32_1 = arith.constant 0 : i32
    return %c0_i32, %c0_i32_0 : i32, i32
  }
  func.func @transform_5(%arg0: i32, %arg1: i32) -> (i32, i32, i32) {
    %c0_i32 = arith.constant 0 : i32
    %c0_i32_0 = arith.constant 0 : i32
    return %arg0, %arg1, %c0_i32 : i32, i32, i32
  }
  func.func @transform_6(%arg0: i32, %arg1: i32) -> (i32, i32, i32, i32) {
    %c0_i32 = arith.constant 0 : i32
    %c0_i32_0 = arith.constant 0 : i32
    %c0_i32_1 = arith.constant 0 : i32
    return %arg0, %arg1, %c0_i32, %c0_i32_0 : i32, i32, i32, i32
  }
}

module attributes {stable_mosaic.version = 14 : i64} {
  func.func @_conv2_body(%arg0: i32, %arg1: i32, %arg2: memref<1x256x384xf32, #tpu.memory_space<vmem>>, %arg3: memref<2x8x2x128xf32, #tpu.memory_space<vmem>>, %arg4: memref<2x8x2x128xf32, #tpu.memory_space<vmem>>, %arg5: memref<1x128xf32, #tpu.memory_space<vmem>>, %arg6: memref<1x128xf32, #tpu.memory_space<vmem>>, %arg7: memref<3x128x128xf32, #tpu.memory_space<vmem>>, %arg8: memref<1x128xf32, #tpu.memory_space<vmem>>, %arg9: memref<1x256x128xf32, #tpu.memory_space<vmem>>, %arg10: memref<1x1x2x128xf32, #tpu.memory_space<vmem>>) attributes {dimension_semantics = [#tpu.dimension_semantics<parallel>, #tpu.dimension_semantics<arbitrary>], iteration_bounds = array<i64: 2, 8>, scalar_prefetch = 0 : i64, scratch_operands = 0 : i64, tpu.core_type = #tpu.core_type<tc>, window_params = [{transform_indices = @transform_0, window_bounds = array<i64: 1, 256, 384>}, {pipeline_mode = #tpu.pipeline_mode<synchronous>, transform_indices = @transform_1, window_bounds = array<i64: 2, 8, 2, 128>}, {pipeline_mode = #tpu.pipeline_mode<synchronous>, transform_indices = @transform_2, window_bounds = array<i64: 2, 8, 2, 128>}, {pipeline_mode = #tpu.pipeline_mode<synchronous>, transform_indices = @transform_3, window_bounds = array<i64: 1, 128>}, {pipeline_mode = #tpu.pipeline_mode<synchronous>, transform_indices = @transform_4, window_bounds = array<i64: 1, 128>}, {pipeline_mode = #tpu.pipeline_mode<synchronous>, transform_indices = @transform_5, window_bounds = array<i64: 3, 128, 128>}, {pipeline_mode = #tpu.pipeline_mode<synchronous>, transform_indices = @transform_6, window_bounds = array<i64: 1, 128>}, {transform_indices = @transform_7, window_bounds = array<i64: 1, 256, 128>}, {transform_indices = @transform_8, window_bounds = array<i64: 1, 1, 2, 128>}]} {
    %get3A = arith.constant 0 : index
    %get3A_0 = arith.constant 0 : index
    %get3A_1 = arith.constant 0 : index
    %get3A_2 = arith.constant 0 : index
    %get3A_3 = vector.load %arg3[%get3A, %get3A_0, %get3A_1, %get3A_2] : memref<2x8x2x128xf32, #tpu.memory_space<vmem>>, vector<2x8x2x128xf32>
    %get3A_4 = arith.constant 0 : index
    %get3A_5 = arith.constant 0 : index
    %get3A_6 = arith.constant 0 : index
    %get3A_7 = arith.constant 0 : index
    %get3A_8 = vector.load %arg4[%get3A_4, %get3A_5, %get3A_6, %get3A_7] : memref<2x8x2x128xf32, #tpu.memory_space<vmem>>, vector<2x8x2x128xf32>
    %slice3A = vector.extract_strided_slice %get3A_3 {offsets = [0, 0, 0, 0], sizes = [2, 8, 1, 128], strides = [1, 1, 1, 1]} : vector<2x8x2x128xf32> to vector<2x8x1x128xf32>
    %squeeze3A = vector.shape_cast %slice3A : vector<2x8x1x128xf32> to vector<2x8x128xf32>
    %reduce_sum3A = arith.constant dense<0.000000e+00> : vector<128xf32>
    %reduce_sum3A_9 = vector.multi_reduction <add>, %squeeze3A, %reduce_sum3A [0, 1] : vector<2x8x128xf32> to vector<128xf32>
    %slice3A_10 = vector.extract_strided_slice %get3A_8 {offsets = [0, 0, 0, 0], sizes = [2, 8, 1, 128], strides = [1, 1, 1, 1]} : vector<2x8x2x128xf32> to vector<2x8x1x128xf32>
    %squeeze3A_11 = vector.shape_cast %slice3A_10 : vector<2x8x1x128xf32> to vector<2x8x128xf32>
    %reduce_sum3A_12 = arith.constant dense<0.000000e+00> : vector<128xf32>
    %reduce_sum3A_13 = vector.multi_reduction <add>, %squeeze3A_11, %reduce_sum3A_12 [0, 1] : vector<2x8x128xf32> to vector<128xf32>
    %add3A = arith.addf %reduce_sum3A_9, %reduce_sum3A_13 : vector<128xf32>
    %slice3A_14 = vector.extract_strided_slice %get3A_3 {offsets = [0, 0, 1, 0], sizes = [2, 8, 1, 128], strides = [1, 1, 1, 1]} : vector<2x8x2x128xf32> to vector<2x8x1x128xf32>
    %squeeze3A_15 = vector.shape_cast %slice3A_14 : vector<2x8x1x128xf32> to vector<2x8x128xf32>
    %reduce_sum3A_16 = arith.constant dense<0.000000e+00> : vector<128xf32>
    %reduce_sum3A_17 = vector.multi_reduction <add>, %squeeze3A_15, %reduce_sum3A_16 [0, 1] : vector<2x8x128xf32> to vector<128xf32>
    %slice3A_18 = vector.extract_strided_slice %get3A_8 {offsets = [0, 0, 1, 0], sizes = [2, 8, 1, 128], strides = [1, 1, 1, 1]} : vector<2x8x2x128xf32> to vector<2x8x1x128xf32>
    %squeeze3A_19 = vector.shape_cast %slice3A_18 : vector<2x8x1x128xf32> to vector<2x8x128xf32>
    %reduce_sum3A_20 = arith.constant dense<0.000000e+00> : vector<128xf32>
    %reduce_sum3A_21 = vector.multi_reduction <add>, %squeeze3A_19, %reduce_sum3A_20 [0, 1] : vector<2x8x128xf32> to vector<128xf32>
    %add3A_22 = arith.addf %reduce_sum3A_17, %reduce_sum3A_21 : vector<128xf32>
    %div3A = arith.constant 2.457600e+04 : f32
    %div3A_23 = vector.broadcast %div3A : f32 to vector<128xf32>
    %div3A_24 = arith.divf %add3A, %div3A_23 : vector<128xf32>
    %div3A_25 = arith.constant 2.457600e+04 : f32
    %div3A_26 = vector.broadcast %div3A_25 : f32 to vector<128xf32>
    %div3A_27 = arith.divf %add3A_22, %div3A_26 : vector<128xf32>
    %mul3A = arith.mulf %div3A_24, %div3A_24 : vector<128xf32>
    %sub3A = arith.subf %div3A_27, %mul3A : vector<128xf32>
    %get3A_28 = arith.constant 0 : index
    %get3A_29 = arith.constant 0 : index
    %get3A_30 = vector.load %arg5[%get3A_28, %get3A_29] : memref<1x128xf32, #tpu.memory_space<vmem>>, vector<1x128xf32>
    %get3A_31 = vector.shape_cast %get3A_30 : vector<1x128xf32> to vector<128xf32>
    %add3A_32 = arith.constant 9.99999974E-6 : f32
    %add3A_33 = vector.broadcast %add3A_32 : f32 to vector<128xf32>
    %add3A_34 = arith.addf %sub3A, %add3A_33 : vector<128xf32>
    %rsqrt3A = math.rsqrt %add3A_34 : vector<128xf32>
    %mul3A_35 = arith.mulf %get3A_31, %rsqrt3A : vector<128xf32>
    %get3A_36 = arith.constant 0 : index
    %get3A_37 = arith.constant 0 : index
    %get3A_38 = vector.load %arg6[%get3A_36, %get3A_37] : memref<1x128xf32, #tpu.memory_space<vmem>>, vector<1x128xf32>
    %get3A_39 = vector.shape_cast %get3A_38 : vector<1x128xf32> to vector<128xf32>
    %mul3A_40 = arith.mulf %div3A_24, %mul3A_35 : vector<128xf32>
    %sub3A_41 = arith.subf %get3A_39, %mul3A_40 : vector<128xf32>
    %get3A_42 = arith.constant 0 : index
    %get3A_43 = arith.constant 0 : index
    %get3A_44 = arith.constant 0 : index
    %get3A_45 = vector.load %arg2[%get3A_42, %get3A_43, %get3A_44] : memref<1x256x384xf32, #tpu.memory_space<vmem>>, vector<1x256x384xf32>
    %get3A_46 = vector.shape_cast %get3A_45 : vector<1x256x384xf32> to vector<256x384xf32>
    %get3A_47 = arith.constant 0 : index
    %get3A_48 = arith.constant 0 : index
    %get3A_49 = vector.load %arg8[%get3A_47, %get3A_48] : memref<1x128xf32, #tpu.memory_space<vmem>>, vector<1x128xf32>
    %get3A_50 = vector.shape_cast %get3A_49 : vector<1x128xf32> to vector<128xf32>
    %broadcast_in_dim3A = vector.shape_cast %get3A_50 : vector<128xf32> to vector<1x128xf32>
    %broadcast_in_dim3A_51 = vector.shape_cast %broadcast_in_dim3A : vector<1x128xf32> to vector<1x128xf32>
    %broadcast_in_dim3A_52 = vector.broadcast %broadcast_in_dim3A_51 : vector<1x128xf32> to vector<256x128xf32>
    %slice3A_53 = vector.extract_strided_slice %get3A_46 {offsets = [0, 0], sizes = [256, 128], strides = [1, 1]} : vector<256x384xf32> to vector<256x128xf32>
    %broadcast_in_dim3A_54 = vector.shape_cast %mul3A_35 : vector<128xf32> to vector<1x128xf32>
    %mul3A_55 = vector.broadcast %broadcast_in_dim3A_54 : vector<1x128xf32> to vector<256x128xf32>
    %mul3A_56 = arith.mulf %slice3A_53, %mul3A_55 : vector<256x128xf32>
    %broadcast_in_dim3A_57 = vector.shape_cast %sub3A_41 : vector<128xf32> to vector<1x128xf32>
    %add3A_58 = vector.broadcast %broadcast_in_dim3A_57 : vector<1x128xf32> to vector<256x128xf32>
    %add3A_59 = arith.addf %mul3A_56, %add3A_58 : vector<256x128xf32>
    %max3A = arith.constant 0.000000e+00 : f32
    %max3A_60 = vector.broadcast %max3A : f32 to vector<256x128xf32>
    %max3A_61 = arith.maximumf %add3A_59, %max3A_60 : vector<256x128xf32>
    %get3A_62 = arith.constant 0 : index
    %get3A_63 = arith.constant 0 : index
    %get3A_64 = arith.constant 0 : index
    %get3A_65 = vector.load %arg7[%get3A_62, %get3A_63, %get3A_64] : memref<3x128x128xf32, #tpu.memory_space<vmem>>, vector<1x128x128xf32>
    %get3A_66 = vector.shape_cast %get3A_65 : vector<1x128x128xf32> to vector<128x128xf32>
    %dot_general3A = arith.constant dense<0.000000e+00> : vector<256x128xf32>
    %dot_general3A_67 = tpu.matmul %max3A_61, %get3A_66, %dot_general3A {dimension_numbers = #tpu.dot_dimension_numbers<[1], [0], [0], [1], [0, 0, 1, 1], [], []>, transpose_lhs_hint = false} : vector<256x128xf32>, vector<128x128xf32>, vector<256x128xf32> -> vector<256x128xf32>
    %add3A_68 = arith.addf %broadcast_in_dim3A_52, %dot_general3A_67 : vector<256x128xf32>
    %slice3A_69 = vector.extract_strided_slice %get3A_46 {offsets = [0, 128], sizes = [256, 128], strides = [1, 1]} : vector<256x384xf32> to vector<256x128xf32>
    %broadcast_in_dim3A_70 = vector.shape_cast %mul3A_35 : vector<128xf32> to vector<1x128xf32>
    %mul3A_71 = vector.broadcast %broadcast_in_dim3A_70 : vector<1x128xf32> to vector<256x128xf32>
    %mul3A_72 = arith.mulf %slice3A_69, %mul3A_71 : vector<256x128xf32>
    %broadcast_in_dim3A_73 = vector.shape_cast %sub3A_41 : vector<128xf32> to vector<1x128xf32>
    %add3A_74 = vector.broadcast %broadcast_in_dim3A_73 : vector<1x128xf32> to vector<256x128xf32>
    %add3A_75 = arith.addf %mul3A_72, %add3A_74 : vector<256x128xf32>
    %max3A_76 = arith.constant 0.000000e+00 : f32
    %max3A_77 = vector.broadcast %max3A_76 : f32 to vector<256x128xf32>
    %max3A_78 = arith.maximumf %add3A_75, %max3A_77 : vector<256x128xf32>
    %get3A_79 = arith.constant 1 : index
    %get3A_80 = arith.constant 0 : index
    %get3A_81 = arith.constant 0 : index
    %get3A_82 = vector.load %arg7[%get3A_79, %get3A_80, %get3A_81] : memref<3x128x128xf32, #tpu.memory_space<vmem>>, vector<1x128x128xf32>
    %get3A_83 = vector.shape_cast %get3A_82 : vector<1x128x128xf32> to vector<128x128xf32>
    %dot_general3A_84 = arith.constant dense<0.000000e+00> : vector<256x128xf32>
    %dot_general3A_85 = tpu.matmul %max3A_78, %get3A_83, %dot_general3A_84 {dimension_numbers = #tpu.dot_dimension_numbers<[1], [0], [0], [1], [0, 0, 1, 1], [], []>, transpose_lhs_hint = false} : vector<256x128xf32>, vector<128x128xf32>, vector<256x128xf32> -> vector<256x128xf32>
    %add3A_86 = arith.addf %add3A_68, %dot_general3A_85 : vector<256x128xf32>
    %slice3A_87 = vector.extract_strided_slice %get3A_46 {offsets = [0, 256], sizes = [256, 128], strides = [1, 1]} : vector<256x384xf32> to vector<256x128xf32>
    %broadcast_in_dim3A_88 = vector.shape_cast %mul3A_35 : vector<128xf32> to vector<1x128xf32>
    %mul3A_89 = vector.broadcast %broadcast_in_dim3A_88 : vector<1x128xf32> to vector<256x128xf32>
    %mul3A_90 = arith.mulf %slice3A_87, %mul3A_89 : vector<256x128xf32>
    %broadcast_in_dim3A_91 = vector.shape_cast %sub3A_41 : vector<128xf32> to vector<1x128xf32>
    %add3A_92 = vector.broadcast %broadcast_in_dim3A_91 : vector<1x128xf32> to vector<256x128xf32>
    %add3A_93 = arith.addf %mul3A_90, %add3A_92 : vector<256x128xf32>
    %max3A_94 = arith.constant 0.000000e+00 : f32
    %max3A_95 = vector.broadcast %max3A_94 : f32 to vector<256x128xf32>
    %max3A_96 = arith.maximumf %add3A_93, %max3A_95 : vector<256x128xf32>
    %get3A_97 = arith.constant 2 : index
    %get3A_98 = arith.constant 0 : index
    %get3A_99 = arith.constant 0 : index
    %get3A_100 = vector.load %arg7[%get3A_97, %get3A_98, %get3A_99] : memref<3x128x128xf32, #tpu.memory_space<vmem>>, vector<1x128x128xf32>
    %get3A_101 = vector.shape_cast %get3A_100 : vector<1x128x128xf32> to vector<128x128xf32>
    %dot_general3A_102 = arith.constant dense<0.000000e+00> : vector<256x128xf32>
    %dot_general3A_103 = tpu.matmul %max3A_96, %get3A_101, %dot_general3A_102 {dimension_numbers = #tpu.dot_dimension_numbers<[1], [0], [0], [1], [0, 0, 1, 1], [], []>, transpose_lhs_hint = false} : vector<256x128xf32>, vector<128x128xf32>, vector<256x128xf32> -> vector<256x128xf32>
    %add3A_104 = arith.addf %add3A_86, %dot_general3A_103 : vector<256x128xf32>
    %swap3A = arith.constant 0 : index
    %swap3A_105 = arith.constant 0 : index
    %swap3A_106 = arith.constant 0 : index
    %swap3A_107 = vector.load %arg9[%swap3A, %swap3A_105, %swap3A_106] : memref<1x256x128xf32, #tpu.memory_space<vmem>>, vector<1x256x128xf32>
    %swap3A_108 = vector.shape_cast %swap3A_107 : vector<1x256x128xf32> to vector<256x128xf32>
    %swap3A_109 = vector.shape_cast %add3A_104 : vector<256x128xf32> to vector<1x256x128xf32>
    tpu.vector_store %arg9[%swap3A, %swap3A_105, %swap3A_106], %swap3A_109 {strides = array<i32>} : memref<1x256x128xf32, #tpu.memory_space<vmem>>, vector<1x256x128xf32>,
    %reduce_sum3A_110 = arith.constant dense<0.000000e+00> : vector<128xf32>
    %reduce_sum3A_111 = vector.multi_reduction <add>, %add3A_104, %reduce_sum3A_110 [0] : vector<256x128xf32> to vector<128xf32>
    %swap3A_112 = arith.constant 0 : index
    %swap3A_113 = arith.constant 0 : index
    %swap3A_114 = arith.constant 0 : index
    %swap3A_115 = arith.constant 0 : index
    %swap3A_116 = vector.load %arg10[%swap3A_112, %swap3A_113, %swap3A_114, %swap3A_115] : memref<1x1x2x128xf32, #tpu.memory_space<vmem>>, vector<1x1x1x128xf32>
    %swap3A_117 = vector.shape_cast %swap3A_116 : vector<1x1x1x128xf32> to vector<128xf32>
    %swap3A_118 = vector.shape_cast %reduce_sum3A_111 : vector<128xf32> to vector<1x1x1x128xf32>
    tpu.vector_store %arg10[%swap3A_112, %swap3A_113, %swap3A_114, %swap3A_115], %swap3A_118 {strides = array<i32>} : memref<1x1x2x128xf32, #tpu.memory_space<vmem>>, vector<1x1x1x128xf32>,
    %mul3A_119 = arith.mulf %add3A_104, %add3A_104 : vector<256x128xf32>
    %reduce_sum3A_120 = arith.constant dense<0.000000e+00> : vector<128xf32>
    %reduce_sum3A_121 = vector.multi_reduction <add>, %mul3A_119, %reduce_sum3A_120 [0] : vector<256x128xf32> to vector<128xf32>
    %swap3A_122 = arith.constant 0 : index
    %swap3A_123 = arith.constant 0 : index
    %swap3A_124 = arith.constant 1 : index
    %swap3A_125 = arith.constant 0 : index
    %swap3A_126 = vector.load %arg10[%swap3A_122, %swap3A_123, %swap3A_124, %swap3A_125] : memref<1x1x2x128xf32, #tpu.memory_space<vmem>>, vector<1x1x1x128xf32>
    %swap3A_127 = vector.shape_cast %swap3A_126 : vector<1x1x1x128xf32> to vector<128xf32>
    %swap3A_128 = vector.shape_cast %reduce_sum3A_121 : vector<128xf32> to vector<1x1x1x128xf32>
    tpu.vector_store %arg10[%swap3A_122, %swap3A_123, %swap3A_124, %swap3A_125], %swap3A_128 {strides = array<i32>} : memref<1x1x2x128xf32, #tpu.memory_space<vmem>>, vector<1x1x1x128xf32>,
    return
  }
  func.func @transform_0(%arg0: i32, %arg1: i32) -> (i32, i32, i32) {
    %c0_i32 = arith.constant 0 : i32
    %c0_i32_0 = arith.constant 0 : i32
    return %arg0, %arg1, %c0_i32 : i32, i32, i32
  }
  func.func @transform_1(%arg0: i32, %arg1: i32) -> (i32, i32, i32, i32) {
    %c0_i32 = arith.constant 0 : i32
    %c0_i32_0 = arith.constant 0 : i32
    %c0_i32_1 = arith.constant 0 : i32
    %c0_i32_2 = arith.constant 0 : i32
    %c0_i32_3 = arith.constant 0 : i32
    return %c0_i32, %c0_i32_0, %c0_i32_1, %c0_i32_2 : i32, i32, i32, i32
  }
  func.func @transform_2(%arg0: i32, %arg1: i32) -> (i32, i32, i32, i32) {
    %c0_i32 = arith.constant 0 : i32
    %c0_i32_0 = arith.constant 0 : i32
    %c0_i32_1 = arith.constant 0 : i32
    %c0_i32_2 = arith.constant 0 : i32
    %c0_i32_3 = arith.constant 0 : i32
    return %c0_i32, %c0_i32_0, %c0_i32_1, %c0_i32_2 : i32, i32, i32, i32
  }
  func.func @transform_3(%arg0: i32, %arg1: i32) -> (i32, i32) {
    %c0_i32 = arith.constant 0 : i32
    %c0_i32_0 = arith.constant 0 : i32
    %c0_i32_1 = arith.constant 0 : i32
    return %c0_i32, %c0_i32_0 : i32, i32
  }
  func.func @transform_4(%arg0: i32, %arg1: i32) -> (i32, i32) {
    %c0_i32 = arith.constant 0 : i32
    %c0_i32_0 = arith.constant 0 : i32
    %c0_i32_1 = arith.constant 0 : i32
    return %c0_i32, %c0_i32_0 : i32, i32
  }
  func.func @transform_5(%arg0: i32, %arg1: i32) -> (i32, i32, i32) {
    %c0_i32 = arith.constant 0 : i32
    %c0_i32_0 = arith.constant 0 : i32
    %c0_i32_1 = arith.constant 0 : i32
    %c0_i32_2 = arith.constant 0 : i32
    return %c0_i32, %c0_i32_0, %c0_i32_1 : i32, i32, i32
  }
  func.func @transform_6(%arg0: i32, %arg1: i32) -> (i32, i32) {
    %c0_i32 = arith.constant 0 : i32
    %c0_i32_0 = arith.constant 0 : i32
    %c0_i32_1 = arith.constant 0 : i32
    return %c0_i32, %c0_i32_0 : i32, i32
  }
  func.func @transform_7(%arg0: i32, %arg1: i32) -> (i32, i32, i32) {
    %c0_i32 = arith.constant 0 : i32
    %c0_i32_0 = arith.constant 0 : i32
    return %arg0, %arg1, %c0_i32 : i32, i32, i32
  }
  func.func @transform_8(%arg0: i32, %arg1: i32) -> (i32, i32, i32, i32) {
    %c0_i32 = arith.constant 0 : i32
    %c0_i32_0 = arith.constant 0 : i32
    %c0_i32_1 = arith.constant 0 : i32
    return %arg0, %arg1, %c0_i32, %c0_i32_0 : i32, i32, i32, i32
  }
}

module attributes {stable_mosaic.version = 14 : i64} {
  func.func @_bn2_body(%arg0: i32, %arg1: i32, %arg2: memref<1x256x128xf32, #tpu.memory_space<vmem>>, %arg3: memref<2x8x2x128xf32, #tpu.memory_space<vmem>>, %arg4: memref<2x8x2x128xf32, #tpu.memory_space<vmem>>, %arg5: memref<1x128xf32, #tpu.memory_space<vmem>>, %arg6: memref<1x128xf32, #tpu.memory_space<vmem>>, %arg7: memref<1x128x256xf32, #tpu.memory_space<vmem>>) attributes {dimension_semantics = [#tpu.dimension_semantics<parallel>, #tpu.dimension_semantics<arbitrary>], iteration_bounds = array<i64: 2, 8>, scalar_prefetch = 0 : i64, scratch_operands = 0 : i64, tpu.core_type = #tpu.core_type<tc>, window_params = [{transform_indices = @transform_0, window_bounds = array<i64: 1, 256, 128>}, {pipeline_mode = #tpu.pipeline_mode<synchronous>, transform_indices = @transform_1, window_bounds = array<i64: 2, 8, 2, 128>}, {pipeline_mode = #tpu.pipeline_mode<synchronous>, transform_indices = @transform_2, window_bounds = array<i64: 2, 8, 2, 128>}, {pipeline_mode = #tpu.pipeline_mode<synchronous>, transform_indices = @transform_3, window_bounds = array<i64: 1, 128>}, {pipeline_mode = #tpu.pipeline_mode<synchronous>, transform_indices = @transform_4, window_bounds = array<i64: 1, 128>}, {transform_indices = @transform_5, window_bounds = array<i64: 1, 128, 256>}]} {
    %get3A = arith.constant 0 : index
    %get3A_0 = arith.constant 0 : index
    %get3A_1 = arith.constant 0 : index
    %get3A_2 = arith.constant 0 : index
    %get3A_3 = vector.load %arg3[%get3A, %get3A_0, %get3A_1, %get3A_2] : memref<2x8x2x128xf32, #tpu.memory_space<vmem>>, vector<2x8x2x128xf32>
    %get3A_4 = arith.constant 0 : index
    %get3A_5 = arith.constant 0 : index
    %get3A_6 = arith.constant 0 : index
    %get3A_7 = arith.constant 0 : index
    %get3A_8 = vector.load %arg4[%get3A_4, %get3A_5, %get3A_6, %get3A_7] : memref<2x8x2x128xf32, #tpu.memory_space<vmem>>, vector<2x8x2x128xf32>
    %slice3A = vector.extract_strided_slice %get3A_3 {offsets = [0, 0, 0, 0], sizes = [2, 8, 1, 128], strides = [1, 1, 1, 1]} : vector<2x8x2x128xf32> to vector<2x8x1x128xf32>
    %squeeze3A = vector.shape_cast %slice3A : vector<2x8x1x128xf32> to vector<2x8x128xf32>
    %reduce_sum3A = arith.constant dense<0.000000e+00> : vector<128xf32>
    %reduce_sum3A_9 = vector.multi_reduction <add>, %squeeze3A, %reduce_sum3A [0, 1] : vector<2x8x128xf32> to vector<128xf32>
    %slice3A_10 = vector.extract_strided_slice %get3A_8 {offsets = [0, 0, 0, 0], sizes = [2, 8, 1, 128], strides = [1, 1, 1, 1]} : vector<2x8x2x128xf32> to vector<2x8x1x128xf32>
    %squeeze3A_11 = vector.shape_cast %slice3A_10 : vector<2x8x1x128xf32> to vector<2x8x128xf32>
    %reduce_sum3A_12 = arith.constant dense<0.000000e+00> : vector<128xf32>
    %reduce_sum3A_13 = vector.multi_reduction <add>, %squeeze3A_11, %reduce_sum3A_12 [0, 1] : vector<2x8x128xf32> to vector<128xf32>
    %add3A = arith.addf %reduce_sum3A_9, %reduce_sum3A_13 : vector<128xf32>
    %slice3A_14 = vector.extract_strided_slice %get3A_3 {offsets = [0, 0, 1, 0], sizes = [2, 8, 1, 128], strides = [1, 1, 1, 1]} : vector<2x8x2x128xf32> to vector<2x8x1x128xf32>
    %squeeze3A_15 = vector.shape_cast %slice3A_14 : vector<2x8x1x128xf32> to vector<2x8x128xf32>
    %reduce_sum3A_16 = arith.constant dense<0.000000e+00> : vector<128xf32>
    %reduce_sum3A_17 = vector.multi_reduction <add>, %squeeze3A_15, %reduce_sum3A_16 [0, 1] : vector<2x8x128xf32> to vector<128xf32>
    %slice3A_18 = vector.extract_strided_slice %get3A_8 {offsets = [0, 0, 1, 0], sizes = [2, 8, 1, 128], strides = [1, 1, 1, 1]} : vector<2x8x2x128xf32> to vector<2x8x1x128xf32>
    %squeeze3A_19 = vector.shape_cast %slice3A_18 : vector<2x8x1x128xf32> to vector<2x8x128xf32>
    %reduce_sum3A_20 = arith.constant dense<0.000000e+00> : vector<128xf32>
    %reduce_sum3A_21 = vector.multi_reduction <add>, %squeeze3A_19, %reduce_sum3A_20 [0, 1] : vector<2x8x128xf32> to vector<128xf32>
    %add3A_22 = arith.addf %reduce_sum3A_17, %reduce_sum3A_21 : vector<128xf32>
    %div3A = arith.constant 8.192000e+03 : f32
    %div3A_23 = vector.broadcast %div3A : f32 to vector<128xf32>
    %div3A_24 = arith.divf %add3A, %div3A_23 : vector<128xf32>
    %div3A_25 = arith.constant 8.192000e+03 : f32
    %div3A_26 = vector.broadcast %div3A_25 : f32 to vector<128xf32>
    %div3A_27 = arith.divf %add3A_22, %div3A_26 : vector<128xf32>
    %mul3A = arith.mulf %div3A_24, %div3A_24 : vector<128xf32>
    %sub3A = arith.subf %div3A_27, %mul3A : vector<128xf32>
    %get3A_28 = arith.constant 0 : index
    %get3A_29 = arith.constant 0 : index
    %get3A_30 = vector.load %arg5[%get3A_28, %get3A_29] : memref<1x128xf32, #tpu.memory_space<vmem>>, vector<1x128xf32>
    %get3A_31 = vector.shape_cast %get3A_30 : vector<1x128xf32> to vector<128xf32>
    %add3A_32 = arith.constant 9.99999974E-6 : f32
    %add3A_33 = vector.broadcast %add3A_32 : f32 to vector<128xf32>
    %add3A_34 = arith.addf %sub3A, %add3A_33 : vector<128xf32>
    %rsqrt3A = math.rsqrt %add3A_34 : vector<128xf32>
    %mul3A_35 = arith.mulf %get3A_31, %rsqrt3A : vector<128xf32>
    %get3A_36 = arith.constant 0 : index
    %get3A_37 = arith.constant 0 : index
    %get3A_38 = vector.load %arg6[%get3A_36, %get3A_37] : memref<1x128xf32, #tpu.memory_space<vmem>>, vector<1x128xf32>
    %get3A_39 = vector.shape_cast %get3A_38 : vector<1x128xf32> to vector<128xf32>
    %mul3A_40 = arith.mulf %div3A_24, %mul3A_35 : vector<128xf32>
    %sub3A_41 = arith.subf %get3A_39, %mul3A_40 : vector<128xf32>
    %get3A_42 = arith.constant 0 : index
    %get3A_43 = arith.constant 0 : index
    %get3A_44 = arith.constant 0 : index
    %get3A_45 = vector.load %arg2[%get3A_42, %get3A_43, %get3A_44] : memref<1x256x128xf32, #tpu.memory_space<vmem>>, vector<1x256x128xf32>
    %get3A_46 = vector.shape_cast %get3A_45 : vector<1x256x128xf32> to vector<256x128xf32>
    %broadcast_in_dim3A = vector.shape_cast %mul3A_35 : vector<128xf32> to vector<1x128xf32>
    %mul3A_47 = vector.broadcast %broadcast_in_dim3A : vector<1x128xf32> to vector<256x128xf32>
    %mul3A_48 = arith.mulf %get3A_46, %mul3A_47 : vector<256x128xf32>
    %broadcast_in_dim3A_49 = vector.shape_cast %sub3A_41 : vector<128xf32> to vector<1x128xf32>
    %add3A_50 = vector.broadcast %broadcast_in_dim3A_49 : vector<1x128xf32> to vector<256x128xf32>
    %add3A_51 = arith.addf %mul3A_48, %add3A_50 : vector<256x128xf32>
    %max3A = arith.constant 0.000000e+00 : f32
    %max3A_52 = vector.broadcast %max3A : f32 to vector<256x128xf32>
    %max3A_53 = arith.maximumf %add3A_51, %max3A_52 : vector<256x128xf32>
    %transpose3A = tpu.transpose %max3A_53, [1, 0] : vector<256x128xf32> -> vector<128x256xf32>
    %swap3A = arith.constant 0 : index
    %swap3A_54 = arith.constant 0 : index
    %swap3A_55 = arith.constant 0 : index
    %swap3A_56 = vector.load %arg7[%swap3A, %swap3A_54, %swap3A_55] : memref<1x128x256xf32, #tpu.memory_space<vmem>>, vector<1x128x256xf32>
    %swap3A_57 = vector.shape_cast %swap3A_56 : vector<1x128x256xf32> to vector<128x256xf32>
    %swap3A_58 = vector.shape_cast %transpose3A : vector<128x256xf32> to vector<1x128x256xf32>
    tpu.vector_store %arg7[%swap3A, %swap3A_54, %swap3A_55], %swap3A_58 {strides = array<i32>} : memref<1x128x256xf32, #tpu.memory_space<vmem>>, vector<1x128x256xf32>,
    return
  }
  func.func @transform_0(%arg0: i32, %arg1: i32) -> (i32, i32, i32) {
    %c0_i32 = arith.constant 0 : i32
    %c0_i32_0 = arith.constant 0 : i32
    return %arg0, %arg1, %c0_i32 : i32, i32, i32
  }
  func.func @transform_1(%arg0: i32, %arg1: i32) -> (i32, i32, i32, i32) {
    %c0_i32 = arith.constant 0 : i32
    %c0_i32_0 = arith.constant 0 : i32
    %c0_i32_1 = arith.constant 0 : i32
    %c0_i32_2 = arith.constant 0 : i32
    %c0_i32_3 = arith.constant 0 : i32
    return %c0_i32, %c0_i32_0, %c0_i32_1, %c0_i32_2 : i32, i32, i32, i32
  }
  func.func @transform_2(%arg0: i32, %arg1: i32) -> (i32, i32, i32, i32) {
    %c0_i32 = arith.constant 0 : i32
    %c0_i32_0 = arith.constant 0 : i32
    %c0_i32_1 = arith.constant 0 : i32
    %c0_i32_2 = arith.constant 0 : i32
    %c0_i32_3 = arith.constant 0 : i32
    return %c0_i32, %c0_i32_0, %c0_i32_1, %c0_i32_2 : i32, i32, i32, i32
  }
  func.func @transform_3(%arg0: i32, %arg1: i32) -> (i32, i32) {
    %c0_i32 = arith.constant 0 : i32
    %c0_i32_0 = arith.constant 0 : i32
    %c0_i32_1 = arith.constant 0 : i32
    return %c0_i32, %c0_i32_0 : i32, i32
  }
  func.func @transform_4(%arg0: i32, %arg1: i32) -> (i32, i32) {
    %c0_i32 = arith.constant 0 : i32
    %c0_i32_0 = arith.constant 0 : i32
    %c0_i32_1 = arith.constant 0 : i32
    return %c0_i32, %c0_i32_0 : i32, i32
  }
  func.func @transform_5(%arg0: i32, %arg1: i32) -> (i32, i32, i32) {
    %c0_i32 = arith.constant 0 : i32
    %c0_i32_0 = arith.constant 0 : i32
    return %arg0, %c0_i32, %arg1 : i32, i32, i32
  }
}

</mosaic_0001>

<sc_bundles>
// kernel: kernel.12.cloned.1.call-start
scs
__scs_entry_jumppad:
0x0: {  	(pc) =	sbr.rel $0x88, $3  }
0x1: {  	(tag) =	ssettag $0x0;
	lr =	simm.s32 $0x1  }
0x2: {  	[smem:$0x3F98] =	sst lr;
	_ =	strace $0xD0000000  }
0x3: {  	_ = 	snop  }
0x4: {  	_ = 	snop  }
0x5: {  	_ = 	snop  }
0x6: {  	_ = 	snop  }
0x7: {  	_ = 	snop  }
__scs_overlays_trampoline_lowered:
0x8: {  	[smem:$0x3FA7] =	sst s0  }
0x9: {  	[smem:$0x3FA8] =	sst s1  }
0xa: {  	[smem:$0x3FA9] =	sst s2  }
0xb: {  	[smem:$0x3FAA] =	sst s3  }
0xc: {  	[smem:$0x3FAB] =	sst s4  }
0xd: {  	[smem:$0x3FAC] =	sst s5  }
0xe: {  	[smem:$0x3FAD] =	sst s6  }
0xf: {  	[smem:$0x3FAE] =	sst s7  }
0x10: {  	[smem:$0x3FAF] =	sst s8  }
0x11: {  	[smem:$0x3FB0] =	sst s9;
	s0 =	simm.s32 @!p0 $0x0  }
0x12: {  	s1 =	sld [smem:$0x3F96];
	s0 =	simm.s32 @p0 $0x1  }
0x13: {  	[smem:$0x3FB1] =	sst s0;
	s0 =	simm.s32 @!p1 $0x0  }
0x14: {  	s2 =	sld [smem:$0x3F95];
	s0 =	simm.s32 @p1 $0x1  }
0x15: {  	[smem:$0x3FB2] =	sst s0;
	s0 =	simm.s32 @!p2 $0x0  }
0x16: {  	s3 =	sld [smem:$0x3FDB];
	s0 =	simm.s32 @p2 $0x1  }
0x17: {  	s4 =	simm.s32 $0x1BF5;
	[smem:$0x3FB4] =	sst s0  }
0x18: {  	s0 =	sld [smem:$0x3F97];
	_ =	swait.ge [sflag:s4], $0x0  }
0x19: {  	s7 =	sld [smem:$0x3F98]  }
0x1a: {  	s8 =	sadd.s32 $0xFFFFE003, lr  }
0x1b: {  	s9 =	sadd.s32 $0xFFFFFEF7, lr;
	s5 =	simm.s32 $0xFFFFFFFF;
	p2 =	slt.u32 s8, $0xFFFFF086  }
0x1c: {  	p1 =	slt.u32 s9, $0xF7A;
	s5 =	simm.s32 @!p2 $0x0  }
0x1d: {  	s5 =	simm.s32 @p1 $0x1;
	p0 =	seq.s32 s7, s2  }
0x1e: {  	s7 =	smul.u32 @!p0 $0xF7A, s2;
	p2 =	seq.s32 @!p0 s5, $0x0  }
0x1f: {  	s9 =	smul.u32 $0xF7A, s1;
	s8 =	simm.s32 @!p0 $0x1BF5;
	p2 =	por !p2, p0  }
0x20: {  	[sflag:s8] =	ssyncset.s32 @!p0 $0xFFFFF086;
	s6 =	sadd.s32 @!p0 s3, s7;
	s7 =	simm.s32 @!p0 $0x108  }
0x21: {  	s3 =	sadd.s32 s3, s9;
	s6 =	sadd.s32 @!p0 $0x88, s6;
	s7 =	simm.s32 @p2 $0x1082  }
0x22: {  	[simem:s7], [sflag:s8] =	dma.local @!p0 [hbm:s6], $0xF7A  }
0x23: {  	s9 =	sor.u32 $0xD0000000, s2;
	s6 =	simm.s32 $0x108;
	_ =	swait.ge @!p0 [sflag:s8], $0x0  }
0x24: {  	s3 =	sadd.s32 $0x88, s3;
	s6 =	simm.s32 @!p1 $0x1082;
	[sflag:s4] =	ssyncset.s32 $0xFFFFF086  }
0x25: {  	[simem:s6], [sflag:s4] =	dma.local [hbm:s3], $0xF7A  }
0x26: {  	[smem:$0x3F98] =	sst s1;
	(tag) =	ssettag s2;
	_ =	strace s9  }
0x27: {  	s1 =	sld [smem:$0x3FA8]  }
0x28: {  	s2 =	sld [smem:$0x3FA9]  }
0x29: {  	s4 =	sld [smem:$0x3FAB]  }
0x2a: {  	p0 =	seq.s32 s5, $0x0;
	s5 =	sld [smem:$0x3FAC]  }
0x2b: {  	s6 =	sld [smem:$0x3FAD]  }
0x2c: {  	s7 =	sld [smem:$0x3FAE]  }
0x2d: {  	s3 =	simm.s32 $0x108;
	s8 =	sld [smem:$0x3FAF]  }
0x2e: {  	s3 =	simm.s32 @!p0 $0x1082;
	s9 =	sld [smem:$0x3FB0]  }
0x2f: {  	lr =	sadd.s32 s0, s3;
	s0 =	sld [smem:$0x3FA7]  }
0x30: {  	s3 =	sld [smem:$0x3FAA]  }
0x31: {  	[smem:$0x3FB3] =	sst s10  }
0x32: {  	s10 =	sld [smem:$0x3FB1];
	_ =	sdelay $0x3  }
0x33: {  	p0 =	seq.s32 s10, $0x1;
	s10 =	sld [smem:$0x3FB3];
	_ =	sdelay $0x3  }
0x34: {  	[smem:$0x3FB3] =	sst s10  }
0x35: {  	s10 =	sld [smem:$0x3FB2];
	_ =	sdelay $0x3  }
0x36: {  	p1 =	seq.s32 s10, $0x1;
	s10 =	sld [smem:$0x3FB3];
	_ =	sdelay $0x3  }
0x37: {  	[smem:$0x3FB3] =	sst s10  }
0x38: {  	s10 =	sld [smem:$0x3FB4]  }
0x39: {  	_ = 	snop;
	(pc) =	sbr.ind lr, $3  }
0x3a: {  	_ = 	snop  }
0x3b: {  	_ = 	snop  }
0x3c: {  	p2 =	seq.s32 s10, $0x1;
	s10 =	sld [smem:$0x3FB3]  }
0x3d: {  	_ =	shalt  }
0x3e: {  	_ =	shalt  }
0x3f: {  	_ =	shalt  }
0x40: {  	_ =	shalt  }
0x41: {  	_ =	shalt  }
0x42: {  	_ =	shalt  }
0x43: {  	_ =	shalt  }
0x44: {  	_ =	shalt  }
0x45: {  	_ =	shalt  }
0x46: {  	_ =	shalt  }
0x47: {  	_ =	shalt  }
0x48: {  	_ =	shalt  }
0x49: {  	_ =	shalt  }
0x4a: {  	_ =	shalt  }
0x4b: {  	_ =	shalt  }
0x4c: {  	_ =	shalt  }
0x4d: {  	_ =	shalt  }
0x4e: {  	_ =	shalt  }
0x4f: {  	_ =	shalt  }
0x50: {  	_ =	shalt  }
0x51: {  	_ =	shalt  }
0x52: {  	_ =	shalt  }
0x53: {  	_ =	shalt  }
0x54: {  	_ =	shalt  }
0x55: {  	_ =	shalt  }
0x56: {  	_ =	shalt  }
0x57: {  	_ =	shalt  }
0x58: {  	_ =	shalt  }
0x59: {  	_ =	shalt  }
0x5a: {  	_ =	shalt  }
0x5b: {  	_ =	shalt  }
0x5c: {  	_ =	shalt  }
0x5d: {  	_ =	shalt  }
0x5e: {  	_ =	shalt  }
0x5f: {  	_ =	shalt  }
0x60: {  	_ =	shalt  }
0x61: {  	_ =	shalt  }
0x62: {  	_ =	shalt  }
0x63: {  	_ =	shalt  }
0x64: {  	_ =	shalt  }
0x65: {  	_ =	shalt  }
0x66: {  	_ =	shalt  }
0x67: {  	_ =	shalt  }
0x68: {  	_ =	shalt  }
0x69: {  	_ =	shalt  }
0x6a: {  	_ =	shalt  }
0x6b: {  	_ =	shalt  }
0x6c: {  	_ =	shalt  }
0x6d: {  	_ =	shalt  }
0x6e: {  	_ =	shalt  }
0x6f: {  	_ =	shalt  }
0x70: {  	_ =	shalt  }
0x71: {  	_ =	shalt  }
0x72: {  	_ =	shalt  }
0x73: {  	_ =	shalt  }
0x74: {  	_ =	shalt  }
0x75: {  	_ =	shalt  }
0x76: {  	_ =	shalt  }
0x77: {  	_ =	shalt  }
0x78: {  	_ =	shalt  }
0x79: {  	_ =	shalt  }
0x7a: {  	_ =	shalt  }
0x7b: {  	_ =	shalt  }
0x7c: {  	_ =	shalt  }
0x7d: {  	_ =	shalt  }
0x7e: {  	_ =	shalt  }
0x7f: {  	_ =	shalt  }
0x80: {  	_ =	shalt  }
0x81: {  	_ =	shalt  }
0x82: {  	_ =	shalt  }
0x83: {  	_ =	shalt  }
0x84: {  	_ =	shalt  }
0x85: {  	_ =	shalt  }
0x86: {  	_ =	shalt  }
0x87: {  	_ =	shalt  }
.Lfunc_end0:
.L_simem_size_0:
called_computation_lowered:
.L_overlay_start_0:
0x88: {  	s2 =	sld [smem:$0x3FD9]  }
0x89: {  	s3 =	sld [smem:$0x3FFE];
	_ =	sdelay $0x1  }
0x8a: {  	s1 =	srdreg.scid  }
0x8b: {  	s0 =	sand.u32 $0x1, s1  }
0x8c: {  	s17 =	sshll.u32 s0, $0xA;
	s2 =	sadd.s32 s3, s2  }
0x8d: {  	s2 =	sadd.s32 s2, s17  }
0x8e: {  	[smem:$0x3FBF] =	sst s2  }
0x8f: {  	_ = 	snop  }
0x90: {  	s2 =	sld [smem:$0x3FD0];
	(tm) =	ssettm $0x1  }
0x91: {  	s18 =	sld [smem:$0x3FFB];
	_ =	sdelay $0x3  }
0x92: {  	_ =	strace s18  }
0x93: {  	s3 =	sld [smem:$0x3FFC];
	_ =	sdelay $0x3  }
0x94: {  	_ =	strace s3  }
0x95: {  	s3 =	sld [smem:$0x3FFD];
	_ =	sdelay $0x3  }
0x96: {  	_ =	strace s3  }
0x97: {  	_ =	strace $0x8FFFFFFF  }
0x98: {  	s19 =	sld [smem:$0x3FDB];
	_ =	sdelay $0x1  }
0x99: {  	s4 =	simm.s32 $_scs_section_size  }
0x9a: {  	s5 =	simm.s32 $_size__tile_overlayer_lowered;
	s6 =	simm.s32 $_tile_overlayer_lowered  }
0x9b: {  	s22 =	simm.s32 $0x1BFF;
	s21 =	sshll.u32 s6, $0x1;
	s3 =	sadd.s32 s4, s19  }
0x9c: {  	s7 =	simm.s32 $0x0;
	s20 =	sshll.u32 s5, $0x1;
	s5 =	sadd.s32 s21, s3  }
0x9d: {  	[timem:s7], [sflag:s22] =	dma.local [hbm:s5], s20  }
0x9e: {  	_ =	swait.ge [sflag:s22], s20  }
0x9f: {  	s4 =	ssub.s32 $0x0, s20;
	[sflag:s22] =	ssyncset.done $0x0  }
0xa0: {  	[sflag:s22] =	ssyncadd.s32 s4;
	_ =	sdelay $0x1  }
0xa1: {  	s23 =	simm.s32 $0x1B8B  }
0xa2: {  	_ =	swait.ge [sflag:s23], $0x1  }
0xa3: {  	[sflag:s23] =	ssyncset.done $0x0  }
0xa4: {  	s25 =	simm.s32 $0x1B8E;
	s24 =	sld [smem:$0x3FFE];
	[sflag:s23] =	ssyncadd.s32 $0xFFFFFFFF  }
0xa5: {  	s26 =	simm.s32 $execute0_lowered;
	[smem:$0x3FD2] =	sst s25  }
0xa6: {  	s5 =	sshll.u32 s26, $0x1;
	_ =	strace $0x80000046;
	[dreg:$0x1] =	wrdreg $0xFFFFFFFF  }
0xa7: {  	s28 =	simm.s32 $_size_execute0_lowered;
	s3 =	sadd.s32 s3, s5;
	[dreg:$0x0] =	wrdreg $0x0  }
0xa8: {  	s5 =	sshll.u32 s28, $0x1;
	[dreg:$0x2] =	wrdreg s3  }
0xa9: {  	[dreg:$0x3] =	wrdreg s5  }
0xaa: {  	[dreg:$0x4] =	wrdreg $0xC0  }
0xab: {  	_ =	task [dreg:s7], $0x5FFFF  }
0xac: {  	[dreg:$0x1] =	wrdreg $0xFFFFFFFF  }
0xad: {  	[dreg:$0x0] =	wrdreg $0x60  }
0xae: {  	[dreg:$0x2] =	wrdreg s2  }
0xaf: {  	[dreg:$0x3] =	wrdreg s24  }
0xb0: {  	[dreg:$0x4] =	wrdreg $0x9  }
0xb1: {  	_ =	task.clear_ibuf [dreg:s7], $0x5FFFF;
	_ =	strace $0x90000046  }
0xb2: {  	s29 =	simm.s32 $0x9;
	_ =	strace $0x80000048  }
0xb3: {  	_ =	swait.ge [sflag:s29], $0x1  }
0xb4: {  	[sflag:s29] =	ssyncadd.s32 $0xFFFFFFFF  }
0xb5: {  	_ =	strace $0x90000048  }
0xb6: {  	_ =	sfence  }
0xb7: {  	s30 =	sld [smem:$0x0];
	_ =	sdelay $0x2  }
0xb8: {  	s31 =	sshll.u32 s1, $0xD;
	s1 =	sshrl.u32 s1, $0x2  }
0xb9: {  	s3 =	sand.u32 $0x4000, s31;
	s1 =	sadd.s32 s1, s30  }
0xba: {  	s0 =	sor.u32 s3, s0;
	s1 =	sshll.u32 s1, $0x11  }
0xbb: {  	s0 =	sor.u32 s1, s0  }
0xbc: {  	s0 =	sadd.s32 $0x8F2B, s0  }
0xbd: {  	[sflag:s0] =	ssyncadd.remote.s32 $0x1  }
0xbe: {  	_ =	sfence.sel $0xFFFF  }
0xbf: {  	[dreg:$0x0] =	wrdreg $0xFFFFFFFF;
	(pc) =	sbr.abs _section_cstart, $3  }
0xc0: {  	[dreg:$0x1] =	wrdreg $0xFFFFFFFF  }
0xc1: {  	_ =	task.clear_ibuf [dreg:s7], $0x2FFFF;
	_ =	strace $0x9FFFFFFF  }
0xc2: {  	(tm) =	ssettm $0x7FFFFFFF  }
0xc3: {  	_ =	shalt  }
tec
execute0_lowered:
.L_overlay_start_1:
0x0: {  	(tag) =	ssettag $0x1  }
0x1: {  	s1 =	srdreg.scid;
	s0 =	stileid.u32  }
0x2: {  	s29 =	sand.u32 $0x1, s1;
	s31 =	sshll.u32 s0, $0x1  }
0x3: {  	s14 =	sor.u32 s29, s31  }
0x4: {  	s2 =	rddreg [dreg:$0x0];
	s4 =	smul.u32 $0x90, s14  }
0x5: {  	s12 =	rddreg [dreg:$0x1]  }
0x6: {  	s3 =	simm.s32 $0x0;
	s1 =	rddreg [dreg:$0x2];
	s4 =	sand.u32 $0x1F80, s4  }
0x7: {  	[smem:$0x7FF] =	sst s3;
	s4 =	sadd.s32 s4, s12  }
0x8: {  	_ =	strace $0x80000047;
	s5 =	sadd.s32 $0x2800, s4;
	s4 =	simm.s32 $0x3  }
0x9: {  	[tilespmem:s3], [sflag:$0x3] =	stream.linear.gather [hbm4b:s5+s3], $0x800, $0x38;
	[tilespmem:$0x8800] =	vst v63  }
0xa: {  	_ =	swait.ge [sflag:s4], $0x800  }
0xb: {  	s7 =	simm.s32 $0x80;
	s6 =	sshll.u32 s14, $0x7;
	[sflag:s4] =	ssyncset.done $0x0  }
0xc: {  	s8 =	simm.s32 $0x800;
	s6 =	sand.u32 $0x380, s6;
	[sflag:s4] =	ssyncadd.s32 $0xFFFFF800  }
0xd: {  	[tilespmem:s8], [sflag:$0x1] =	stream.indirect.gather [hbm4b:s2+s7], $0x80, s6, s7, $0xb8;
	[tilespmem:$0x8800] =	vst v63  }
0xe: {  	s10 =	simm.s32 $0x4800;
	s11 =	simm.s32 $0x1;
	s9 =	sadd.s32 $0x80, s6  }
0xf: {  	[tilespmem:s10], [sflag:$0x2] =	stream.indirect.gather [hbm4b:s2+s7], $0x80, s9, s7, $0xb8;
	[tilespmem:$0x8800] =	vst v63  }
0x10: {  	_ =	swait.ge [sflag:s11], $0x4000  }
0x11: {  	s16 =	sadd.s32 $0x3A00, s12;
	[sflag:s11] =	ssyncset.done $0x0  }
0x12: {  	s13 =	smul.u32 $0x4800, s14;
	s12 =	sadd.s32 $0x100, s6;
	[sflag:s11] =	ssyncadd.s32 $0xFFFFC000  }
0x13: {  	[tilespmem:s8], [sflag:$0x1] =	stream.indirect.gather [hbm4b:s2+s7], $0x80, s12, s7, $0xb8;
	[tilespmem:$0x8800] =	vst v63  }
0x14: {  	s13 =	sadd.s32 s16, s13  }
0x15: {  	[hbm4b:s13+s3] =	stream.linear.scatter [tilespmem:s8], [sflag:$0x3], $0x4000, $0x38;
	[tilespmem:$0x8800] =	vst v63  }
0x16: {  	_ =	swait.ge [sflag:s4], $0x4000  }
0x17: {  	[sflag:s4] =	ssyncset.done $0x0  }
0x18: {  	s15 =	smul.u32 $0x24000, s14;
	s14 =	simm.s32 $0x2;
	[sflag:s4] =	ssyncadd.s32 $0xFFFFC000  }
0x19: {  	_ =	swait.ge [sflag:s14], $0x4000  }
0x1a: {  	s17 =	sshrl.u32 s15, $0x3;
	[sflag:s14] =	ssyncset.done $0x0  }
0x1b: {  	s15 =	sadd.s32 $0x180, s6;
	s30 =	sadd.s32 s16, s17;
	[sflag:s14] =	ssyncadd.s32 $0xFFFFC000  }
0x1c: {  	[tilespmem:s10], [sflag:$0x2] =	stream.indirect.gather [hbm4b:s2+s7], $0x80, s15, s7, $0xb8;
	[tilespmem:$0x8800] =	vst v63  }
0x1d: {  	s16 =	sadd.s32 $0x800, s30  }
0x1e: {  	[hbm4b:s16+s3] =	stream.linear.scatter [tilespmem:s10], [sflag:$0x3], $0x4000, $0x38;
	[tilespmem:$0x8800] =	vst v63  }
0x1f: {  	_ =	swait.ge [sflag:s4], $0x4000  }
0x20: {  	[sflag:s4] =	ssyncset.done $0x0  }
0x21: {  	[sflag:s4] =	ssyncadd.s32 $0xFFFFC000  }
0x22: {  	_ =	swait.ge [sflag:s11], $0x4000  }
0x23: {  	[sflag:s11] =	ssyncset.done $0x0  }
0x24: {  	s17 =	sadd.s32 $0x200, s6;
	[sflag:s11] =	ssyncadd.s32 $0xFFFFC000  }
0x25: {  	[tilespmem:s8], [sflag:$0x1] =	stream.indirect.gather [hbm4b:s2+s7], $0x80, s17, s7, $0xb8;
	[tilespmem:$0x8800] =	vst v63  }
0x26: {  	s18 =	sadd.s32 $0x1000, s30  }
0x27: {  	[hbm4b:s18+s3] =	stream.linear.scatter [tilespmem:s8], [sflag:$0x3], $0x4000, $0x38;
	[tilespmem:$0x8800] =	vst v63  }
0x28: {  	_ =	swait.ge [sflag:s4], $0x4000  }
0x29: {  	[sflag:s4] =	ssyncset.done $0x0  }
0x2a: {  	[sflag:s4] =	ssyncadd.s32 $0xFFFFC000  }
0x2b: {  	_ =	swait.ge [sflag:s14], $0x4000  }
0x2c: {  	[sflag:s14] =	ssyncset.done $0x0  }
0x2d: {  	s19 =	sadd.s32 $0x280, s6;
	[sflag:s14] =	ssyncadd.s32 $0xFFFFC000  }
0x2e: {  	[tilespmem:s10], [sflag:$0x2] =	stream.indirect.gather [hbm4b:s2+s7], $0x80, s19, s7, $0xb8;
	[tilespmem:$0x8800] =	vst v63  }
0x2f: {  	s20 =	sadd.s32 $0x1800, s30  }
0x30: {  	[hbm4b:s20+s3] =	stream.linear.scatter [tilespmem:s10], [sflag:$0x3], $0x4000, $0x38;
	[tilespmem:$0x8800] =	vst v63  }
0x31: {  	_ =	swait.ge [sflag:s4], $0x4000  }
0x32: {  	[sflag:s4] =	ssyncset.done $0x0  }
0x33: {  	[sflag:s4] =	ssyncadd.s32 $0xFFFFC000  }
0x34: {  	_ =	swait.ge [sflag:s11], $0x4000  }
0x35: {  	[sflag:s11] =	ssyncset.done $0x0  }
0x36: {  	s21 =	sadd.s32 $0x300, s6;
	[sflag:s11] =	ssyncadd.s32 $0xFFFFC000  }
0x37: {  	[tilespmem:s8], [sflag:$0x1] =	stream.indirect.gather [hbm4b:s2+s7], $0x80, s21, s7, $0xb8;
	[tilespmem:$0x8800] =	vst v63  }
0x38: {  	s22 =	sadd.s32 $0x2000, s30  }
0x39: {  	[hbm4b:s22+s3] =	stream.linear.scatter [tilespmem:s8], [sflag:$0x3], $0x4000, $0x38;
	[tilespmem:$0x8800] =	vst v63  }
0x3a: {  	_ =	swait.ge [sflag:s4], $0x4000  }
0x3b: {  	[sflag:s4] =	ssyncset.done $0x0  }
0x3c: {  	[sflag:s4] =	ssyncadd.s32 $0xFFFFC000  }
0x3d: {  	_ =	swait.ge [sflag:s14], $0x4000  }
0x3e: {  	[sflag:s14] =	ssyncset.done $0x0  }
0x3f: {  	s23 =	sadd.s32 $0x380, s6;
	[sflag:s14] =	ssyncadd.s32 $0xFFFFC000  }
0x40: {  	[tilespmem:s10], [sflag:$0x2] =	stream.indirect.gather [hbm4b:s2+s7], $0x80, s23, s7, $0xb8;
	[tilespmem:$0x8800] =	vst v63  }
0x41: {  	s24 =	sadd.s32 $0x2800, s30  }
0x42: {  	[hbm4b:s24+s3] =	stream.linear.scatter [tilespmem:s10], [sflag:$0x3], $0x4000, $0x38;
	[tilespmem:$0x8800] =	vst v63  }
0x43: {  	_ =	swait.ge [sflag:s4], $0x4000  }
0x44: {  	[sflag:s4] =	ssyncset.done $0x0  }
0x45: {  	[sflag:s4] =	ssyncadd.s32 $0xFFFFC000  }
0x46: {  	_ =	swait.ge [sflag:s11], $0x4000  }
0x47: {  	[sflag:s11] =	ssyncset.done $0x0  }
0x48: {  	s25 =	sor.u32 $0x400, s6;
	[sflag:s11] =	ssyncadd.s32 $0xFFFFC000  }
0x49: {  	[tilespmem:s8], [sflag:$0x1] =	stream.indirect.gather [hbm4b:s2+s7], $0x80, s25, s7, $0xb8;
	[tilespmem:$0x8800] =	vst v63  }
0x4a: {  	s26 =	sadd.s32 $0x3000, s30  }
0x4b: {  	[hbm4b:s26+s3] =	stream.linear.scatter [tilespmem:s8], [sflag:$0x3], $0x4000, $0x38;
	[tilespmem:$0x8800] =	vst v63  }
0x4c: {  	_ =	swait.ge [sflag:s4], $0x4000  }
0x4d: {  	[sflag:s4] =	ssyncset.done $0x0  }
0x4e: {  	[sflag:s4] =	ssyncadd.s32 $0xFFFFC000  }
0x4f: {  	_ =	swait.ge [sflag:s14], $0x4000  }
0x50: {  	[sflag:s14] =	ssyncset.done $0x0  }
0x51: {  	s29 =	ssub.s32 $0x2, s29;
	s28 =	sadd.s32 $0x3800, s30;
	[sflag:s14] =	ssyncadd.s32 $0xFFFFC000  }
0x52: {  	[hbm4b:s28+s3] =	stream.linear.scatter [tilespmem:s10], [sflag:$0x3], $0x4000, $0x38;
	[tilespmem:$0x8800] =	vst v63  }
0x53: {  	s31 =	sshrl.u32 s29, $0x1;
	_ =	swait.ge [sflag:s4], $0x4000  }
0x54: {  	s31 =	ssub.s32 s29, s31;
	[sflag:s4] =	ssyncset.done $0x0  }
0x55: {  	s29 =	sadd.s32 $0x4000, s30;
	s30 =	smax.u32 s31, $0x1;
	[sflag:s4] =	ssyncadd.s32 $0xFFFFC000  }
0x56: {  	p0 =	sne.s32 s30, $0x1;
	_ =	swait.ge [sflag:s11], $0x4000  }
.Ltmp0:
0x57: {  	[sflag:s11] =	ssyncset.done $0x0;
	(pc) =	sbr.rel @!p0 .LBB2_2-.Ltmp0, $4  }
0x58: {  	[sflag:s11] =	ssyncadd.s32 $0xFFFFC000  }
0x59: {  	[hbm4b:s29+s3] =	stream.linear.scatter [tilespmem:s8], [sflag:$0x3], $0x4000, $0x38;
	[tilespmem:$0x8800] =	vst v63  }
0x5a: {  	_ =	swait.ge [sflag:s4], $0x4000  }
0x5b: {  	s30 =	sadd.s32 $0xFFFFFFFF, s30;
	[sflag:s4] =	ssyncset.done $0x0  }
.LBB2_1:
0x5c: {  	p0 =	sne.s32 s30, $0x1;
	s30 =	sadd.s32 $0xFFFFFFFF, s30;
	[sflag:s4] =	ssyncadd.s32 $0xFFFFC000  }
0x5d: {  	[tilespmem:s3], [sflag:$0x3] =	stream.linear.gather [hbm4b:s5+s3], $0x800, $0x38;
	[tilespmem:$0x8800] =	vst v63  }
0x5e: {  	_ =	swait.ge [sflag:s4], $0x800  }
0x5f: {  	[sflag:s4] =	ssyncset.done $0x0  }
0x60: {  	[sflag:s4] =	ssyncadd.s32 $0xFFFFF800  }
0x61: {  	[tilespmem:s8], [sflag:$0x1] =	stream.indirect.gather [hbm4b:s2+s7], $0x80, s6, s7, $0xb8;
	[tilespmem:$0x8800] =	vst v63  }
0x62: {  	_ = 	snop  }
0x63: {  	[tilespmem:s10], [sflag:$0x2] =	stream.indirect.gather [hbm4b:s2+s7], $0x80, s9, s7, $0xb8;
	[tilespmem:$0x8800] =	vst v63  }
0x64: {  	_ =	swait.ge [sflag:s11], $0x4000  }
0x65: {  	[sflag:s11] =	ssyncset.done $0x0  }
0x66: {  	[sflag:s11] =	ssyncadd.s32 $0xFFFFC000  }
0x67: {  	[tilespmem:s8], [sflag:$0x1] =	stream.indirect.gather [hbm4b:s2+s7], $0x80, s12, s7, $0xb8;
	[tilespmem:$0x8800] =	vst v63  }
0x68: {  	_ = 	snop  }
0x69: {  	[hbm4b:s13+s3] =	stream.linear.scatter [tilespmem:s8], [sflag:$0x3], $0x4000, $0x38;
	[tilespmem:$0x8800] =	vst v63  }
0x6a: {  	_ =	swait.ge [sflag:s4], $0x4000  }
0x6b: {  	[sflag:s4] =	ssyncset.done $0x0  }
0x6c: {  	[sflag:s4] =	ssyncadd.s32 $0xFFFFC000  }
0x6d: {  	_ =	swait.ge [sflag:s14], $0x4000  }
0x6e: {  	[sflag:s14] =	ssyncset.done $0x0  }
0x6f: {  	[sflag:s14] =	ssyncadd.s32 $0xFFFFC000  }
0x70: {  	[tilespmem:s10], [sflag:$0x2] =	stream.indirect.gather [hbm4b:s2+s7], $0x80, s15, s7, $0xb8;
	[tilespmem:$0x8800] =	vst v63  }
0x71: {  	_ = 	snop  }
0x72: {  	[hbm4b:s16+s3] =	stream.linear.scatter [tilespmem:s10], [sflag:$0x3], $0x4000, $0x38;
	[tilespmem:$0x8800] =	vst v63  }
0x73: {  	_ =	swait.ge [sflag:s4], $0x4000  }
0x74: {  	[sflag:s4] =	ssyncset.done $0x0  }
0x75: {  	[sflag:s4] =	ssyncadd.s32 $0xFFFFC000  }
0x76: {  	_ =	swait.ge [sflag:s11], $0x4000  }
0x77: {  	[sflag:s11] =	ssyncset.done $0x0  }
0x78: {  	[sflag:s11] =	ssyncadd.s32 $0xFFFFC000  }
0x79: {  	[tilespmem:s8], [sflag:$0x1] =	stream.indirect.gather [hbm4b:s2+s7], $0x80, s17, s7, $0xb8;
	[tilespmem:$0x8800] =	vst v63  }
0x7a: {  	_ = 	snop  }
0x7b: {  	[hbm4b:s18+s3] =	stream.linear.scatter [tilespmem:s8], [sflag:$0x3], $0x4000, $0x38;
	[tilespmem:$0x8800] =	vst v63  }
0x7c: {  	_ =	swait.ge [sflag:s4], $0x4000  }
0x7d: {  	[sflag:s4] =	ssyncset.done $0x0  }
0x7e: {  	[sflag:s4] =	ssyncadd.s32 $0xFFFFC000  }
0x7f: {  	_ =	swait.ge [sflag:s14], $0x4000  }
0x80: {  	[sflag:s14] =	ssyncset.done $0x0  }
0x81: {  	[sflag:s14] =	ssyncadd.s32 $0xFFFFC000  }
0x82: {  	[tilespmem:s10], [sflag:$0x2] =	stream.indirect.gather [hbm4b:s2+s7], $0x80, s19, s7, $0xb8;
	[tilespmem:$0x8800] =	vst v63  }
0x83: {  	_ = 	snop  }
0x84: {  	[hbm4b:s20+s3] =	stream.linear.scatter [tilespmem:s10], [sflag:$0x3], $0x4000, $0x38;
	[tilespmem:$0x8800] =	vst v63  }
0x85: {  	_ =	swait.ge [sflag:s4], $0x4000  }
0x86: {  	[sflag:s4] =	ssyncset.done $0x0  }
0x87: {  	[sflag:s4] =	ssyncadd.s32 $0xFFFFC000  }
0x88: {  	_ =	swait.ge [sflag:s11], $0x4000  }
0x89: {  	[sflag:s11] =	ssyncset.done $0x0  }
0x8a: {  	[sflag:s11] =	ssyncadd.s32 $0xFFFFC000  }
0x8b: {  	[tilespmem:s8], [sflag:$0x1] =	stream.indirect.gather [hbm4b:s2+s7], $0x80, s21, s7, $0xb8;
	[tilespmem:$0x8800] =	vst v63  }
0x8c: {  	_ = 	snop  }
0x8d: {  	[hbm4b:s22+s3] =	stream.linear.scatter [tilespmem:s8], [sflag:$0x3], $0x4000, $0x38;
	[tilespmem:$0x8800] =	vst v63  }
0x8e: {  	_ =	swait.ge [sflag:s4], $0x4000  }
0x8f: {  	[sflag:s4] =	ssyncset.done $0x0  }
0x90: {  	[sflag:s4] =	ssyncadd.s32 $0xFFFFC000  }
0x91: {  	_ =	swait.ge [sflag:s14], $0x4000  }
0x92: {  	[sflag:s14] =	ssyncset.done $0x0  }
0x93: {  	[sflag:s14] =	ssyncadd.s32 $0xFFFFC000  }
0x94: {  	[tilespmem:s10], [sflag:$0x2] =	stream.indirect.gather [hbm4b:s2+s7], $0x80, s23, s7, $0xb8;
	[tilespmem:$0x8800] =	vst v63  }
0x95: {  	_ = 	snop  }
0x96: {  	[hbm4b:s24+s3] =	stream.linear.scatter [tilespmem:s10], [sflag:$0x3], $0x4000, $0x38;
	[tilespmem:$0x8800] =	vst v63  }
0x97: {  	_ =	swait.ge [sflag:s4], $0x4000  }
0x98: {  	[sflag:s4] =	ssyncset.done $0x0  }
0x99: {  	[sflag:s4] =	ssyncadd.s32 $0xFFFFC000  }
0x9a: {  	_ =	swait.ge [sflag:s11], $0x4000  }
0x9b: {  	[sflag:s11] =	ssyncset.done $0x0  }
0x9c: {  	[sflag:s11] =	ssyncadd.s32 $0xFFFFC000  }
0x9d: {  	[tilespmem:s8], [sflag:$0x1] =	stream.indirect.gather [hbm4b:s2+s7], $0x80, s25, s7, $0xb8;
	[tilespmem:$0x8800] =	vst v63  }
0x9e: {  	_ = 	snop  }
0x9f: {  	[hbm4b:s26+s3] =	stream.linear.scatter [tilespmem:s8], [sflag:$0x3], $0x4000, $0x38;
	[tilespmem:$0x8800] =	vst v63  }
0xa0: {  	_ =	swait.ge [sflag:s4], $0x4000  }
0xa1: {  	[sflag:s4] =	ssyncset.done $0x0  }
0xa2: {  	[sflag:s4] =	ssyncadd.s32 $0xFFFFC000  }
0xa3: {  	_ =	swait.ge [sflag:s14], $0x4000  }
0xa4: {  	[sflag:s14] =	ssyncset.done $0x0  }
0xa5: {  	[sflag:s14] =	ssyncadd.s32 $0xFFFFC000  }
0xa6: {  	[hbm4b:s28+s3] =	stream.linear.scatter [tilespmem:s10], [sflag:$0x3], $0x4000, $0x38;
	[tilespmem:$0x8800] =	vst v63  }
0xa7: {  	_ =	swait.ge [sflag:s4], $0x4000  }
0xa8: {  	[sflag:s4] =	ssyncset.done $0x0  }
0xa9: {  	[sflag:s4] =	ssyncadd.s32 $0xFFFFC000  }
0xaa: {  	_ =	swait.ge [sflag:s11], $0x4000  }
.Ltmp1:
0xab: {  	[sflag:s11] =	ssyncset.done $0x0;
	(pc) =	sbr.rel @p0 .LBB2_1-.Ltmp1, $4  }
0xac: {  	[sflag:s11] =	ssyncadd.s32 $0xFFFFC000  }
0xad: {  	[hbm4b:s29+s3] =	stream.linear.scatter [tilespmem:s8], [sflag:$0x3], $0x4000, $0x38;
	[tilespmem:$0x8800] =	vst v63  }
0xae: {  	_ =	swait.ge [sflag:s4], $0x4000  }
0xaf: {  	[sflag:s4] =	ssyncset.done $0x0  }
.LBB2_2:
0xb0: {  	[sflag:s4] =	ssyncadd.s32 $0xFFFFC000  }
0xb1: {  	_ =	sfence.sel $0x180000  }
0xb2: {  	[bflag:$0x0] =	sbarrier.arrive $0xFFFF  }
0xb3: {  	p0 =	sne.s32 s0, $0x0;
	_ =	strace $0x90000047  }
0xb4: {  	s0 =	sadd.s32 @!p0 $0x100000, s1;
	[bflag:$0x2] =	sbarrier.arrive $0xFFFF  }
0xb5: {  	[sflag:s0] =	ssyncadd.tile.s32 @!p0 $0x1;
	_ =	shalt  }
.Lfunc_end2:
_tile_overlayer_lowered:
.L_overlay_start_2:
0xb6: {  	(tag) =	ssettag $0x2  }
0xb7: {  	s0 =	rddreg [dreg:$0x0];
	s2 =	stileid.u32  }
0xb8: {  	s1 =	rddreg [dreg:$0x1];
	p0 =	sne.s32 s2, $0x0  }
0xb9: {  	s3 =	rddreg [dreg:$0x2];
	[bflag:$0x3] =	sbarrier.arrive $0xFFFF;
	s2 =	simm.s32 @!p0 $0x1C03  }
0xba: {  	[timem:s3], [sflag:s2] =	dma.local @!p0 [hbm:s0], s1  }
0xbb: {  	s0 =	simm.s32 @!p0 $0x3  }
0xbc: {  	_ =	swait.ge @!p0 [sflag:s0], s1  }
0xbd: {  	s1 =	ssub.s32 @!p0 $0x0, s1;
	[sflag:s0] =	ssyncset.done @!p0 $0x0  }
0xbe: {  	[sflag:s0] =	ssyncadd.s32 @!p0 s1  }
0xbf: {  	[bflag:$0x3] =	sbarrier.arrive $0xFFFF  }
0xc0: {  	_ =	shalt  }

// kernel: kernel.15.cloned.1.call-start
scs
__scs_entry_jumppad:
0x0: {  	(pc) =	sbr.rel $0x88, $3  }
0x1: {  	(tag) =	ssettag $0x0;
	lr =	simm.s32 $0x1  }
0x2: {  	[smem:$0x3F98] =	sst lr;
	_ =	strace $0xD0000000  }
0x3: {  	_ = 	snop  }
0x4: {  	_ = 	snop  }
0x5: {  	_ = 	snop  }
0x6: {  	_ = 	snop  }
0x7: {  	_ = 	snop  }
__scs_overlays_trampoline_lowered:
0x8: {  	[smem:$0x3FA7] =	sst s0  }
0x9: {  	[smem:$0x3FA8] =	sst s1  }
0xa: {  	[smem:$0x3FA9] =	sst s2  }
0xb: {  	[smem:$0x3FAA] =	sst s3  }
0xc: {  	[smem:$0x3FAB] =	sst s4  }
0xd: {  	[smem:$0x3FAC] =	sst s5  }
0xe: {  	[smem:$0x3FAD] =	sst s6  }
0xf: {  	[smem:$0x3FAE] =	sst s7  }
0x10: {  	[smem:$0x3FAF] =	sst s8  }
0x11: {  	[smem:$0x3FB0] =	sst s9;
	s0 =	simm.s32 @!p0 $0x0  }
0x12: {  	s1 =	sld [smem:$0x3F96];
	s0 =	simm.s32 @p0 $0x1  }
0x13: {  	[smem:$0x3FB1] =	sst s0;
	s0 =	simm.s32 @!p1 $0x0  }
0x14: {  	s2 =	sld [smem:$0x3F95];
	s0 =	simm.s32 @p1 $0x1  }
0x15: {  	[smem:$0x3FB2] =	sst s0;
	s0 =	simm.s32 @!p2 $0x0  }
0x16: {  	s3 =	sld [smem:$0x3FDB];
	s0 =	simm.s32 @p2 $0x1  }
0x17: {  	s4 =	simm.s32 $0x1BF5;
	[smem:$0x3FB4] =	sst s0  }
0x18: {  	s0 =	sld [smem:$0x3F97];
	_ =	swait.ge [sflag:s4], $0x0  }
0x19: {  	s7 =	sld [smem:$0x3F98]  }
0x1a: {  	s8 =	sadd.s32 $0xFFFFE003, lr  }
0x1b: {  	s9 =	sadd.s32 $0xFFFFFEF7, lr;
	s5 =	simm.s32 $0xFFFFFFFF;
	p2 =	slt.u32 s8, $0xFFFFF086  }
0x1c: {  	p1 =	slt.u32 s9, $0xF7A;
	s5 =	simm.s32 @!p2 $0x0  }
0x1d: {  	s5 =	simm.s32 @p1 $0x1;
	p0 =	seq.s32 s7, s2  }
0x1e: {  	s7 =	smul.u32 @!p0 $0xF7A, s2;
	p2 =	seq.s32 @!p0 s5, $0x0  }
0x1f: {  	s9 =	smul.u32 $0xF7A, s1;
	s8 =	simm.s32 @!p0 $0x1BF5;
	p2 =	por !p2, p0  }
0x20: {  	[sflag:s8] =	ssyncset.s32 @!p0 $0xFFFFF086;
	s6 =	sadd.s32 @!p0 s3, s7;
	s7 =	simm.s32 @!p0 $0x108  }
0x21: {  	s3 =	sadd.s32 s3, s9;
	s6 =	sadd.s32 @!p0 $0x88, s6;
	s7 =	simm.s32 @p2 $0x1082  }
0x22: {  	[simem:s7], [sflag:s8] =	dma.local @!p0 [hbm:s6], $0xF7A  }
0x23: {  	s9 =	sor.u32 $0xD0000000, s2;
	s6 =	simm.s32 $0x108;
	_ =	swait.ge @!p0 [sflag:s8], $0x0  }
0x24: {  	s3 =	sadd.s32 $0x88, s3;
	s6 =	simm.s32 @!p1 $0x1082;
	[sflag:s4] =	ssyncset.s32 $0xFFFFF086  }
0x25: {  	[simem:s6], [sflag:s4] =	dma.local [hbm:s3], $0xF7A  }
0x26: {  	[smem:$0x3F98] =	sst s1;
	(tag) =	ssettag s2;
	_ =	strace s9  }
0x27: {  	s1 =	sld [smem:$0x3FA8]  }
0x28: {  	s2 =	sld [smem:$0x3FA9]  }
0x29: {  	s4 =	sld [smem:$0x3FAB]  }
0x2a: {  	p0 =	seq.s32 s5, $0x0;
	s5 =	sld [smem:$0x3FAC]  }
0x2b: {  	s6 =	sld [smem:$0x3FAD]  }
0x2c: {  	s7 =	sld [smem:$0x3FAE]  }
0x2d: {  	s3 =	simm.s32 $0x108;
	s8 =	sld [smem:$0x3FAF]  }
0x2e: {  	s3 =	simm.s32 @!p0 $0x1082;
	s9 =	sld [smem:$0x3FB0]  }
0x2f: {  	lr =	sadd.s32 s0, s3;
	s0 =	sld [smem:$0x3FA7]  }
0x30: {  	s3 =	sld [smem:$0x3FAA]  }
0x31: {  	[smem:$0x3FB3] =	sst s10  }
0x32: {  	s10 =	sld [smem:$0x3FB1];
	_ =	sdelay $0x3  }
0x33: {  	p0 =	seq.s32 s10, $0x1;
	s10 =	sld [smem:$0x3FB3];
	_ =	sdelay $0x3  }
0x34: {  	[smem:$0x3FB3] =	sst s10  }
0x35: {  	s10 =	sld [smem:$0x3FB2];
	_ =	sdelay $0x3  }
0x36: {  	p1 =	seq.s32 s10, $0x1;
	s10 =	sld [smem:$0x3FB3];
	_ =	sdelay $0x3  }
0x37: {  	[smem:$0x3FB3] =	sst s10  }
0x38: {  	s10 =	sld [smem:$0x3FB4]  }
0x39: {  	_ = 	snop;
	(pc) =	sbr.ind lr, $3  }
0x3a: {  	_ = 	snop  }
0x3b: {  	_ = 	snop  }
0x3c: {  	p2 =	seq.s32 s10, $0x1;
	s10 =	sld [smem:$0x3FB3]  }
0x3d: {  	_ =	shalt  }
0x3e: {  	_ =	shalt  }
0x3f: {  	_ =	shalt  }
0x40: {  	_ =	shalt  }
0x41: {  	_ =	shalt  }
0x42: {  	_ =	shalt  }
0x43: {  	_ =	shalt  }
0x44: {  	_ =	shalt  }
0x45: {  	_ =	shalt  }
0x46: {  	_ =	shalt  }
0x47: {  	_ =	shalt  }
0x48: {  	_ =	shalt  }
0x49: {  	_ =	shalt  }
0x4a: {  	_ =	shalt  }
0x4b: {  	_ =	shalt  }
0x4c: {  	_ =	shalt  }
0x4d: {  	_ =	shalt  }
0x4e: {  	_ =	shalt  }
0x4f: {  	_ =	shalt  }
0x50: {  	_ =	shalt  }
0x51: {  	_ =	shalt  }
0x52: {  	_ =	shalt  }
0x53: {  	_ =	shalt  }
0x54: {  	_ =	shalt  }
0x55: {  	_ =	shalt  }
0x56: {  	_ =	shalt  }
0x57: {  	_ =	shalt  }
0x58: {  	_ =	shalt  }
0x59: {  	_ =	shalt  }
0x5a: {  	_ =	shalt  }
0x5b: {  	_ =	shalt  }
0x5c: {  	_ =	shalt  }
0x5d: {  	_ =	shalt  }
0x5e: {  	_ =	shalt  }
0x5f: {  	_ =	shalt  }
0x60: {  	_ =	shalt  }
0x61: {  	_ =	shalt  }
0x62: {  	_ =	shalt  }
0x63: {  	_ =	shalt  }
0x64: {  	_ =	shalt  }
0x65: {  	_ =	shalt  }
0x66: {  	_ =	shalt  }
0x67: {  	_ =	shalt  }
0x68: {  	_ =	shalt  }
0x69: {  	_ =	shalt  }
0x6a: {  	_ =	shalt  }
0x6b: {  	_ =	shalt  }
0x6c: {  	_ =	shalt  }
0x6d: {  	_ =	shalt  }
0x6e: {  	_ =	shalt  }
0x6f: {  	_ =	shalt  }
0x70: {  	_ =	shalt  }
0x71: {  	_ =	shalt  }
0x72: {  	_ =	shalt  }
0x73: {  	_ =	shalt  }
0x74: {  	_ =	shalt  }
0x75: {  	_ =	shalt  }
0x76: {  	_ =	shalt  }
0x77: {  	_ =	shalt  }
0x78: {  	_ =	shalt  }
0x79: {  	_ =	shalt  }
0x7a: {  	_ =	shalt  }
0x7b: {  	_ =	shalt  }
0x7c: {  	_ =	shalt  }
0x7d: {  	_ =	shalt  }
0x7e: {  	_ =	shalt  }
0x7f: {  	_ =	shalt  }
0x80: {  	_ =	shalt  }
0x81: {  	_ =	shalt  }
0x82: {  	_ =	shalt  }
0x83: {  	_ =	shalt  }
0x84: {  	_ =	shalt  }
0x85: {  	_ =	shalt  }
0x86: {  	_ =	shalt  }
0x87: {  	_ =	shalt  }
.Lfunc_end0:
.L_simem_size_0:
called_computation.1_lowered:
.L_overlay_start_0:
0x88: {  	s2 =	sld [smem:$0x3FD9]  }
0x89: {  	s3 =	sld [smem:$0x3FFE];
	_ =	sdelay $0x1  }
0x8a: {  	s1 =	srdreg.scid  }
0x8b: {  	s0 =	sand.u32 $0x1, s1  }
0x8c: {  	s17 =	sshll.u32 s0, $0xA;
	s2 =	sadd.s32 s3, s2  }
0x8d: {  	s2 =	sadd.s32 s2, s17  }
0x8e: {  	[smem:$0x3FBF] =	sst s2  }
0x8f: {  	_ = 	snop  }
0x90: {  	s18 =	sld [smem:$0x3FD0];
	(tm) =	ssettm $0x1  }
0x91: {  	s19 =	sld [smem:$0x3FFB];
	_ =	sdelay $0x3  }
0x92: {  	_ =	strace s19  }
0x93: {  	s2 =	sld [smem:$0x3FFC];
	_ =	sdelay $0x3  }
0x94: {  	_ =	strace s2  }
0x95: {  	s2 =	sld [smem:$0x3FFD];
	_ =	sdelay $0x3  }
0x96: {  	_ =	strace s2  }
0x97: {  	_ =	strace $0x8FFFFFFF  }
0x98: {  	s20 =	sld [smem:$0x3FDB];
	_ =	sdelay $0x1  }
0x99: {  	s4 =	simm.s32 $_scs_section_size  }
0x9a: {  	s5 =	simm.s32 $_size__tile_overlayer_lowered;
	s6 =	simm.s32 $_tile_overlayer_lowered  }
0x9b: {  	s7 =	simm.s32 $0x1BFF;
	s21 =	sshll.u32 s6, $0x1;
	s4 =	sadd.s32 s4, s20  }
0x9c: {  	s22 =	simm.s32 $0x0;
	s5 =	sshll.u32 s5, $0x1;
	s6 =	sadd.s32 s21, s4  }
0x9d: {  	[timem:s22], [sflag:s7] =	dma.local [hbm:s6], s5  }
0x9e: {  	_ =	swait.ge [sflag:s7], s5  }
0x9f: {  	s5 =	ssub.s32 $0x0, s5;
	[sflag:s7] =	ssyncset.done $0x0  }
0xa0: {  	[sflag:s7] =	ssyncadd.s32 s5;
	_ =	sdelay $0x1  }
0xa1: {  	s23 =	simm.s32 $0x1B8B  }
0xa2: {  	_ =	swait.ge [sflag:s23], $0x1  }
0xa3: {  	[sflag:s23] =	ssyncset.done $0x0  }
0xa4: {  	[sflag:s23] =	ssyncadd.s32 $0xFFFFFFFF  }
0xa5: {  	s5 =	sld [smem:$0x0]  }
0xa6: {  	s6 =	sand.u32 $0xFFFFFFFE, s1  }
0xa7: {  	p0 =	sne.s32 s1, s6  }
0xa8: {  	s6 =	sshll.u32 @p0 s6, $0xE  }
0xa9: {  	s6 =	sadd.s32 @p0 $0x11B8D, s6;
	s7 =	sshll.u32 @p0 s5, $0x11  }
0xaa: {  	s6 =	sor.u32 @p0 s7, s6  }
0xab: {  	[sflag:s6] =	ssyncadd.remote.s32 @p0 $0x1;
	_ =	sdelay $0x1  }
0xac: {  	s6 =	simm.s32 @p0 $0x1B8D  }
0xad: {  	_ =	swait.eq @p0 [sflag:s6], $0x1  }
0xae: {  	[sflag:s6] =	ssyncadd.s32 @p0 $0xFFFFFFFF  }
0xaf: {  	s7 =	sshll.u32 @!p0 s1, $0xE  }
0xb0: {  	s7 =	sor.u32 @!p0 $0x4000, s7;
	s6 =	simm.s32 @!p0 $0x1B8D  }
0xb1: {  	s5 =	sshll.u32 @!p0 s5, $0x11;
	s7 =	sadd.s32 @!p0 $0x11B8D, s7;
	_ =	swait.eq @!p0 [sflag:s6], $0x1  }
0xb2: {  	s5 =	sor.u32 @!p0 s5, s7;
	[sflag:s6] =	ssyncadd.s32 @!p0 $0xFFFFFFFF  }
0xb3: {  	s25 =	simm.s32 $0x1B8E;
	s24 =	sld [smem:$0x3FFE];
	[sflag:s5] =	ssyncadd.remote.s32 @!p0 $0x1  }
0xb4: {  	s26 =	simm.s32 $execute0_lowered;
	[smem:$0x3FD2] =	sst s25  }
0xb5: {  	s6 =	sshll.u32 s26, $0x1;
	_ =	strace $0x80000049;
	[dreg:$0x1] =	wrdreg $0xFFFFFFFF  }
0xb6: {  	s28 =	simm.s32 $_size_execute0_lowered;
	s4 =	sadd.s32 s4, s6;
	[dreg:$0x0] =	wrdreg $0x0  }
0xb7: {  	s6 =	sshll.u32 s28, $0x1;
	[dreg:$0x2] =	wrdreg s4  }
0xb8: {  	[dreg:$0x3] =	wrdreg s6  }
0xb9: {  	[dreg:$0x4] =	wrdreg $0xC0  }
0xba: {  	_ =	task [dreg:s22], $0x5FFFF  }
0xbb: {  	[dreg:$0x1] =	wrdreg $0xFFFFFFFF  }
0xbc: {  	[dreg:$0x0] =	wrdreg $0x60  }
0xbd: {  	[dreg:$0x2] =	wrdreg s18  }
0xbe: {  	[dreg:$0x3] =	wrdreg s24  }
0xbf: {  	[dreg:$0x4] =	wrdreg $0xA  }
0xc0: {  	_ =	task.clear_ibuf [dreg:s22], $0x5FFFF;
	_ =	strace $0x90000049  }
0xc1: {  	s29 =	simm.s32 $0xA;
	_ =	strace $0x8000004B  }
0xc2: {  	_ =	swait.ge [sflag:s29], $0x1  }
0xc3: {  	[sflag:s29] =	ssyncadd.s32 $0xFFFFFFFF  }
0xc4: {  	_ =	strace $0x9000004B  }
0xc5: {  	_ =	sfence  }
0xc6: {  	s30 =	sld [smem:$0x0];
	_ =	sdelay $0x2  }
0xc7: {  	s31 =	sshll.u32 s1, $0xD;
	s1 =	sshrl.u32 s1, $0x2  }
0xc8: {  	s4 =	sand.u32 $0x4000, s31;
	s1 =	sadd.s32 s1, s30  }
0xc9: {  	s0 =	sor.u32 s4, s0;
	s1 =	sshll.u32 s1, $0x11  }
0xca: {  	s0 =	sor.u32 s1, s0  }
0xcb: {  	s0 =	sadd.s32 $0x8F2B, s0  }
0xcc: {  	[sflag:s0] =	ssyncadd.remote.s32 $0x1  }
0xcd: {  	_ =	sfence.sel $0xFFFF  }
0xce: {  	[dreg:$0x0] =	wrdreg $0xFFFFFFFF;
	(pc) =	sbr.abs _section_cstart, $3  }
0xcf: {  	[dreg:$0x1] =	wrdreg $0xFFFFFFFF  }
0xd0: {  	_ =	task.clear_ibuf [dreg:s22], $0x2FFFF;
	_ =	strace $0x9FFFFFFF  }
0xd1: {  	(tm) =	ssettm $0x7FFFFFFF  }
tec
execute0_lowered:
.L_overlay_start_1:
0x0: {  	(tag) =	ssettag $0x1  }
0x1: {  	s1 =	srdreg.scid;
	s0 =	stileid.u32  }
0x2: {  	s29 =	sand.u32 $0x1, s1;
	s31 =	sshll.u32 s0, $0x1  }
0x3: {  	s14 =	sor.u32 s29, s31  }
0x4: {  	s2 =	rddreg [dreg:$0x0];
	s4 =	smul.u32 $0x90, s14  }
0x5: {  	s12 =	rddreg [dreg:$0x1]  }
0x6: {  	s3 =	simm.s32 $0x0;
	s1 =	rddreg [dreg:$0x2];
	s4 =	sand.u32 $0x1F80, s4  }
0x7: {  	[smem:$0x7FF] =	sst s3;
	s4 =	sadd.s32 s4, s12  }
0x8: {  	_ =	strace $0x8000004A;
	s5 =	sadd.s32 $0x93A00, s4;
	s4 =	simm.s32 $0x3  }
0x9: {  	[tilespmem:s3], [sflag:$0x3] =	stream.linear.gather [hbm4b:s5+s3], $0x800, $0x38;
	[tilespmem:$0x8800] =	vst v63  }
0xa: {  	_ =	swait.ge [sflag:s4], $0x800  }
0xb: {  	s7 =	simm.s32 $0x80;
	s6 =	sshll.u32 s14, $0x7;
	[sflag:s4] =	ssyncset.done $0x0  }
0xc: {  	s8 =	simm.s32 $0x800;
	s6 =	sand.u32 $0x380, s6;
	[sflag:s4] =	ssyncadd.s32 $0xFFFFF800  }
0xd: {  	[tilespmem:s8], [sflag:$0x1] =	stream.indirect.gather [hbm4b:s2+s7], $0x80, s6, s7, $0xb8;
	[tilespmem:$0x8800] =	vst v63  }
0xe: {  	s10 =	simm.s32 $0x4800;
	s11 =	simm.s32 $0x1;
	s9 =	sadd.s32 $0x80, s6  }
0xf: {  	[tilespmem:s10], [sflag:$0x2] =	stream.indirect.gather [hbm4b:s2+s7], $0x80, s9, s7, $0xb8;
	[tilespmem:$0x8800] =	vst v63  }
0x10: {  	_ =	swait.ge [sflag:s11], $0x4000  }
0x11: {  	s16 =	sadd.s32 $0x94C00, s12;
	[sflag:s11] =	ssyncset.done $0x0  }
0x12: {  	s13 =	smul.u32 $0x4800, s14;
	s12 =	sadd.s32 $0x100, s6;
	[sflag:s11] =	ssyncadd.s32 $0xFFFFC000  }
0x13: {  	[tilespmem:s8], [sflag:$0x1] =	stream.indirect.gather [hbm4b:s2+s7], $0x80, s12, s7, $0xb8;
	[tilespmem:$0x8800] =	vst v63  }
0x14: {  	s13 =	sadd.s32 s16, s13  }
0x15: {  	[hbm4b:s13+s3] =	stream.linear.scatter [tilespmem:s8], [sflag:$0x3], $0x4000, $0x38;
	[tilespmem:$0x8800] =	vst v63  }
0x16: {  	_ =	swait.ge [sflag:s4], $0x4000  }
0x17: {  	[sflag:s4] =	ssyncset.done $0x0  }
0x18: {  	s15 =	smul.u32 $0x24000, s14;
	s14 =	simm.s32 $0x2;
	[sflag:s4] =	ssyncadd.s32 $0xFFFFC000  }
0x19: {  	_ =	swait.ge [sflag:s14], $0x4000  }
0x1a: {  	s17 =	sshrl.u32 s15, $0x3;
	[sflag:s14] =	ssyncset.done $0x0  }
0x1b: {  	s15 =	sadd.s32 $0x180, s6;
	s30 =	sadd.s32 s16, s17;
	[sflag:s14] =	ssyncadd.s32 $0xFFFFC000  }
0x1c: {  	[tilespmem:s10], [sflag:$0x2] =	stream.indirect.gather [hbm4b:s2+s7], $0x80, s15, s7, $0xb8;
	[tilespmem:$0x8800] =	vst v63  }
0x1d: {  	s16 =	sadd.s32 $0x800, s30  }
0x1e: {  	[hbm4b:s16+s3] =	stream.linear.scatter [tilespmem:s10], [sflag:$0x3], $0x4000, $0x38;
	[tilespmem:$0x8800] =	vst v63  }
0x1f: {  	_ =	swait.ge [sflag:s4], $0x4000  }
0x20: {  	[sflag:s4] =	ssyncset.done $0x0  }
0x21: {  	[sflag:s4] =	ssyncadd.s32 $0xFFFFC000  }
0x22: {  	_ =	swait.ge [sflag:s11], $0x4000  }
0x23: {  	[sflag:s11] =	ssyncset.done $0x0  }
0x24: {  	s17 =	sadd.s32 $0x200, s6;
	[sflag:s11] =	ssyncadd.s32 $0xFFFFC000  }
0x25: {  	[tilespmem:s8], [sflag:$0x1] =	stream.indirect.gather [hbm4b:s2+s7], $0x80, s17, s7, $0xb8;
	[tilespmem:$0x8800] =	vst v63  }
0x26: {  	s18 =	sadd.s32 $0x1000, s30  }
0x27: {  	[hbm4b:s18+s3] =	stream.linear.scatter [tilespmem:s8], [sflag:$0x3], $0x4000, $0x38;
	[tilespmem:$0x8800] =	vst v63  }
0x28: {  	_ =	swait.ge [sflag:s4], $0x4000  }
0x29: {  	[sflag:s4] =	ssyncset.done $0x0  }
0x2a: {  	[sflag:s4] =	ssyncadd.s32 $0xFFFFC000  }
0x2b: {  	_ =	swait.ge [sflag:s14], $0x4000  }
0x2c: {  	[sflag:s14] =	ssyncset.done $0x0  }
0x2d: {  	s19 =	sadd.s32 $0x280, s6;
	[sflag:s14] =	ssyncadd.s32 $0xFFFFC000  }
0x2e: {  	[tilespmem:s10], [sflag:$0x2] =	stream.indirect.gather [hbm4b:s2+s7], $0x80, s19, s7, $0xb8;
	[tilespmem:$0x8800] =	vst v63  }
0x2f: {  	s20 =	sadd.s32 $0x1800, s30  }
0x30: {  	[hbm4b:s20+s3] =	stream.linear.scatter [tilespmem:s10], [sflag:$0x3], $0x4000, $0x38;
	[tilespmem:$0x8800] =	vst v63  }
0x31: {  	_ =	swait.ge [sflag:s4], $0x4000  }
0x32: {  	[sflag:s4] =	ssyncset.done $0x0  }
0x33: {  	[sflag:s4] =	ssyncadd.s32 $0xFFFFC000  }
0x34: {  	_ =	swait.ge [sflag:s11], $0x4000  }
0x35: {  	[sflag:s11] =	ssyncset.done $0x0  }
0x36: {  	s21 =	sadd.s32 $0x300, s6;
	[sflag:s11] =	ssyncadd.s32 $0xFFFFC000  }
0x37: {  	[tilespmem:s8], [sflag:$0x1] =	stream.indirect.gather [hbm4b:s2+s7], $0x80, s21, s7, $0xb8;
	[tilespmem:$0x8800] =	vst v63  }
0x38: {  	s22 =	sadd.s32 $0x2000, s30  }
0x39: {  	[hbm4b:s22+s3] =	stream.linear.scatter [tilespmem:s8], [sflag:$0x3], $0x4000, $0x38;
	[tilespmem:$0x8800] =	vst v63  }
0x3a: {  	_ =	swait.ge [sflag:s4], $0x4000  }
0x3b: {  	[sflag:s4] =	ssyncset.done $0x0  }
0x3c: {  	[sflag:s4] =	ssyncadd.s32 $0xFFFFC000  }
0x3d: {  	_ =	swait.ge [sflag:s14], $0x4000  }
0x3e: {  	[sflag:s14] =	ssyncset.done $0x0  }
0x3f: {  	s23 =	sadd.s32 $0x380, s6;
	[sflag:s14] =	ssyncadd.s32 $0xFFFFC000  }
0x40: {  	[tilespmem:s10], [sflag:$0x2] =	stream.indirect.gather [hbm4b:s2+s7], $0x80, s23, s7, $0xb8;
	[tilespmem:$0x8800] =	vst v63  }
0x41: {  	s24 =	sadd.s32 $0x2800, s30  }
0x42: {  	[hbm4b:s24+s3] =	stream.linear.scatter [tilespmem:s10], [sflag:$0x3], $0x4000, $0x38;
	[tilespmem:$0x8800] =	vst v63  }
0x43: {  	_ =	swait.ge [sflag:s4], $0x4000  }
0x44: {  	[sflag:s4] =	ssyncset.done $0x0  }
0x45: {  	[sflag:s4] =	ssyncadd.s32 $0xFFFFC000  }
0x46: {  	_ =	swait.ge [sflag:s11], $0x4000  }
0x47: {  	[sflag:s11] =	ssyncset.done $0x0  }
0x48: {  	s25 =	sor.u32 $0x400, s6;
	[sflag:s11] =	ssyncadd.s32 $0xFFFFC000  }
0x49: {  	[tilespmem:s8], [sflag:$0x1] =	stream.indirect.gather [hbm4b:s2+s7], $0x80, s25, s7, $0xb8;
	[tilespmem:$0x8800] =	vst v63  }
0x4a: {  	s26 =	sadd.s32 $0x3000, s30  }
0x4b: {  	[hbm4b:s26+s3] =	stream.linear.scatter [tilespmem:s8], [sflag:$0x3], $0x4000, $0x38;
	[tilespmem:$0x8800] =	vst v63  }
0x4c: {  	_ =	swait.ge [sflag:s4], $0x4000  }
0x4d: {  	[sflag:s4] =	ssyncset.done $0x0  }
0x4e: {  	[sflag:s4] =	ssyncadd.s32 $0xFFFFC000  }
0x4f: {  	_ =	swait.ge [sflag:s14], $0x4000  }
0x50: {  	[sflag:s14] =	ssyncset.done $0x0  }
0x51: {  	s29 =	ssub.s32 $0x2, s29;
	s28 =	sadd.s32 $0x3800, s30;
	[sflag:s14] =	ssyncadd.s32 $0xFFFFC000  }
0x52: {  	[hbm4b:s28+s3] =	stream.linear.scatter [tilespmem:s10], [sflag:$0x3], $0x4000, $0x38;
	[tilespmem:$0x8800] =	vst v63  }
0x53: {  	s31 =	sshrl.u32 s29, $0x1;
	_ =	swait.ge [sflag:s4], $0x4000  }
0x54: {  	s31 =	ssub.s32 s29, s31;
	[sflag:s4] =	ssyncset.done $0x0  }
0x55: {  	s29 =	sadd.s32 $0x4000, s30;
	s30 =	smax.u32 s31, $0x1;
	[sflag:s4] =	ssyncadd.s32 $0xFFFFC000  }
0x56: {  	p0 =	sne.s32 s30, $0x1;
	_ =	swait.ge [sflag:s11], $0x4000  }
.Ltmp0:
0x57: {  	[sflag:s11] =	ssyncset.done $0x0;
	(pc) =	sbr.rel @!p0 .LBB2_2-.Ltmp0, $4  }
0x58: {  	[sflag:s11] =	ssyncadd.s32 $0xFFFFC000  }
0x59: {  	[hbm4b:s29+s3] =	stream.linear.scatter [tilespmem:s8], [sflag:$0x3], $0x4000, $0x38;
	[tilespmem:$0x8800] =	vst v63  }
0x5a: {  	_ =	swait.ge [sflag:s4], $0x4000  }
0x5b: {  	s30 =	sadd.s32 $0xFFFFFFFF, s30;
	[sflag:s4] =	ssyncset.done $0x0  }
.LBB2_1:
0x5c: {  	p0 =	sne.s32 s30, $0x1;
	s30 =	sadd.s32 $0xFFFFFFFF, s30;
	[sflag:s4] =	ssyncadd.s32 $0xFFFFC000  }
0x5d: {  	[tilespmem:s3], [sflag:$0x3] =	stream.linear.gather [hbm4b:s5+s3], $0x800, $0x38;
	[tilespmem:$0x8800] =	vst v63  }
0x5e: {  	_ =	swait.ge [sflag:s4], $0x800  }
0x5f: {  	[sflag:s4] =	ssyncset.done $0x0  }
0x60: {  	[sflag:s4] =	ssyncadd.s32 $0xFFFFF800  }
0x61: {  	[tilespmem:s8], [sflag:$0x1] =	stream.indirect.gather [hbm4b:s2+s7], $0x80, s6, s7, $0xb8;
	[tilespmem:$0x8800] =	vst v63  }
0x62: {  	_ = 	snop  }
0x63: {  	[tilespmem:s10], [sflag:$0x2] =	stream.indirect.gather [hbm4b:s2+s7], $0x80, s9, s7, $0xb8;
	[tilespmem:$0x8800] =	vst v63  }
0x64: {  	_ =	swait.ge [sflag:s11], $0x4000  }
0x65: {  	[sflag:s11] =	ssyncset.done $0x0  }
0x66: {  	[sflag:s11] =	ssyncadd.s32 $0xFFFFC000  }
0x67: {  	[tilespmem:s8], [sflag:$0x1] =	stream.indirect.gather [hbm4b:s2+s7], $0x80, s12, s7, $0xb8;
	[tilespmem:$0x8800] =	vst v63  }
0x68: {  	_ = 	snop  }
0x69: {  	[hbm4b:s13+s3] =	stream.linear.scatter [tilespmem:s8], [sflag:$0x3], $0x4000, $0x38;
	[tilespmem:$0x8800] =	vst v63  }
0x6a: {  	_ =	swait.ge [sflag:s4], $0x4000  }
0x6b: {  	[sflag:s4] =	ssyncset.done $0x0  }
0x6c: {  	[sflag:s4] =	ssyncadd.s32 $0xFFFFC000  }
0x6d: {  	_ =	swait.ge [sflag:s14], $0x4000  }
0x6e: {  	[sflag:s14] =	ssyncset.done $0x0  }
0x6f: {  	[sflag:s14] =	ssyncadd.s32 $0xFFFFC000  }
0x70: {  	[tilespmem:s10], [sflag:$0x2] =	stream.indirect.gather [hbm4b:s2+s7], $0x80, s15, s7, $0xb8;
	[tilespmem:$0x8800] =	vst v63  }
0x71: {  	_ = 	snop  }
0x72: {  	[hbm4b:s16+s3] =	stream.linear.scatter [tilespmem:s10], [sflag:$0x3], $0x4000, $0x38;
	[tilespmem:$0x8800] =	vst v63  }
0x73: {  	_ =	swait.ge [sflag:s4], $0x4000  }
0x74: {  	[sflag:s4] =	ssyncset.done $0x0  }
0x75: {  	[sflag:s4] =	ssyncadd.s32 $0xFFFFC000  }
0x76: {  	_ =	swait.ge [sflag:s11], $0x4000  }
0x77: {  	[sflag:s11] =	ssyncset.done $0x0  }
0x78: {  	[sflag:s11] =	ssyncadd.s32 $0xFFFFC000  }
0x79: {  	[tilespmem:s8], [sflag:$0x1] =	stream.indirect.gather [hbm4b:s2+s7], $0x80, s17, s7, $0xb8;
	[tilespmem:$0x8800] =	vst v63  }
0x7a: {  	_ = 	snop  }
0x7b: {  	[hbm4b:s18+s3] =	stream.linear.scatter [tilespmem:s8], [sflag:$0x3], $0x4000, $0x38;
	[tilespmem:$0x8800] =	vst v63  }
0x7c: {  	_ =	swait.ge [sflag:s4], $0x4000  }
0x7d: {  	[sflag:s4] =	ssyncset.done $0x0  }
0x7e: {  	[sflag:s4] =	ssyncadd.s32 $0xFFFFC000  }
0x7f: {  	_ =	swait.ge [sflag:s14], $0x4000  }
0x80: {  	[sflag:s14] =	ssyncset.done $0x0  }
0x81: {  	[sflag:s14] =	ssyncadd.s32 $0xFFFFC000  }
0x82: {  	[tilespmem:s10], [sflag:$0x2] =	stream.indirect.gather [hbm4b:s2+s7], $0x80, s19, s7, $0xb8;
	[tilespmem:$0x8800] =	vst v63  }
0x83: {  	_ = 	snop  }
0x84: {  	[hbm4b:s20+s3] =	stream.linear.scatter [tilespmem:s10], [sflag:$0x3], $0x4000, $0x38;
	[tilespmem:$0x8800] =	vst v63  }
0x85: {  	_ =	swait.ge [sflag:s4], $0x4000  }
0x86: {  	[sflag:s4] =	ssyncset.done $0x0  }
0x87: {  	[sflag:s4] =	ssyncadd.s32 $0xFFFFC000  }
0x88: {  	_ =	swait.ge [sflag:s11], $0x4000  }
0x89: {  	[sflag:s11] =	ssyncset.done $0x0  }
0x8a: {  	[sflag:s11] =	ssyncadd.s32 $0xFFFFC000  }
0x8b: {  	[tilespmem:s8], [sflag:$0x1] =	stream.indirect.gather [hbm4b:s2+s7], $0x80, s21, s7, $0xb8;
	[tilespmem:$0x8800] =	vst v63  }
0x8c: {  	_ = 	snop  }
0x8d: {  	[hbm4b:s22+s3] =	stream.linear.scatter [tilespmem:s8], [sflag:$0x3], $0x4000, $0x38;
	[tilespmem:$0x8800] =	vst v63  }
0x8e: {  	_ =	swait.ge [sflag:s4], $0x4000  }
0x8f: {  	[sflag:s4] =	ssyncset.done $0x0  }
0x90: {  	[sflag:s4] =	ssyncadd.s32 $0xFFFFC000  }
0x91: {  	_ =	swait.ge [sflag:s14], $0x4000  }
0x92: {  	[sflag:s14] =	ssyncset.done $0x0  }
0x93: {  	[sflag:s14] =	ssyncadd.s32 $0xFFFFC000  }
0x94: {  	[tilespmem:s10], [sflag:$0x2] =	stream.indirect.gather [hbm4b:s2+s7], $0x80, s23, s7, $0xb8;
	[tilespmem:$0x8800] =	vst v63  }
0x95: {  	_ = 	snop  }
0x96: {  	[hbm4b:s24+s3] =	stream.linear.scatter [tilespmem:s10], [sflag:$0x3], $0x4000, $0x38;
	[tilespmem:$0x8800] =	vst v63  }
0x97: {  	_ =	swait.ge [sflag:s4], $0x4000  }
0x98: {  	[sflag:s4] =	ssyncset.done $0x0  }
0x99: {  	[sflag:s4] =	ssyncadd.s32 $0xFFFFC000  }
0x9a: {  	_ =	swait.ge [sflag:s11], $0x4000  }
0x9b: {  	[sflag:s11] =	ssyncset.done $0x0  }
0x9c: {  	[sflag:s11] =	ssyncadd.s32 $0xFFFFC000  }
0x9d: {  	[tilespmem:s8], [sflag:$0x1] =	stream.indirect.gather [hbm4b:s2+s7], $0x80, s25, s7, $0xb8;
	[tilespmem:$0x8800] =	vst v63  }
0x9e: {  	_ = 	snop  }
0x9f: {  	[hbm4b:s26+s3] =	stream.linear.scatter [tilespmem:s8], [sflag:$0x3], $0x4000, $0x38;
	[tilespmem:$0x8800] =	vst v63  }
0xa0: {  	_ =	swait.ge [sflag:s4], $0x4000  }
0xa1: {  	[sflag:s4] =	ssyncset.done $0x0  }
0xa2: {  	[sflag:s4] =	ssyncadd.s32 $0xFFFFC000  }
0xa3: {  	_ =	swait.ge [sflag:s14], $0x4000  }
0xa4: {  	[sflag:s14] =	ssyncset.done $0x0  }
0xa5: {  	[sflag:s14] =	ssyncadd.s32 $0xFFFFC000  }
0xa6: {  	[hbm4b:s28+s3] =	stream.linear.scatter [tilespmem:s10], [sflag:$0x3], $0x4000, $0x38;
	[tilespmem:$0x8800] =	vst v63  }
0xa7: {  	_ =	swait.ge [sflag:s4], $0x4000  }
0xa8: {  	[sflag:s4] =	ssyncset.done $0x0  }
0xa9: {  	[sflag:s4] =	ssyncadd.s32 $0xFFFFC000  }
0xaa: {  	_ =	swait.ge [sflag:s11], $0x4000  }
.Ltmp1:
0xab: {  	[sflag:s11] =	ssyncset.done $0x0;
	(pc) =	sbr.rel @p0 .LBB2_1-.Ltmp1, $4  }
0xac: {  	[sflag:s11] =	ssyncadd.s32 $0xFFFFC000  }
0xad: {  	[hbm4b:s29+s3] =	stream.linear.scatter [tilespmem:s8], [sflag:$0x3], $0x4000, $0x38;
	[tilespmem:$0x8800] =	vst v63  }
0xae: {  	_ =	swait.ge [sflag:s4], $0x4000  }
0xaf: {  	[sflag:s4] =	ssyncset.done $0x0  }
.LBB2_2:
0xb0: {  	[sflag:s4] =	ssyncadd.s32 $0xFFFFC000  }
0xb1: {  	_ =	sfence.sel $0x180000  }
0xb2: {  	[bflag:$0x0] =	sbarrier.arrive $0xFFFF  }
0xb3: {  	p0 =	sne.s32 s0, $0x0;
	_ =	strace $0x9000004A  }
0xb4: {  	s0 =	sadd.s32 @!p0 $0x100000, s1;
	[bflag:$0x2] =	sbarrier.arrive $0xFFFF  }
0xb5: {  	[sflag:s0] =	ssyncadd.tile.s32 @!p0 $0x1;
	_ =	shalt  }
.Lfunc_end2:
_tile_overlayer_lowered:
.L_overlay_start_2:
0xb6: {  	(tag) =	ssettag $0x2  }
0xb7: {  	s0 =	rddreg [dreg:$0x0];
	s2 =	stileid.u32  }
0xb8: {  	s1 =	rddreg [dreg:$0x1];
	p0 =	sne.s32 s2, $0x0  }
0xb9: {  	s3 =	rddreg [dreg:$0x2];
	[bflag:$0x3] =	sbarrier.arrive $0xFFFF;
	s2 =	simm.s32 @!p0 $0x1C03  }
0xba: {  	[timem:s3], [sflag:s2] =	dma.local @!p0 [hbm:s0], s1  }
0xbb: {  	s0 =	simm.s32 @!p0 $0x3  }
0xbc: {  	_ =	swait.ge @!p0 [sflag:s0], s1  }
0xbd: {  	s1 =	ssub.s32 @!p0 $0x0, s1;
	[sflag:s0] =	ssyncset.done @!p0 $0x0  }
0xbe: {  	[sflag:s0] =	ssyncadd.s32 @!p0 s1  }
0xbf: {  	[bflag:$0x3] =	sbarrier.arrive $0xFFFF  }
0xc0: {  	_ =	shalt  }

</sc_bundles>
